<compile_context>
chip_gen: v7x
topology: tpu7x:2x2x1
jax: 0.10.2.dev20260603
libtpu: 0.0.44.dev20260713+nightly
codegen_flags: <defaults>
</compile_context>

<pallas_src>
import functools

import jax
import jax.numpy as jnp
from jax import lax
from jax.experimental import pallas as pl
from jax.experimental.pallas import tpu as pltpu
from jax.experimental.pallas import tpu_sc as plsc

N = 10000
NPAD = 10112
E = 320000
NC = 2
NS = 16
CH = 80
DEG_NBUF = 5
SCH = 80
NPT = NPAD // NS
ROW_CHUNKS = (128, 128, 128, 128, 120)
ROW_CH = 128

_MESH = dict(core_axis_name="c", subcore_axis_name="s")


@functools.partial(
    pl.kernel,
    mesh=plsc.VectorSubcoreMesh(**_MESH),
    out_type=jax.ShapeDtypeStruct((NC, NPAD, 128), jnp.float32),
    scratch_types=[
        pltpu.VMEM((DEG_NBUF, CH), jnp.int32),
        pltpu.VMEM((CH, 128), jnp.float32),
        pltpu.VMEM((ROW_CH, 128), jnp.float32),
        pltpu.VMEM_SHARED((NPAD, 128), jnp.float32),
    ] + [pltpu.SemaphoreType.DMA] * DEG_NBUF,
)
def _deg_kernel(dst_hbm, deg_hbm, idx_d, ones_v, stage, sh_deg, *sems):
    c = lax.axis_index("c")
    s = lax.axis_index("s")
    ept = E // (NC * NS)
    nb = ept // CH // DEG_NBUF

    one_row = jnp.where(
        lax.broadcasted_iota(jnp.int32, (16,), 0) == 0, 1.0, 0.0
    ).astype(jnp.float32)
    zero = jnp.zeros((16,), jnp.float32)

    def ofill(i, _):
        ones_v[i // 8, pl.ds((i % 8) * 16, 16)] = jnp.where(
            i % 8 == 0, one_row, zero)
        return 0

    lax.fori_loop(0, CH * 8, ofill, 0)

    def zfill(i, _):
        stage[i // 8, pl.ds((i % 8) * 16, 16)] = zero
        return 0

    lax.fori_loop(0, ROW_CH * 8, zfill, 0)
    row0 = s * NPT
    for n in ROW_CHUNKS:
        pltpu.sync_copy(stage.at[pl.ds(0, n)], sh_deg.at[pl.ds(row0, n)])
        row0 += n
    plsc.subcore_barrier()

    wid = s * NC + c

    def body(k2, _):
        for b in range(DEG_NBUF):
            base = wid * ept + (k2 * DEG_NBUF + b) * CH
            pltpu.sync_copy(dst_hbm.at[pl.ds(base, CH)], idx_d.at[b])
            pltpu.async_copy(ones_v, sh_deg.at[idx_d.at[b]], sems[b],
                             add=True)
        for b in range(DEG_NBUF):
            pltpu.make_async_copy(ones_v, sh_deg.at[idx_d.at[b]],
                                  sems[b]).wait()
        return 0

    lax.fori_loop(0, nb, body, 0)
    plsc.subcore_barrier()

    row0 = s * NPT
    for n in ROW_CHUNKS:
        pltpu.sync_copy(sh_deg.at[pl.ds(row0, n)], stage.at[pl.ds(0, n)])
        pltpu.sync_copy(stage.at[pl.ds(0, n)], deg_hbm.at[c].at[pl.ds(row0, n)])
        row0 += n


def _make_spmm(channel_split):
    D = 128
    ept = E // NS if channel_split else E // (NC * NS)
    nchunk = ept // SCH

    @functools.partial(
        pl.kernel,
        mesh=plsc.VectorSubcoreMesh(**_MESH),
        out_type=jax.ShapeDtypeStruct((NC, NPAD, D), jnp.float32),
        scratch_types=[
            pltpu.VMEM((SCH,), jnp.int32),
            pltpu.VMEM((SCH,), jnp.int32),
            pltpu.VMEM((SCH, D), jnp.float32),
            pltpu.VMEM((ROW_CH, D), jnp.float32),
            pltpu.VMEM_SHARED((NPAD, D), jnp.float32),
        ],
    )
    def spmm(u_hbm, src_hbm, dst_hbm, agg_hbm, idx_s, idx_d, rows, stage,
             sh_agg):
        c = lax.axis_index("c")
        s = lax.axis_index("s")

        zero = jnp.zeros((16,), jnp.float32)

        def zfill(i, _):
            stage[i // 8, pl.ds((i % 8) * 16, 16)] = zero
            return 0

        lax.fori_loop(0, ROW_CH * 8, zfill, 0)
        row0 = s * NPT
        for n in ROW_CHUNKS:
            pltpu.sync_copy(stage.at[pl.ds(0, n)], sh_agg.at[pl.ds(row0, n)])
            row0 += n
        plsc.subcore_barrier()

        table = u_hbm.at[c] if channel_split else u_hbm
        wid = s if channel_split else s * NC + c

        def body(k, _):
            base = wid * ept + k * SCH
            pltpu.sync_copy(src_hbm.at[pl.ds(base, SCH)], idx_s)
            pltpu.sync_copy(dst_hbm.at[pl.ds(base, SCH)], idx_d)
            pltpu.sync_copy(table.at[idx_s], rows)
            pltpu.sync_copy(rows, sh_agg.at[idx_d], add=True)
            return 0

        lax.fori_loop(0, nchunk, body, 0)
        plsc.subcore_barrier()

        row0 = s * NPT
        for n in ROW_CHUNKS:
            pltpu.sync_copy(sh_agg.at[pl.ds(row0, n)], stage.at[pl.ds(0, n)])
            pltpu.sync_copy(stage.at[pl.ds(0, n)],
                            agg_hbm.at[c].at[pl.ds(row0, n)])
            row0 += n

    return spmm


_spmm_l1 = _make_spmm(True)
_spmm_l2 = _make_spmm(False)


BLK = 1264


def _tc1(x, W1, degp):
    def body(x_ref, w_ref, deg_ref, u_ref, dinv_ref):
        deg = deg_ref[0, :, 0:1] + deg_ref[1, :, 0:1] + 1.0
        dinv = lax.rsqrt(deg)
        h = jnp.dot(x_ref[...], w_ref[...], preferred_element_type=jnp.float32)
        u = h * dinv
        u_ref[0] = u[:, :128]
        u_ref[1] = u[:, 128:]
        dinv_ref[...] = dinv

    return pl.pallas_call(
        body,
        grid=(NPAD // BLK,),
        in_specs=[
            pl.BlockSpec((BLK, 128), lambda i: (i, 0)),
            pl.BlockSpec((128, 256), lambda i: (0, 0)),
            pl.BlockSpec((2, BLK, 128), lambda i: (0, i, 0)),
        ],
        out_specs=[
            pl.BlockSpec((2, BLK, 128), lambda i: (0, i, 0)),
            pl.BlockSpec((BLK, 1), lambda i: (i, 0)),
        ],
        out_shape=[
            jax.ShapeDtypeStruct((2, NPAD, 128), jnp.float32),
            jax.ShapeDtypeStruct((NPAD, 1), jnp.float32),
        ],
    )(x, W1, degp)


def _tc2(agg1, u1, dinv, b1, W2):
    def body(agg_ref, u_ref, dinv_ref, b_ref, w_ref, u2_ref):
        dinv = dinv_ref[...]
        m = jnp.concatenate(
            [agg_ref[0] + u_ref[0], agg_ref[1] + u_ref[1]], axis=1)
        z = jnp.maximum(dinv * m + b_ref[...], 0.0)
        h2 = jnp.dot(z, w_ref[...], preferred_element_type=jnp.float32)
        u2_ref[...] = dinv * h2

    return pl.pallas_call(
        body,
        grid=(NPAD // BLK,),
        in_specs=[
            pl.BlockSpec((2, BLK, 128), lambda i: (0, i, 0)),
            pl.BlockSpec((2, BLK, 128), lambda i: (0, i, 0)),
            pl.BlockSpec((BLK, 1), lambda i: (i, 0)),
            pl.BlockSpec((1, 256), lambda i: (0, 0)),
            pl.BlockSpec((256, 128), lambda i: (0, 0)),
        ],
        out_specs=pl.BlockSpec((BLK, 128), lambda i: (i, 0)),
        out_shape=jax.ShapeDtypeStruct((NPAD, 128), jnp.float32),
    )(agg1, u1, dinv, b1, W2)


def _tc3(agg2, u2, dinv, b2):
    def body(agg_ref, u_ref, dinv_ref, b_ref, out_ref):
        m = agg_ref[0] + agg_ref[1] + u_ref[...]
        out_ref[...] = dinv_ref[...] * m + b_ref[...]

    return pl.pallas_call(
        body,
        grid=(NPAD // BLK,),
        in_specs=[
            pl.BlockSpec((2, BLK, 128), lambda i: (0, i, 0)),
            pl.BlockSpec((BLK, 128), lambda i: (i, 0)),
            pl.BlockSpec((BLK, 1), lambda i: (i, 0)),
            pl.BlockSpec((1, 128), lambda i: (0, 0)),
        ],
        out_specs=pl.BlockSpec((BLK, 128), lambda i: (i, 0)),
        out_shape=jax.ShapeDtypeStruct((NPAD, 128), jnp.float32),
    )(agg2, u2, dinv, b2)


def kernel(x, edge_index, W1, b1, W2, b2):
    src = edge_index[0].astype(jnp.int32)
    dst = edge_index[1].astype(jnp.int32)
    xp = jnp.concatenate(
        [x, jnp.zeros((NPAD - N, x.shape[1]), x.dtype)], axis=0)
    degp = _deg_kernel(dst)
    u1, dinv = _tc1(xp, W1, degp)
    agg1 = _spmm_l1(u1, src, dst)
    u2 = _tc2(agg1, u1, dinv, b1.reshape(1, -1), W2)
    agg2 = _spmm_l2(u2, src, dst)
    return _tc3(agg2, u2, dinv, b2.reshape(1, -1))[:N]

# --- scband reference (transcript-rebuilt; emitter-appended) ---
"""Pipeline reference for scband-gcnencoder-12472585028060 (READ-ONLY COPY).

The authoritative reference and input builder live on the scoring server;
editing this copy changes nothing except your own understanding.
"""

import jax, jax.numpy as jnp
import numpy as np

N_NODES = 10000
N_EDGES = 320000
IN_CH = 128
OUT_CH = 128
HID = 2 * OUT_CH


def setup_inputs(seed: int = 0) -> dict:
    key = jax.random.key(seed)
    k_x, k_e, k_w1, k_b1, k_w2, k_b2 = jax.random.split(key, 6)
    x = jax.random.normal(k_x, (N_NODES, IN_CH), dtype=jnp.float32)
    edge_index = jax.random.randint(k_e, (2, N_EDGES), 0, N_NODES, dtype=jnp.int64)
    s1 = 1.0 / np.sqrt(IN_CH)
    s2 = 1.0 / np.sqrt(HID)
    W1 = jax.random.uniform(k_w1, (IN_CH, HID), dtype=jnp.float32, minval=-s1, maxval=s1)
    b1 = jax.random.uniform(k_b1, (HID,), dtype=jnp.float32, minval=-s1, maxval=s1)
    W2 = jax.random.uniform(k_w2, (HID, OUT_CH), dtype=jnp.float32, minval=-s2, maxval=s2)
    b2 = jax.random.uniform(k_b2, (OUT_CH,), dtype=jnp.float32, minval=-s2, maxval=s2)
    return {"x": x, "edge_index": edge_index, "W1": W1, "b1": b1, "W2": W2, "b2": b2}


def _gcn_conv(x, src, dst, W, b, n_nodes):
    # PyG GCNConv: add self-loops, symmetric normalization, scatter-add to dst, bias.
    loop = jnp.arange(n_nodes, dtype=src.dtype)
    src_f = jnp.concatenate([src, loop])
    dst_f = jnp.concatenate([dst, loop])
    deg = jnp.zeros((n_nodes,), dtype=x.dtype).at[dst_f].add(1.0)
    dinv = jnp.where(deg > 0, jax.lax.rsqrt(deg), 0.0)
    norm = dinv[src_f] * dinv[dst_f]
    h = x @ W
    msg = h[src_f] * norm[:, None]
    out = jnp.zeros((n_nodes, h.shape[1]), dtype=h.dtype).at[dst_f].add(msg)
    return out + b


def reference(x, edge_index, W1, b1, W2, b2):
    # Eval mode: F.dropout with training=False is identity.
    src, dst = edge_index[0], edge_index[1]
    h = _gcn_conv(x, src, dst, W1, b1, N_NODES)
    h = jax.nn.relu(h)
    out = _gcn_conv(h, src, dst, W2, b2, N_NODES)
    return out

if __name__ == "__main__":
    import jax
    _d = setup_inputs()
    print(jax.jit(kernel)(*tuple(_d.values())))

</pallas_src>

<mosaic_0001>
#map = affine_map<(d0, d1) -> (0, 0, 0)>
#map1 = affine_map<(d0, d1) -> (0)>
module attributes {stable_mosaic.version = 14 : i64} {
  func.func @spmm(%arg0: i32, %arg1: i32, %arg2: memref<2x10112x128xf32, #tpu.memory_space<hbm>>, %arg3: memref<320000xi32, #tpu.memory_space<hbm>>, %arg4: memref<320000xi32, #tpu.memory_space<hbm>>, %arg5: memref<2x10112x128xf32, #tpu.memory_space<hbm>>, %arg6: memref<80xi32, #tpu.memory_space<vmem>>, %arg7: memref<80xi32, #tpu.memory_space<vmem>>, %arg8: memref<80x128xf32, #tpu.memory_space<vmem>>, %arg9: memref<128x128xf32, #tpu.memory_space<vmem>>, %arg10: memref<10112x128xf32, #tpu.memory_space<vmem_shared>>) attributes {dimension_semantics = [#tpu.dimension_semantics<core_parallel>, #tpu.dimension_semantics<subcore_parallel>], iteration_bounds = array<i64: 2, 16>, scalar_prefetch = 0 : i64, scratch_operands = 5 : i64, tpu.core_type = #tpu.core_type<sc_vector_subcore>, window_params = [{transform_indices = #map}, {transform_indices = #map1}, {transform_indices = #map1}, {transform_indices = #map}]} {
    %broadcast_in_dim3A = arith.constant 0.000000e+00 : f32
    %broadcast_in_dim3A_0 = vector.broadcast %broadcast_in_dim3A : f32 to vector<16xf32>
    %scan3A = arith.constant 0 : i32
    %scan3A_1 = arith.constant 0 : i32
    %scan3A_2 = arith.constant 1024 : i32
    %scan3A_3 = arith.addi %scan3A_1, %scan3A_2 : i32
    %scan3A_4 = arith.constant 1 : i32
    %scan3A_5 = scf.for %scan3A_37 = %scan3A_1 to %scan3A_3 step %scan3A_4 iter_args(%scan3A_38 = %scan3A) -> (i32)  : i32 {
      %jit3A = arith.constant 8 : i32
      %div3A = arith.divsi %scan3A_37, %jit3A : i32
      %sign3A = arith.constant 0 : i32
      %sign3A_39 = arith.cmpi sgt, %scan3A_37, %sign3A : i32
      %sign3A_40 = arith.extui %sign3A_39 : i1 to i32
      %sign3A_41 = arith.constant 0 : i32
      %sign3A_42 = arith.cmpi slt, %scan3A_37, %sign3A_41 : i32
      %sign3A_43 = arith.extui %sign3A_42 : i1 to i32
      %sign3A_44 = arith.subi %sign3A_40, %sign3A_43 : i32
      %sign3A_45 = arith.constant 0 : i32
      %sign3A_46 = arith.cmpi sgt, %jit3A, %sign3A_45 : i32
      %sign3A_47 = arith.extui %sign3A_46 : i1 to i32
      %sign3A_48 = arith.constant 0 : i32
      %sign3A_49 = arith.cmpi slt, %jit3A, %sign3A_48 : i32
      %sign3A_50 = arith.extui %sign3A_49 : i1 to i32
      %sign3A_51 = arith.subi %sign3A_47, %sign3A_50 : i32
      %ne3A = arith.cmpi ne, %sign3A_44, %sign3A_51 : i32
      %rem3A = arith.remsi %scan3A_37, %jit3A : i32
      %ne3A_52 = arith.constant 0 : i32
      %ne3A_53 = arith.cmpi ne, %rem3A, %ne3A_52 : i32
      %and3A = arith.andi %ne3A, %ne3A_53 : i1
      %sub3A = arith.constant 1 : i32
      %sub3A_54 = arith.subi %div3A, %sub3A : i32
      %select_n3A = arith.select %and3A, %sub3A_54, %div3A : i32
      %jit3A_55 = arith.constant 8 : i32
      %eq3A = arith.constant 0 : i32
      %eq3A_56 = arith.cmpi eq, %jit3A_55, %eq3A : i32
      %jit3A_57 = arith.constant 1 : i32
      %select_n3A_58 = arith.select %eq3A_56, %jit3A_57, %jit3A_55 : i32
      %rem3A_59 = arith.remsi %scan3A_37, %select_n3A_58 : i32
      %ne3A_60 = arith.constant 0 : i32
      %ne3A_61 = arith.cmpi ne, %rem3A_59, %ne3A_60 : i32
      %lt3A = arith.constant 0 : i32
      %lt3A_62 = arith.cmpi slt, %rem3A_59, %lt3A : i32
      %lt3A_63 = arith.constant 0 : i32
      %lt3A_64 = arith.cmpi slt, %select_n3A_58, %lt3A_63 : i32
      %ne3A_65 = arith.xori %lt3A_62, %lt3A_64 : i1
      %and3A_66 = arith.andi %ne3A_65, %ne3A_61 : i1
      %add3A_67 = arith.addi %rem3A_59, %select_n3A_58 : i32
      %select_n3A_68 = arith.select %and3A_66, %add3A_67, %rem3A_59 : i32
      %mul3A_69 = arith.constant 16 : i32
      %mul3A_70 = arith.muli %select_n3A_68, %mul3A_69 : i32
      %swap3A = arith.index_cast %select_n3A : i32 to index
      %swap3A_71 = arith.index_cast %mul3A_70 : i32 to index
      %swap3A_72 = tpu.vector_load %arg9[%swap3A, %swap3A_71] {strides = array<i32>} : memref<128x128xf32, #tpu.memory_space<vmem>>, vector<1x16xf32>,
      %swap3A_73 = vector.shape_cast %swap3A_72 : vector<1x16xf32> to vector<16xf32>
      %swap3A_74 = vector.shape_cast %broadcast_in_dim3A_0 : vector<16xf32> to vector<1x16xf32>
      tpu.vector_store %arg9[%swap3A, %swap3A_71], %swap3A_74 {strides = array<i32>} : memref<128x128xf32, #tpu.memory_space<vmem>>, vector<1x16xf32>,
      %scan3A_75 = arith.constant 0 : i32
      scf.yield %scan3A_75 : i32
    }
    %scan3A_6 = arith.constant 1024 : i32
    %mul3A = arith.constant 632 : i32
    %mul3A_7 = arith.muli %arg1, %mul3A : i32
    "tpu.region"() ({
      %run_scoped3A = tpu.sem_alloc : memref<!tpu.dma_semaphore, #tpu.memory_space<semaphore_mem>>
      %dma_start3A = arith.constant 0 : i32
      %dma_start3A_37 = arith.constant 0 : i32
      %dma_start3A_38 = tpu.memref_slice %arg9[%dma_start3A, %dma_start3A_37] : memref<128x128xf32, #tpu.memory_space<vmem>> -> memref<128x128xf32, #tpu.memory_space<vmem>>
      %dma_start3A_39 = arith.constant 0 : i32
      %dma_start3A_40 = tpu.memref_slice %arg10[%mul3A_7, %dma_start3A_39] : memref<10112x128xf32, #tpu.memory_space<vmem_shared>> -> memref<128x128xf32, #tpu.memory_space<vmem_shared>>
      %dma_start3A_41 = arith.constant 0 : i32
      %dma_start3A_42 = tpu.memref_slice %arg10[%mul3A_7, %dma_start3A_41] : memref<10112x128xf32, #tpu.memory_space<vmem_shared>> -> memref<128x128xf32, #tpu.memory_space<vmem_shared>>
      %dma_start3A_43 = arith.constant 0 : i32
      %dma_start3A_44 = arith.constant 0 : i32
      %dma_start3A_45 = tpu.memref_slice %arg9[%dma_start3A_43, %dma_start3A_44] : memref<128x128xf32, #tpu.memory_space<vmem>> -> memref<128x128xf32, #tpu.memory_space<vmem>>
      tpu.enqueue_dma source(%dma_start3A_45 : memref<128x128xf32, #tpu.memory_space<vmem>>) target(%dma_start3A_42 : memref<128x128xf32, #tpu.memory_space<vmem_shared>>) target_semaphore(%run_scoped3A : memref<!tpu.dma_semaphore, #tpu.memory_space<semaphore_mem>>)
      %dma_wait3A = arith.constant 0 : i32
      %dma_wait3A_46 = arith.constant 0 : i32
      %dma_wait3A_47 = tpu.memref_slice %arg9[%dma_wait3A, %dma_wait3A_46] : memref<128x128xf32, #tpu.memory_space<vmem>> -> memref<128x128xf32, #tpu.memory_space<vmem>>
      %dma_wait3A_48 = arith.constant 0 : i32
      %dma_wait3A_49 = tpu.memref_slice %arg10[%mul3A_7, %dma_wait3A_48] : memref<10112x128xf32, #tpu.memory_space<vmem_shared>> -> memref<128x128xf32, #tpu.memory_space<vmem_shared>>
      %dma_wait3A_50 = arith.constant 0 : i32
      %dma_wait3A_51 = tpu.memref_slice %arg10[%mul3A_7, %dma_wait3A_50] : memref<10112x128xf32, #tpu.memory_space<vmem_shared>> -> memref<128x128xf32, #tpu.memory_space<vmem_shared>>
      %dma_wait3A_52 = arith.constant 0 : i32
      %dma_wait3A_53 = arith.constant 0 : i32
      %dma_wait3A_54 = tpu.memref_slice %arg9[%dma_wait3A_52, %dma_wait3A_53] : memref<128x128xf32, #tpu.memory_space<vmem>> -> memref<128x128xf32, #tpu.memory_space<vmem>>
      tpu.wait_dma2 semaphore(%run_scoped3A : memref<!tpu.dma_semaphore, #tpu.memory_space<semaphore_mem>>) src(%dma_wait3A_54 : memref<128x128xf32, #tpu.memory_space<vmem>>) dst(%dma_wait3A_51 : memref<128x128xf32, #tpu.memory_space<vmem_shared>>)
      tpu.yield
    }) : () -> ()
    %add3A = arith.constant 128 : i32
    %add3A_8 = arith.addi %mul3A_7, %add3A : i32
    "tpu.region"() ({
      %run_scoped3A = tpu.sem_alloc : memref<!tpu.dma_semaphore, #tpu.memory_space<semaphore_mem>>
      %dma_start3A = arith.constant 0 : i32
      %dma_start3A_37 = arith.constant 0 : i32
      %dma_start3A_38 = tpu.memref_slice %arg9[%dma_start3A, %dma_start3A_37] : memref<128x128xf32, #tpu.memory_space<vmem>> -> memref<128x128xf32, #tpu.memory_space<vmem>>
      %dma_start3A_39 = arith.constant 0 : i32
      %dma_start3A_40 = tpu.memref_slice %arg10[%add3A_8, %dma_start3A_39] : memref<10112x128xf32, #tpu.memory_space<vmem_shared>> -> memref<128x128xf32, #tpu.memory_space<vmem_shared>>
      %dma_start3A_41 = arith.constant 0 : i32
      %dma_start3A_42 = tpu.memref_slice %arg10[%add3A_8, %dma_start3A_41] : memref<10112x128xf32, #tpu.memory_space<vmem_shared>> -> memref<128x128xf32, #tpu.memory_space<vmem_shared>>
      %dma_start3A_43 = arith.constant 0 : i32
      %dma_start3A_44 = arith.constant 0 : i32
      %dma_start3A_45 = tpu.memref_slice %arg9[%dma_start3A_43, %dma_start3A_44] : memref<128x128xf32, #tpu.memory_space<vmem>> -> memref<128x128xf32, #tpu.memory_space<vmem>>
      tpu.enqueue_dma source(%dma_start3A_45 : memref<128x128xf32, #tpu.memory_space<vmem>>) target(%dma_start3A_42 : memref<128x128xf32, #tpu.memory_space<vmem_shared>>) target_semaphore(%run_scoped3A : memref<!tpu.dma_semaphore, #tpu.memory_space<semaphore_mem>>)
      %dma_wait3A = arith.constant 0 : i32
      %dma_wait3A_46 = arith.constant 0 : i32
      %dma_wait3A_47 = tpu.memref_slice %arg9[%dma_wait3A, %dma_wait3A_46] : memref<128x128xf32, #tpu.memory_space<vmem>> -> memref<128x128xf32, #tpu.memory_space<vmem>>
      %dma_wait3A_48 = arith.constant 0 : i32
      %dma_wait3A_49 = tpu.memref_slice %arg10[%add3A_8, %dma_wait3A_48] : memref<10112x128xf32, #tpu.memory_space<vmem_shared>> -> memref<128x128xf32, #tpu.memory_space<vmem_shared>>
      %dma_wait3A_50 = arith.constant 0 : i32
      %dma_wait3A_51 = tpu.memref_slice %arg10[%add3A_8, %dma_wait3A_50] : memref<10112x128xf32, #tpu.memory_space<vmem_shared>> -> memref<128x128xf32, #tpu.memory_space<vmem_shared>>
      %dma_wait3A_52 = arith.constant 0 : i32
      %dma_wait3A_53 = arith.constant 0 : i32
      %dma_wait3A_54 = tpu.memref_slice %arg9[%dma_wait3A_52, %dma_wait3A_53] : memref<128x128xf32, #tpu.memory_space<vmem>> -> memref<128x128xf32, #tpu.memory_space<vmem>>
      tpu.wait_dma2 semaphore(%run_scoped3A : memref<!tpu.dma_semaphore, #tpu.memory_space<semaphore_mem>>) src(%dma_wait3A_54 : memref<128x128xf32, #tpu.memory_space<vmem>>) dst(%dma_wait3A_51 : memref<128x128xf32, #tpu.memory_space<vmem_shared>>)
      tpu.yield
    }) : () -> ()
    %add3A_9 = arith.constant 128 : i32
    %add3A_10 = arith.addi %add3A_8, %add3A_9 : i32
    "tpu.region"() ({
      %run_scoped3A = tpu.sem_alloc : memref<!tpu.dma_semaphore, #tpu.memory_space<semaphore_mem>>
      %dma_start3A = arith.constant 0 : i32
      %dma_start3A_37 = arith.constant 0 : i32
      %dma_start3A_38 = tpu.memref_slice %arg9[%dma_start3A, %dma_start3A_37] : memref<128x128xf32, #tpu.memory_space<vmem>> -> memref<128x128xf32, #tpu.memory_space<vmem>>
      %dma_start3A_39 = arith.constant 0 : i32
      %dma_start3A_40 = tpu.memref_slice %arg10[%add3A_10, %dma_start3A_39] : memref<10112x128xf32, #tpu.memory_space<vmem_shared>> -> memref<128x128xf32, #tpu.memory_space<vmem_shared>>
      %dma_start3A_41 = arith.constant 0 : i32
      %dma_start3A_42 = tpu.memref_slice %arg10[%add3A_10, %dma_start3A_41] : memref<10112x128xf32, #tpu.memory_space<vmem_shared>> -> memref<128x128xf32, #tpu.memory_space<vmem_shared>>
      %dma_start3A_43 = arith.constant 0 : i32
      %dma_start3A_44 = arith.constant 0 : i32
      %dma_start3A_45 = tpu.memref_slice %arg9[%dma_start3A_43, %dma_start3A_44] : memref<128x128xf32, #tpu.memory_space<vmem>> -> memref<128x128xf32, #tpu.memory_space<vmem>>
      tpu.enqueue_dma source(%dma_start3A_45 : memref<128x128xf32, #tpu.memory_space<vmem>>) target(%dma_start3A_42 : memref<128x128xf32, #tpu.memory_space<vmem_shared>>) target_semaphore(%run_scoped3A : memref<!tpu.dma_semaphore, #tpu.memory_space<semaphore_mem>>)
      %dma_wait3A = arith.constant 0 : i32
      %dma_wait3A_46 = arith.constant 0 : i32
      %dma_wait3A_47 = tpu.memref_slice %arg9[%dma_wait3A, %dma_wait3A_46] : memref<128x128xf32, #tpu.memory_space<vmem>> -> memref<128x128xf32, #tpu.memory_space<vmem>>
      %dma_wait3A_48 = arith.constant 0 : i32
      %dma_wait3A_49 = tpu.memref_slice %arg10[%add3A_10, %dma_wait3A_48] : memref<10112x128xf32, #tpu.memory_space<vmem_shared>> -> memref<128x128xf32, #tpu.memory_space<vmem_shared>>
      %dma_wait3A_50 = arith.constant 0 : i32
      %dma_wait3A_51 = tpu.memref_slice %arg10[%add3A_10, %dma_wait3A_50] : memref<10112x128xf32, #tpu.memory_space<vmem_shared>> -> memref<128x128xf32, #tpu.memory_space<vmem_shared>>
      %dma_wait3A_52 = arith.constant 0 : i32
      %dma_wait3A_53 = arith.constant 0 : i32
      %dma_wait3A_54 = tpu.memref_slice %arg9[%dma_wait3A_52, %dma_wait3A_53] : memref<128x128xf32, #tpu.memory_space<vmem>> -> memref<128x128xf32, #tpu.memory_space<vmem>>
      tpu.wait_dma2 semaphore(%run_scoped3A : memref<!tpu.dma_semaphore, #tpu.memory_space<semaphore_mem>>) src(%dma_wait3A_54 : memref<128x128xf32, #tpu.memory_space<vmem>>) dst(%dma_wait3A_51 : memref<128x128xf32, #tpu.memory_space<vmem_shared>>)
      tpu.yield
    }) : () -> ()
    %add3A_11 = arith.constant 128 : i32
    %add3A_12 = arith.addi %add3A_10, %add3A_11 : i32
    "tpu.region"() ({
      %run_scoped3A = tpu.sem_alloc : memref<!tpu.dma_semaphore, #tpu.memory_space<semaphore_mem>>
      %dma_start3A = arith.constant 0 : i32
      %dma_start3A_37 = arith.constant 0 : i32
      %dma_start3A_38 = tpu.memref_slice %arg9[%dma_start3A, %dma_start3A_37] : memref<128x128xf32, #tpu.memory_space<vmem>> -> memref<128x128xf32, #tpu.memory_space<vmem>>
      %dma_start3A_39 = arith.constant 0 : i32
      %dma_start3A_40 = tpu.memref_slice %arg10[%add3A_12, %dma_start3A_39] : memref<10112x128xf32, #tpu.memory_space<vmem_shared>> -> memref<128x128xf32, #tpu.memory_space<vmem_shared>>
      %dma_start3A_41 = arith.constant 0 : i32
      %dma_start3A_42 = tpu.memref_slice %arg10[%add3A_12, %dma_start3A_41] : memref<10112x128xf32, #tpu.memory_space<vmem_shared>> -> memref<128x128xf32, #tpu.memory_space<vmem_shared>>
      %dma_start3A_43 = arith.constant 0 : i32
      %dma_start3A_44 = arith.constant 0 : i32
      %dma_start3A_45 = tpu.memref_slice %arg9[%dma_start3A_43, %dma_start3A_44] : memref<128x128xf32, #tpu.memory_space<vmem>> -> memref<128x128xf32, #tpu.memory_space<vmem>>
      tpu.enqueue_dma source(%dma_start3A_45 : memref<128x128xf32, #tpu.memory_space<vmem>>) target(%dma_start3A_42 : memref<128x128xf32, #tpu.memory_space<vmem_shared>>) target_semaphore(%run_scoped3A : memref<!tpu.dma_semaphore, #tpu.memory_space<semaphore_mem>>)
      %dma_wait3A = arith.constant 0 : i32
      %dma_wait3A_46 = arith.constant 0 : i32
      %dma_wait3A_47 = tpu.memref_slice %arg9[%dma_wait3A, %dma_wait3A_46] : memref<128x128xf32, #tpu.memory_space<vmem>> -> memref<128x128xf32, #tpu.memory_space<vmem>>
      %dma_wait3A_48 = arith.constant 0 : i32
      %dma_wait3A_49 = tpu.memref_slice %arg10[%add3A_12, %dma_wait3A_48] : memref<10112x128xf32, #tpu.memory_space<vmem_shared>> -> memref<128x128xf32, #tpu.memory_space<vmem_shared>>
      %dma_wait3A_50 = arith.constant 0 : i32
      %dma_wait3A_51 = tpu.memref_slice %arg10[%add3A_12, %dma_wait3A_50] : memref<10112x128xf32, #tpu.memory_space<vmem_shared>> -> memref<128x128xf32, #tpu.memory_space<vmem_shared>>
      %dma_wait3A_52 = arith.constant 0 : i32
      %dma_wait3A_53 = arith.constant 0 : i32
      %dma_wait3A_54 = tpu.memref_slice %arg9[%dma_wait3A_52, %dma_wait3A_53] : memref<128x128xf32, #tpu.memory_space<vmem>> -> memref<128x128xf32, #tpu.memory_space<vmem>>
      tpu.wait_dma2 semaphore(%run_scoped3A : memref<!tpu.dma_semaphore, #tpu.memory_space<semaphore_mem>>) src(%dma_wait3A_54 : memref<128x128xf32, #tpu.memory_space<vmem>>) dst(%dma_wait3A_51 : memref<128x128xf32, #tpu.memory_space<vmem_shared>>)
      tpu.yield
    }) : () -> ()
    %add3A_13 = arith.constant 128 : i32
    %add3A_14 = arith.addi %add3A_12, %add3A_13 : i32
    "tpu.region"() ({
      %run_scoped3A = tpu.sem_alloc : memref<!tpu.dma_semaphore, #tpu.memory_space<semaphore_mem>>
      %dma_start3A = arith.constant 0 : i32
      %dma_start3A_37 = arith.constant 0 : i32
      %dma_start3A_38 = tpu.memref_slice %arg9[%dma_start3A, %dma_start3A_37] : memref<128x128xf32, #tpu.memory_space<vmem>> -> memref<120x128xf32, #tpu.memory_space<vmem>>
      %dma_start3A_39 = arith.constant 0 : i32
      %dma_start3A_40 = tpu.memref_slice %arg10[%add3A_14, %dma_start3A_39] : memref<10112x128xf32, #tpu.memory_space<vmem_shared>> -> memref<120x128xf32, #tpu.memory_space<vmem_shared>>
      %dma_start3A_41 = arith.constant 0 : i32
      %dma_start3A_42 = tpu.memref_slice %arg10[%add3A_14, %dma_start3A_41] : memref<10112x128xf32, #tpu.memory_space<vmem_shared>> -> memref<120x128xf32, #tpu.memory_space<vmem_shared>>
      %dma_start3A_43 = arith.constant 0 : i32
      %dma_start3A_44 = arith.constant 0 : i32
      %dma_start3A_45 = tpu.memref_slice %arg9[%dma_start3A_43, %dma_start3A_44] : memref<128x128xf32, #tpu.memory_space<vmem>> -> memref<120x128xf32, #tpu.memory_space<vmem>>
      tpu.enqueue_dma source(%dma_start3A_45 : memref<120x128xf32, #tpu.memory_space<vmem>>) target(%dma_start3A_42 : memref<120x128xf32, #tpu.memory_space<vmem_shared>>) target_semaphore(%run_scoped3A : memref<!tpu.dma_semaphore, #tpu.memory_space<semaphore_mem>>)
      %dma_wait3A = arith.constant 0 : i32
      %dma_wait3A_46 = arith.constant 0 : i32
      %dma_wait3A_47 = tpu.memref_slice %arg9[%dma_wait3A, %dma_wait3A_46] : memref<128x128xf32, #tpu.memory_space<vmem>> -> memref<120x128xf32, #tpu.memory_space<vmem>>
      %dma_wait3A_48 = arith.constant 0 : i32
      %dma_wait3A_49 = tpu.memref_slice %arg10[%add3A_14, %dma_wait3A_48] : memref<10112x128xf32, #tpu.memory_space<vmem_shared>> -> memref<120x128xf32, #tpu.memory_space<vmem_shared>>
      %dma_wait3A_50 = arith.constant 0 : i32
      %dma_wait3A_51 = tpu.memref_slice %arg10[%add3A_14, %dma_wait3A_50] : memref<10112x128xf32, #tpu.memory_space<vmem_shared>> -> memref<120x128xf32, #tpu.memory_space<vmem_shared>>
      %dma_wait3A_52 = arith.constant 0 : i32
      %dma_wait3A_53 = arith.constant 0 : i32
      %dma_wait3A_54 = tpu.memref_slice %arg9[%dma_wait3A_52, %dma_wait3A_53] : memref<128x128xf32, #tpu.memory_space<vmem>> -> memref<120x128xf32, #tpu.memory_space<vmem>>
      tpu.wait_dma2 semaphore(%run_scoped3A : memref<!tpu.dma_semaphore, #tpu.memory_space<semaphore_mem>>) src(%dma_wait3A_54 : memref<120x128xf32, #tpu.memory_space<vmem>>) dst(%dma_wait3A_51 : memref<120x128xf32, #tpu.memory_space<vmem_shared>>)
      tpu.yield
    }) : () -> ()
    %add3A_15 = arith.constant 120 : i32
    %add3A_16 = arith.addi %add3A_14, %add3A_15 : i32
    %barrier3A = arith.constant 0 : index
    tpu.barrier barrier_id(%barrier3A)
    %scan3A_17 = arith.constant 0 : i32
    %scan3A_18 = arith.constant 0 : i32
    %scan3A_19 = arith.constant 250 : i32
    %scan3A_20 = arith.addi %scan3A_18, %scan3A_19 : i32
    %scan3A_21 = arith.constant 1 : i32
    %scan3A_22 = scf.for %scan3A_37 = %scan3A_18 to %scan3A_20 step %scan3A_21 iter_args(%scan3A_38 = %scan3A_17) -> (i32)  : i32 {
      %mul3A_39 = arith.constant 20000 : i32
      %mul3A_40 = arith.muli %arg1, %mul3A_39 : i32
      %mul3A_41 = arith.constant 80 : i32
      %mul3A_42 = arith.muli %scan3A_37, %mul3A_41 : i32
      %add3A_43 = arith.addi %mul3A_40, %mul3A_42 : i32
      "tpu.region"() ({
        %run_scoped3A = tpu.sem_alloc : memref<!tpu.dma_semaphore, #tpu.memory_space<semaphore_mem>>
        %dma_start3A = tpu.memref_slice %arg3[%add3A_43] : memref<320000xi32, #tpu.memory_space<hbm>> -> memref<80xi32, #tpu.memory_space<hbm>>
        %dma_start3A_45 = tpu.memref_slice %arg3[%add3A_43] : memref<320000xi32, #tpu.memory_space<hbm>> -> memref<80xi32, #tpu.memory_space<hbm>>
        tpu.enqueue_dma source(%dma_start3A_45 : memref<80xi32, #tpu.memory_space<hbm>>) target(%arg6 : memref<80xi32, #tpu.memory_space<vmem>>) target_semaphore(%run_scoped3A : memref<!tpu.dma_semaphore, #tpu.memory_space<semaphore_mem>>)
        %dma_wait3A = tpu.memref_slice %arg3[%add3A_43] : memref<320000xi32, #tpu.memory_space<hbm>> -> memref<80xi32, #tpu.memory_space<hbm>>
        %dma_wait3A_46 = tpu.memref_slice %arg3[%add3A_43] : memref<320000xi32, #tpu.memory_space<hbm>> -> memref<80xi32, #tpu.memory_space<hbm>>
        tpu.wait_dma2 semaphore(%run_scoped3A : memref<!tpu.dma_semaphore, #tpu.memory_space<semaphore_mem>>) src(%dma_wait3A_46 : memref<80xi32, #tpu.memory_space<hbm>>) dst(%arg6 : memref<80xi32, #tpu.memory_space<vmem>>)
        tpu.yield
      }) : () -> ()
      "tpu.region"() ({
        %run_scoped3A = tpu.sem_alloc : memref<!tpu.dma_semaphore, #tpu.memory_space<semaphore_mem>>
        %dma_start3A = tpu.memref_slice %arg4[%add3A_43] : memref<320000xi32, #tpu.memory_space<hbm>> -> memref<80xi32, #tpu.memory_space<hbm>>
        %dma_start3A_45 = tpu.memref_slice %arg4[%add3A_43] : memref<320000xi32, #tpu.memory_space<hbm>> -> memref<80xi32, #tpu.memory_space<hbm>>
        tpu.enqueue_dma source(%dma_start3A_45 : memref<80xi32, #tpu.memory_space<hbm>>) target(%arg7 : memref<80xi32, #tpu.memory_space<vmem>>) target_semaphore(%run_scoped3A : memref<!tpu.dma_semaphore, #tpu.memory_space<semaphore_mem>>)
        %dma_wait3A = tpu.memref_slice %arg4[%add3A_43] : memref<320000xi32, #tpu.memory_space<hbm>> -> memref<80xi32, #tpu.memory_space<hbm>>
        %dma_wait3A_46 = tpu.memref_slice %arg4[%add3A_43] : memref<320000xi32, #tpu.memory_space<hbm>> -> memref<80xi32, #tpu.memory_space<hbm>>
        tpu.wait_dma2 semaphore(%run_scoped3A : memref<!tpu.dma_semaphore, #tpu.memory_space<semaphore_mem>>) src(%dma_wait3A_46 : memref<80xi32, #tpu.memory_space<hbm>>) dst(%arg7 : memref<80xi32, #tpu.memory_space<vmem>>)
        tpu.yield
      }) : () -> ()
      "tpu.region"() ({
        %run_scoped3A = tpu.sem_alloc : memref<!tpu.dma_semaphore, #tpu.memory_space<semaphore_mem>>
        %dma_start3A = arith.constant 0 : i32
        %dma_start3A_45 = arith.constant 0 : i32
        %dma_start3A_46 = tpu.memref_slice %arg2[%arg0, %dma_start3A, %dma_start3A_45] : memref<2x10112x128xf32, #tpu.memory_space<hbm>> -> memref<1x10112x128xf32, #tpu.memory_space<hbm>>
        %dma_start3A_47 = tpu.memref_squeeze %dma_start3A_46 : memref<1x10112x128xf32, #tpu.memory_space<hbm>> -> memref<10112x128xf32, #tpu.memory_space<hbm>>
        %dma_start3A_48 = arith.constant 0 : i32
        %dma_start3A_49 = arith.constant 0 : i32
        %dma_start3A_50 = tpu.memref_slice %dma_start3A_47[%dma_start3A_48, %dma_start3A_49] : memref<10112x128xf32, #tpu.memory_space<hbm>> -> memref<10112x128xf32, #tpu.memory_space<hbm>>
        tpu.enqueue_indirect_dma source(%dma_start3A_50 : memref<10112x128xf32, #tpu.memory_space<hbm>>) target(%arg8 : memref<80x128xf32, #tpu.memory_space<vmem>>) offsets(%arg6 : memref<80xi32, #tpu.memory_space<vmem>>) semaphore(%run_scoped3A : memref<!tpu.dma_semaphore, #tpu.memory_space<semaphore_mem>>)
        %dma_wait3A = arith.constant 0 : i32
        %dma_wait3A_51 = arith.constant 0 : i32
        %dma_wait3A_52 = tpu.memref_slice %arg2[%arg0, %dma_wait3A, %dma_wait3A_51] : memref<2x10112x128xf32, #tpu.memory_space<hbm>> -> memref<1x10112x128xf32, #tpu.memory_space<hbm>>
        %dma_wait3A_53 = tpu.memref_squeeze %dma_wait3A_52 : memref<1x10112x128xf32, #tpu.memory_space<hbm>> -> memref<10112x128xf32, #tpu.memory_space<hbm>>
        %dma_wait3A_54 = arith.constant 0 : i32
        %dma_wait3A_55 = arith.constant 0 : i32
        %dma_wait3A_56 = tpu.memref_slice %dma_wait3A_53[%dma_wait3A_54, %dma_wait3A_55] : memref<10112x128xf32, #tpu.memory_space<hbm>> -> memref<10112x128xf32, #tpu.memory_space<hbm>>
        tpu.wait_indirect_dma semaphore(%run_scoped3A : memref<!tpu.dma_semaphore, #tpu.memory_space<semaphore_mem>>) src(%dma_wait3A_56 : memref<10112x128xf32, #tpu.memory_space<hbm>>) dst(%arg8 : memref<80x128xf32, #tpu.memory_space<vmem>>)
        tpu.yield
      }) : () -> ()
      "tpu.region"() ({
        %run_scoped3A = tpu.sem_alloc : memref<!tpu.dma_semaphore, #tpu.memory_space<semaphore_mem>>
        %dma_start3A = arith.constant 0 : i32
        %dma_start3A_45 = arith.constant 0 : i32
        %dma_start3A_46 = tpu.memref_slice %arg10[%dma_start3A, %dma_start3A_45] : memref<10112x128xf32, #tpu.memory_space<vmem_shared>> -> memref<10112x128xf32, #tpu.memory_space<vmem_shared>>
        tpu.enqueue_indirect_dma source(%arg8 : memref<80x128xf32, #tpu.memory_space<vmem>>) target(%dma_start3A_46 : memref<10112x128xf32, #tpu.memory_space<vmem_shared>>) offsets(%arg7 : memref<80xi32, #tpu.memory_space<vmem>>) semaphore(%run_scoped3A : memref<!tpu.dma_semaphore, #tpu.memory_space<semaphore_mem>>) {add = true}
        %dma_wait3A = arith.constant 0 : i32
        %dma_wait3A_47 = arith.constant 0 : i32
        %dma_wait3A_48 = tpu.memref_slice %arg10[%dma_wait3A, %dma_wait3A_47] : memref<10112x128xf32, #tpu.memory_space<vmem_shared>> -> memref<10112x128xf32, #tpu.memory_space<vmem_shared>>
        tpu.wait_indirect_dma semaphore(%run_scoped3A : memref<!tpu.dma_semaphore, #tpu.memory_space<semaphore_mem>>) src(%arg8 : memref<80x128xf32, #tpu.memory_space<vmem>>) dst(%dma_wait3A_48 : memref<10112x128xf32, #tpu.memory_space<vmem_shared>>)
        tpu.yield
      }) : () -> ()
      %scan3A_44 = arith.constant 0 : i32
      scf.yield %scan3A_44 : i32
    }
    %scan3A_23 = arith.constant 250 : i32
    %barrier3A_24 = arith.constant 0 : index
    tpu.barrier barrier_id(%barrier3A_24)
    %mul3A_25 = arith.constant 632 : i32
    %mul3A_26 = arith.muli %arg1, %mul3A_25 : i32
    "tpu.region"() ({
      %run_scoped3A = tpu.sem_alloc : memref<!tpu.dma_semaphore, #tpu.memory_space<semaphore_mem>>
      %dma_start3A = arith.constant 0 : i32
      %dma_start3A_37 = arith.constant 0 : i32
      %dma_start3A_38 = tpu.memref_slice %arg9[%dma_start3A, %dma_start3A_37] : memref<128x128xf32, #tpu.memory_space<vmem>> -> memref<128x128xf32, #tpu.memory_space<vmem>>
      %dma_start3A_39 = arith.constant 0 : i32
      %dma_start3A_40 = tpu.memref_slice %arg10[%mul3A_26, %dma_start3A_39] : memref<10112x128xf32, #tpu.memory_space<vmem_shared>> -> memref<128x128xf32, #tpu.memory_space<vmem_shared>>
      %dma_start3A_41 = arith.constant 0 : i32
      %dma_start3A_42 = arith.constant 0 : i32
      %dma_start3A_43 = tpu.memref_slice %arg9[%dma_start3A_41, %dma_start3A_42] : memref<128x128xf32, #tpu.memory_space<vmem>> -> memref<128x128xf32, #tpu.memory_space<vmem>>
      %dma_start3A_44 = arith.constant 0 : i32
      %dma_start3A_45 = tpu.memref_slice %arg10[%mul3A_26, %dma_start3A_44] : memref<10112x128xf32, #tpu.memory_space<vmem_shared>> -> memref<128x128xf32, #tpu.memory_space<vmem_shared>>
      tpu.enqueue_dma source(%dma_start3A_45 : memref<128x128xf32, #tpu.memory_space<vmem_shared>>) target(%dma_start3A_43 : memref<128x128xf32, #tpu.memory_space<vmem>>) target_semaphore(%run_scoped3A : memref<!tpu.dma_semaphore, #tpu.memory_space<semaphore_mem>>)
      %dma_wait3A = arith.constant 0 : i32
      %dma_wait3A_46 = arith.constant 0 : i32
      %dma_wait3A_47 = tpu.memref_slice %arg9[%dma_wait3A, %dma_wait3A_46] : memref<128x128xf32, #tpu.memory_space<vmem>> -> memref<128x128xf32, #tpu.memory_space<vmem>>
      %dma_wait3A_48 = arith.constant 0 : i32
      %dma_wait3A_49 = tpu.memref_slice %arg10[%mul3A_26, %dma_wait3A_48] : memref<10112x128xf32, #tpu.memory_space<vmem_shared>> -> memref<128x128xf32, #tpu.memory_space<vmem_shared>>
      %dma_wait3A_50 = arith.constant 0 : i32
      %dma_wait3A_51 = arith.constant 0 : i32
      %dma_wait3A_52 = tpu.memref_slice %arg9[%dma_wait3A_50, %dma_wait3A_51] : memref<128x128xf32, #tpu.memory_space<vmem>> -> memref<128x128xf32, #tpu.memory_space<vmem>>
      %dma_wait3A_53 = arith.constant 0 : i32
      %dma_wait3A_54 = tpu.memref_slice %arg10[%mul3A_26, %dma_wait3A_53] : memref<10112x128xf32, #tpu.memory_space<vmem_shared>> -> memref<128x128xf32, #tpu.memory_space<vmem_shared>>
      tpu.wait_dma2 semaphore(%run_scoped3A : memref<!tpu.dma_semaphore, #tpu.memory_space<semaphore_mem>>) src(%dma_wait3A_54 : memref<128x128xf32, #tpu.memory_space<vmem_shared>>) dst(%dma_wait3A_52 : memref<128x128xf32, #tpu.memory_space<vmem>>)
      tpu.yield
    }) : () -> ()
    "tpu.region"() ({
      %run_scoped3A = tpu.sem_alloc : memref<!tpu.dma_semaphore, #tpu.memory_space<semaphore_mem>>
      %dma_start3A = arith.constant 0 : i32
      %dma_start3A_37 = arith.constant 0 : i32
      %dma_start3A_38 = tpu.memref_slice %arg9[%dma_start3A, %dma_start3A_37] : memref<128x128xf32, #tpu.memory_space<vmem>> -> memref<128x128xf32, #tpu.memory_space<vmem>>
      %dma_start3A_39 = arith.constant 0 : i32
      %dma_start3A_40 = arith.constant 0 : i32
      %dma_start3A_41 = tpu.memref_slice %arg5[%arg0, %dma_start3A_39, %dma_start3A_40] : memref<2x10112x128xf32, #tpu.memory_space<hbm>> -> memref<1x10112x128xf32, #tpu.memory_space<hbm>>
      %dma_start3A_42 = tpu.memref_squeeze %dma_start3A_41 : memref<1x10112x128xf32, #tpu.memory_space<hbm>> -> memref<10112x128xf32, #tpu.memory_space<hbm>>
      %dma_start3A_43 = arith.constant 0 : i32
      %dma_start3A_44 = tpu.memref_slice %dma_start3A_42[%mul3A_26, %dma_start3A_43] : memref<10112x128xf32, #tpu.memory_space<hbm>> -> memref<128x128xf32, #tpu.memory_space<hbm>>
      %dma_start3A_45 = arith.constant 0 : i32
      %dma_start3A_46 = arith.constant 0 : i32
      %dma_start3A_47 = tpu.memref_slice %arg5[%arg0, %dma_start3A_45, %dma_start3A_46] : memref<2x10112x128xf32, #tpu.memory_space<hbm>> -> memref<1x10112x128xf32, #tpu.memory_space<hbm>>
      %dma_start3A_48 = tpu.memref_squeeze %dma_start3A_47 : memref<1x10112x128xf32, #tpu.memory_space<hbm>> -> memref<10112x128xf32, #tpu.memory_space<hbm>>
      %dma_start3A_49 = arith.constant 0 : i32
      %dma_start3A_50 = tpu.memref_slice %dma_start3A_48[%mul3A_26, %dma_start3A_49] : memref<10112x128xf32, #tpu.memory_space<hbm>> -> memref<128x128xf32, #tpu.memory_space<hbm>>
      %dma_start3A_51 = arith.constant 0 : i32
      %dma_start3A_52 = arith.constant 0 : i32
      %dma_start3A_53 = tpu.memref_slice %arg9[%dma_start3A_51, %dma_start3A_52] : memref<128x128xf32, #tpu.memory_space<vmem>> -> memref<128x128xf32, #tpu.memory_space<vmem>>
      tpu.enqueue_dma source(%dma_start3A_53 : memref<128x128xf32, #tpu.memory_space<vmem>>) target(%dma_start3A_50 : memref<128x128xf32, #tpu.memory_space<hbm>>) target_semaphore(%run_scoped3A : memref<!tpu.dma_semaphore, #tpu.memory_space<semaphore_mem>>)
      %dma_wait3A = arith.constant 0 : i32
      %dma_wait3A_54 = arith.constant 0 : i32
      %dma_wait3A_55 = tpu.memref_slice %arg9[%dma_wait3A, %dma_wait3A_54] : memref<128x128xf32, #tpu.memory_space<vmem>> -> memref<128x128xf32, #tpu.memory_space<vmem>>
      %dma_wait3A_56 = arith.constant 0 : i32
      %dma_wait3A_57 = arith.constant 0 : i32
      %dma_wait3A_58 = tpu.memref_slice %arg5[%arg0, %dma_wait3A_56, %dma_wait3A_57] : memref<2x10112x128xf32, #tpu.memory_space<hbm>> -> memref<1x10112x128xf32, #tpu.memory_space<hbm>>
      %dma_wait3A_59 = tpu.memref_squeeze %dma_wait3A_58 : memref<1x10112x128xf32, #tpu.memory_space<hbm>> -> memref<10112x128xf32, #tpu.memory_space<hbm>>
      %dma_wait3A_60 = arith.constant 0 : i32
      %dma_wait3A_61 = tpu.memref_slice %dma_wait3A_59[%mul3A_26, %dma_wait3A_60] : memref<10112x128xf32, #tpu.memory_space<hbm>> -> memref<128x128xf32, #tpu.memory_space<hbm>>
      %dma_wait3A_62 = arith.constant 0 : i32
      %dma_wait3A_63 = arith.constant 0 : i32
      %dma_wait3A_64 = tpu.memref_slice %arg5[%arg0, %dma_wait3A_62, %dma_wait3A_63] : memref<2x10112x128xf32, #tpu.memory_space<hbm>> -> memref<1x10112x128xf32, #tpu.memory_space<hbm>>
      %dma_wait3A_65 = tpu.memref_squeeze %dma_wait3A_64 : memref<1x10112x128xf32, #tpu.memory_space<hbm>> -> memref<10112x128xf32, #tpu.memory_space<hbm>>
      %dma_wait3A_66 = arith.constant 0 : i32
      %dma_wait3A_67 = tpu.memref_slice %dma_wait3A_65[%mul3A_26, %dma_wait3A_66] : memref<10112x128xf32, #tpu.memory_space<hbm>> -> memref<128x128xf32, #tpu.memory_space<hbm>>
      %dma_wait3A_68 = arith.constant 0 : i32
      %dma_wait3A_69 = arith.constant 0 : i32
      %dma_wait3A_70 = tpu.memref_slice %arg9[%dma_wait3A_68, %dma_wait3A_69] : memref<128x128xf32, #tpu.memory_space<vmem>> -> memref<128x128xf32, #tpu.memory_space<vmem>>
      tpu.wait_dma2 semaphore(%run_scoped3A : memref<!tpu.dma_semaphore, #tpu.memory_space<semaphore_mem>>) src(%dma_wait3A_70 : memref<128x128xf32, #tpu.memory_space<vmem>>) dst(%dma_wait3A_67 : memref<128x128xf32, #tpu.memory_space<hbm>>)
      tpu.yield
    }) : () -> ()
    %add3A_27 = arith.constant 128 : i32
    %add3A_28 = arith.addi %mul3A_26, %add3A_27 : i32
    "tpu.region"() ({
      %run_scoped3A = tpu.sem_alloc : memref<!tpu.dma_semaphore, #tpu.memory_space<semaphore_mem>>
      %dma_start3A = arith.constant 0 : i32
      %dma_start3A_37 = arith.constant 0 : i32
      %dma_start3A_38 = tpu.memref_slice %arg9[%dma_start3A, %dma_start3A_37] : memref<128x128xf32, #tpu.memory_space<vmem>> -> memref<128x128xf32, #tpu.memory_space<vmem>>
      %dma_start3A_39 = arith.constant 0 : i32
      %dma_start3A_40 = tpu.memref_slice %arg10[%add3A_28, %dma_start3A_39] : memref<10112x128xf32, #tpu.memory_space<vmem_shared>> -> memref<128x128xf32, #tpu.memory_space<vmem_shared>>
      %dma_start3A_41 = arith.constant 0 : i32
      %dma_start3A_42 = arith.constant 0 : i32
      %dma_start3A_43 = tpu.memref_slice %arg9[%dma_start3A_41, %dma_start3A_42] : memref<128x128xf32, #tpu.memory_space<vmem>> -> memref<128x128xf32, #tpu.memory_space<vmem>>
      %dma_start3A_44 = arith.constant 0 : i32
      %dma_start3A_45 = tpu.memref_slice %arg10[%add3A_28, %dma_start3A_44] : memref<10112x128xf32, #tpu.memory_space<vmem_shared>> -> memref<128x128xf32, #tpu.memory_space<vmem_shared>>
      tpu.enqueue_dma source(%dma_start3A_45 : memref<128x128xf32, #tpu.memory_space<vmem_shared>>) target(%dma_start3A_43 : memref<128x128xf32, #tpu.memory_space<vmem>>) target_semaphore(%run_scoped3A : memref<!tpu.dma_semaphore, #tpu.memory_space<semaphore_mem>>)
      %dma_wait3A = arith.constant 0 : i32
      %dma_wait3A_46 = arith.constant 0 : i32
      %dma_wait3A_47 = tpu.memref_slice %arg9[%dma_wait3A, %dma_wait3A_46] : memref<128x128xf32, #tpu.memory_space<vmem>> -> memref<128x128xf32, #tpu.memory_space<vmem>>
      %dma_wait3A_48 = arith.constant 0 : i32
      %dma_wait3A_49 = tpu.memref_slice %arg10[%add3A_28, %dma_wait3A_48] : memref<10112x128xf32, #tpu.memory_space<vmem_shared>> -> memref<128x128xf32, #tpu.memory_space<vmem_shared>>
      %dma_wait3A_50 = arith.constant 0 : i32
      %dma_wait3A_51 = arith.constant 0 : i32
      %dma_wait3A_52 = tpu.memref_slice %arg9[%dma_wait3A_50, %dma_wait3A_51] : memref<128x128xf32, #tpu.memory_space<vmem>> -> memref<128x128xf32, #tpu.memory_space<vmem>>
      %dma_wait3A_53 = arith.constant 0 : i32
      %dma_wait3A_54 = tpu.memref_slice %arg10[%add3A_28, %dma_wait3A_53] : memref<10112x128xf32, #tpu.memory_space<vmem_shared>> -> memref<128x128xf32, #tpu.memory_space<vmem_shared>>
      tpu.wait_dma2 semaphore(%run_scoped3A : memref<!tpu.dma_semaphore, #tpu.memory_space<semaphore_mem>>) src(%dma_wait3A_54 : memref<128x128xf32, #tpu.memory_space<vmem_shared>>) dst(%dma_wait3A_52 : memref<128x128xf32, #tpu.memory_space<vmem>>)
      tpu.yield
    }) : () -> ()
    "tpu.region"() ({
      %run_scoped3A = tpu.sem_alloc : memref<!tpu.dma_semaphore, #tpu.memory_space<semaphore_mem>>
      %dma_start3A = arith.constant 0 : i32
      %dma_start3A_37 = arith.constant 0 : i32
      %dma_start3A_38 = tpu.memref_slice %arg9[%dma_start3A, %dma_start3A_37] : memref<128x128xf32, #tpu.memory_space<vmem>> -> memref<128x128xf32, #tpu.memory_space<vmem>>
      %dma_start3A_39 = arith.constant 0 : i32
      %dma_start3A_40 = arith.constant 0 : i32
      %dma_start3A_41 = tpu.memref_slice %arg5[%arg0, %dma_start3A_39, %dma_start3A_40] : memref<2x10112x128xf32, #tpu.memory_space<hbm>> -> memref<1x10112x128xf32, #tpu.memory_space<hbm>>
      %dma_start3A_42 = tpu.memref_squeeze %dma_start3A_41 : memref<1x10112x128xf32, #tpu.memory_space<hbm>> -> memref<10112x128xf32, #tpu.memory_space<hbm>>
      %dma_start3A_43 = arith.constant 0 : i32
      %dma_start3A_44 = tpu.memref_slice %dma_start3A_42[%add3A_28, %dma_start3A_43] : memref<10112x128xf32, #tpu.memory_space<hbm>> -> memref<128x128xf32, #tpu.memory_space<hbm>>
      %dma_start3A_45 = arith.constant 0 : i32
      %dma_start3A_46 = arith.constant 0 : i32
      %dma_start3A_47 = tpu.memref_slice %arg5[%arg0, %dma_start3A_45, %dma_start3A_46] : memref<2x10112x128xf32, #tpu.memory_space<hbm>> -> memref<1x10112x128xf32, #tpu.memory_space<hbm>>
      %dma_start3A_48 = tpu.memref_squeeze %dma_start3A_47 : memref<1x10112x128xf32, #tpu.memory_space<hbm>> -> memref<10112x128xf32, #tpu.memory_space<hbm>>
      %dma_start3A_49 = arith.constant 0 : i32
      %dma_start3A_50 = tpu.memref_slice %dma_start3A_48[%add3A_28, %dma_start3A_49] : memref<10112x128xf32, #tpu.memory_space<hbm>> -> memref<128x128xf32, #tpu.memory_space<hbm>>
      %dma_start3A_51 = arith.constant 0 : i32
      %dma_start3A_52 = arith.constant 0 : i32
      %dma_start3A_53 = tpu.memref_slice %arg9[%dma_start3A_51, %dma_start3A_52] : memref<128x128xf32, #tpu.memory_space<vmem>> -> memref<128x128xf32, #tpu.memory_space<vmem>>
      tpu.enqueue_dma source(%dma_start3A_53 : memref<128x128xf32, #tpu.memory_space<vmem>>) target(%dma_start3A_50 : memref<128x128xf32, #tpu.memory_space<hbm>>) target_semaphore(%run_scoped3A : memref<!tpu.dma_semaphore, #tpu.memory_space<semaphore_mem>>)
      %dma_wait3A = arith.constant 0 : i32
      %dma_wait3A_54 = arith.constant 0 : i32
      %dma_wait3A_55 = tpu.memref_slice %arg9[%dma_wait3A, %dma_wait3A_54] : memref<128x128xf32, #tpu.memory_space<vmem>> -> memref<128x128xf32, #tpu.memory_space<vmem>>
      %dma_wait3A_56 = arith.constant 0 : i32
      %dma_wait3A_57 = arith.constant 0 : i32
      %dma_wait3A_58 = tpu.memref_slice %arg5[%arg0, %dma_wait3A_56, %dma_wait3A_57] : memref<2x10112x128xf32, #tpu.memory_space<hbm>> -> memref<1x10112x128xf32, #tpu.memory_space<hbm>>
      %dma_wait3A_59 = tpu.memref_squeeze %dma_wait3A_58 : memref<1x10112x128xf32, #tpu.memory_space<hbm>> -> memref<10112x128xf32, #tpu.memory_space<hbm>>
      %dma_wait3A_60 = arith.constant 0 : i32
      %dma_wait3A_61 = tpu.memref_slice %dma_wait3A_59[%add3A_28, %dma_wait3A_60] : memref<10112x128xf32, #tpu.memory_space<hbm>> -> memref<128x128xf32, #tpu.memory_space<hbm>>
      %dma_wait3A_62 = arith.constant 0 : i32
      %dma_wait3A_63 = arith.constant 0 : i32
      %dma_wait3A_64 = tpu.memref_slice %arg5[%arg0, %dma_wait3A_62, %dma_wait3A_63] : memref<2x10112x128xf32, #tpu.memory_space<hbm>> -> memref<1x10112x128xf32, #tpu.memory_space<hbm>>
      %dma_wait3A_65 = tpu.memref_squeeze %dma_wait3A_64 : memref<1x10112x128xf32, #tpu.memory_space<hbm>> -> memref<10112x128xf32, #tpu.memory_space<hbm>>
      %dma_wait3A_66 = arith.constant 0 : i32
      %dma_wait3A_67 = tpu.memref_slice %dma_wait3A_65[%add3A_28, %dma_wait3A_66] : memref<10112x128xf32, #tpu.memory_space<hbm>> -> memref<128x128xf32, #tpu.memory_space<hbm>>
      %dma_wait3A_68 = arith.constant 0 : i32
      %dma_wait3A_69 = arith.constant 0 : i32
      %dma_wait3A_70 = tpu.memref_slice %arg9[%dma_wait3A_68, %dma_wait3A_69] : memref<128x128xf32, #tpu.memory_space<vmem>> -> memref<128x128xf32, #tpu.memory_space<vmem>>
      tpu.wait_dma2 semaphore(%run_scoped3A : memref<!tpu.dma_semaphore, #tpu.memory_space<semaphore_mem>>) src(%dma_wait3A_70 : memref<128x128xf32, #tpu.memory_space<vmem>>) dst(%dma_wait3A_67 : memref<128x128xf32, #tpu.memory_space<hbm>>)
      tpu.yield
    }) : () -> ()
    %add3A_29 = arith.constant 128 : i32
    %add3A_30 = arith.addi %add3A_28, %add3A_29 : i32
    "tpu.region"() ({
      %run_scoped3A = tpu.sem_alloc : memref<!tpu.dma_semaphore, #tpu.memory_space<semaphore_mem>>
      %dma_start3A = arith.constant 0 : i32
      %dma_start3A_37 = arith.constant 0 : i32
      %dma_start3A_38 = tpu.memref_slice %arg9[%dma_start3A, %dma_start3A_37] : memref<128x128xf32, #tpu.memory_space<vmem>> -> memref<128x128xf32, #tpu.memory_space<vmem>>
      %dma_start3A_39 = arith.constant 0 : i32
      %dma_start3A_40 = tpu.memref_slice %arg10[%add3A_30, %dma_start3A_39] : memref<10112x128xf32, #tpu.memory_space<vmem_shared>> -> memref<128x128xf32, #tpu.memory_space<vmem_shared>>
      %dma_start3A_41 = arith.constant 0 : i32
      %dma_start3A_42 = arith.constant 0 : i32
      %dma_start3A_43 = tpu.memref_slice %arg9[%dma_start3A_41, %dma_start3A_42] : memref<128x128xf32, #tpu.memory_space<vmem>> -> memref<128x128xf32, #tpu.memory_space<vmem>>
      %dma_start3A_44 = arith.constant 0 : i32
      %dma_start3A_45 = tpu.memref_slice %arg10[%add3A_30, %dma_start3A_44] : memref<10112x128xf32, #tpu.memory_space<vmem_shared>> -> memref<128x128xf32, #tpu.memory_space<vmem_shared>>
      tpu.enqueue_dma source(%dma_start3A_45 : memref<128x128xf32, #tpu.memory_space<vmem_shared>>) target(%dma_start3A_43 : memref<128x128xf32, #tpu.memory_space<vmem>>) target_semaphore(%run_scoped3A : memref<!tpu.dma_semaphore, #tpu.memory_space<semaphore_mem>>)
      %dma_wait3A = arith.constant 0 : i32
      %dma_wait3A_46 = arith.constant 0 : i32
      %dma_wait3A_47 = tpu.memref_slice %arg9[%dma_wait3A, %dma_wait3A_46] : memref<128x128xf32, #tpu.memory_space<vmem>> -> memref<128x128xf32, #tpu.memory_space<vmem>>
      %dma_wait3A_48 = arith.constant 0 : i32
      %dma_wait3A_49 = tpu.memref_slice %arg10[%add3A_30, %dma_wait3A_48] : memref<10112x128xf32, #tpu.memory_space<vmem_shared>> -> memref<128x128xf32, #tpu.memory_space<vmem_shared>>
      %dma_wait3A_50 = arith.constant 0 : i32
      %dma_wait3A_51 = arith.constant 0 : i32
      %dma_wait3A_52 = tpu.memref_slice %arg9[%dma_wait3A_50, %dma_wait3A_51] : memref<128x128xf32, #tpu.memory_space<vmem>> -> memref<128x128xf32, #tpu.memory_space<vmem>>
      %dma_wait3A_53 = arith.constant 0 : i32
      %dma_wait3A_54 = tpu.memref_slice %arg10[%add3A_30, %dma_wait3A_53] : memref<10112x128xf32, #tpu.memory_space<vmem_shared>> -> memref<128x128xf32, #tpu.memory_space<vmem_shared>>
      tpu.wait_dma2 semaphore(%run_scoped3A : memref<!tpu.dma_semaphore, #tpu.memory_space<semaphore_mem>>) src(%dma_wait3A_54 : memref<128x128xf32, #tpu.memory_space<vmem_shared>>) dst(%dma_wait3A_52 : memref<128x128xf32, #tpu.memory_space<vmem>>)
      tpu.yield
    }) : () -> ()
    "tpu.region"() ({
      %run_scoped3A = tpu.sem_alloc : memref<!tpu.dma_semaphore, #tpu.memory_space<semaphore_mem>>
      %dma_start3A = arith.constant 0 : i32
      %dma_start3A_37 = arith.constant 0 : i32
      %dma_start3A_38 = tpu.memref_slice %arg9[%dma_start3A, %dma_start3A_37] : memref<128x128xf32, #tpu.memory_space<vmem>> -> memref<128x128xf32, #tpu.memory_space<vmem>>
      %dma_start3A_39 = arith.constant 0 : i32
      %dma_start3A_40 = arith.constant 0 : i32
      %dma_start3A_41 = tpu.memref_slice %arg5[%arg0, %dma_start3A_39, %dma_start3A_40] : memref<2x10112x128xf32, #tpu.memory_space<hbm>> -> memref<1x10112x128xf32, #tpu.memory_space<hbm>>
      %dma_start3A_42 = tpu.memref_squeeze %dma_start3A_41 : memref<1x10112x128xf32, #tpu.memory_space<hbm>> -> memref<10112x128xf32, #tpu.memory_space<hbm>>
      %dma_start3A_43 = arith.constant 0 : i32
      %dma_start3A_44 = tpu.memref_slice %dma_start3A_42[%add3A_30, %dma_start3A_43] : memref<10112x128xf32, #tpu.memory_space<hbm>> -> memref<128x128xf32, #tpu.memory_space<hbm>>
      %dma_start3A_45 = arith.constant 0 : i32
      %dma_start3A_46 = arith.constant 0 : i32
      %dma_start3A_47 = tpu.memref_slice %arg5[%arg0, %dma_start3A_45, %dma_start3A_46] : memref<2x10112x128xf32, #tpu.memory_space<hbm>> -> memref<1x10112x128xf32, #tpu.memory_space<hbm>>
      %dma_start3A_48 = tpu.memref_squeeze %dma_start3A_47 : memref<1x10112x128xf32, #tpu.memory_space<hbm>> -> memref<10112x128xf32, #tpu.memory_space<hbm>>
      %dma_start3A_49 = arith.constant 0 : i32
      %dma_start3A_50 = tpu.memref_slice %dma_start3A_48[%add3A_30, %dma_start3A_49] : memref<10112x128xf32, #tpu.memory_space<hbm>> -> memref<128x128xf32, #tpu.memory_space<hbm>>
      %dma_start3A_51 = arith.constant 0 : i32
      %dma_start3A_52 = arith.constant 0 : i32
      %dma_start3A_53 = tpu.memref_slice %arg9[%dma_start3A_51, %dma_start3A_52] : memref<128x128xf32, #tpu.memory_space<vmem>> -> memref<128x128xf32, #tpu.memory_space<vmem>>
      tpu.enqueue_dma source(%dma_start3A_53 : memref<128x128xf32, #tpu.memory_space<vmem>>) target(%dma_start3A_50 : memref<128x128xf32, #tpu.memory_space<hbm>>) target_semaphore(%run_scoped3A : memref<!tpu.dma_semaphore, #tpu.memory_space<semaphore_mem>>)
      %dma_wait3A = arith.constant 0 : i32
      %dma_wait3A_54 = arith.constant 0 : i32
      %dma_wait3A_55 = tpu.memref_slice %arg9[%dma_wait3A, %dma_wait3A_54] : memref<128x128xf32, #tpu.memory_space<vmem>> -> memref<128x128xf32, #tpu.memory_space<vmem>>
      %dma_wait3A_56 = arith.constant 0 : i32
      %dma_wait3A_57 = arith.constant 0 : i32
      %dma_wait3A_58 = tpu.memref_slice %arg5[%arg0, %dma_wait3A_56, %dma_wait3A_57] : memref<2x10112x128xf32, #tpu.memory_space<hbm>> -> memref<1x10112x128xf32, #tpu.memory_space<hbm>>
      %dma_wait3A_59 = tpu.memref_squeeze %dma_wait3A_58 : memref<1x10112x128xf32, #tpu.memory_space<hbm>> -> memref<10112x128xf32, #tpu.memory_space<hbm>>
      %dma_wait3A_60 = arith.constant 0 : i32
      %dma_wait3A_61 = tpu.memref_slice %dma_wait3A_59[%add3A_30, %dma_wait3A_60] : memref<10112x128xf32, #tpu.memory_space<hbm>> -> memref<128x128xf32, #tpu.memory_space<hbm>>
      %dma_wait3A_62 = arith.constant 0 : i32
      %dma_wait3A_63 = arith.constant 0 : i32
      %dma_wait3A_64 = tpu.memref_slice %arg5[%arg0, %dma_wait3A_62, %dma_wait3A_63] : memref<2x10112x128xf32, #tpu.memory_space<hbm>> -> memref<1x10112x128xf32, #tpu.memory_space<hbm>>
      %dma_wait3A_65 = tpu.memref_squeeze %dma_wait3A_64 : memref<1x10112x128xf32, #tpu.memory_space<hbm>> -> memref<10112x128xf32, #tpu.memory_space<hbm>>
      %dma_wait3A_66 = arith.constant 0 : i32
      %dma_wait3A_67 = tpu.memref_slice %dma_wait3A_65[%add3A_30, %dma_wait3A_66] : memref<10112x128xf32, #tpu.memory_space<hbm>> -> memref<128x128xf32, #tpu.memory_space<hbm>>
      %dma_wait3A_68 = arith.constant 0 : i32
      %dma_wait3A_69 = arith.constant 0 : i32
      %dma_wait3A_70 = tpu.memref_slice %arg9[%dma_wait3A_68, %dma_wait3A_69] : memref<128x128xf32, #tpu.memory_space<vmem>> -> memref<128x128xf32, #tpu.memory_space<vmem>>
      tpu.wait_dma2 semaphore(%run_scoped3A : memref<!tpu.dma_semaphore, #tpu.memory_space<semaphore_mem>>) src(%dma_wait3A_70 : memref<128x128xf32, #tpu.memory_space<vmem>>) dst(%dma_wait3A_67 : memref<128x128xf32, #tpu.memory_space<hbm>>)
      tpu.yield
    }) : () -> ()
    %add3A_31 = arith.constant 128 : i32
    %add3A_32 = arith.addi %add3A_30, %add3A_31 : i32
    "tpu.region"() ({
      %run_scoped3A = tpu.sem_alloc : memref<!tpu.dma_semaphore, #tpu.memory_space<semaphore_mem>>
      %dma_start3A = arith.constant 0 : i32
      %dma_start3A_37 = arith.constant 0 : i32
      %dma_start3A_38 = tpu.memref_slice %arg9[%dma_start3A, %dma_start3A_37] : memref<128x128xf32, #tpu.memory_space<vmem>> -> memref<128x128xf32, #tpu.memory_space<vmem>>
      %dma_start3A_39 = arith.constant 0 : i32
      %dma_start3A_40 = tpu.memref_slice %arg10[%add3A_32, %dma_start3A_39] : memref<10112x128xf32, #tpu.memory_space<vmem_shared>> -> memref<128x128xf32, #tpu.memory_space<vmem_shared>>
      %dma_start3A_41 = arith.constant 0 : i32
      %dma_start3A_42 = arith.constant 0 : i32
      %dma_start3A_43 = tpu.memref_slice %arg9[%dma_start3A_41, %dma_start3A_42] : memref<128x128xf32, #tpu.memory_space<vmem>> -> memref<128x128xf32, #tpu.memory_space<vmem>>
      %dma_start3A_44 = arith.constant 0 : i32
      %dma_start3A_45 = tpu.memref_slice %arg10[%add3A_32, %dma_start3A_44] : memref<10112x128xf32, #tpu.memory_space<vmem_shared>> -> memref<128x128xf32, #tpu.memory_space<vmem_shared>>
      tpu.enqueue_dma source(%dma_start3A_45 : memref<128x128xf32, #tpu.memory_space<vmem_shared>>) target(%dma_start3A_43 : memref<128x128xf32, #tpu.memory_space<vmem>>) target_semaphore(%run_scoped3A : memref<!tpu.dma_semaphore, #tpu.memory_space<semaphore_mem>>)
      %dma_wait3A = arith.constant 0 : i32
      %dma_wait3A_46 = arith.constant 0 : i32
      %dma_wait3A_47 = tpu.memref_slice %arg9[%dma_wait3A, %dma_wait3A_46] : memref<128x128xf32, #tpu.memory_space<vmem>> -> memref<128x128xf32, #tpu.memory_space<vmem>>
      %dma_wait3A_48 = arith.constant 0 : i32
      %dma_wait3A_49 = tpu.memref_slice %arg10[%add3A_32, %dma_wait3A_48] : memref<10112x128xf32, #tpu.memory_space<vmem_shared>> -> memref<128x128xf32, #tpu.memory_space<vmem_shared>>
      %dma_wait3A_50 = arith.constant 0 : i32
      %dma_wait3A_51 = arith.constant 0 : i32
      %dma_wait3A_52 = tpu.memref_slice %arg9[%dma_wait3A_50, %dma_wait3A_51] : memref<128x128xf32, #tpu.memory_space<vmem>> -> memref<128x128xf32, #tpu.memory_space<vmem>>
      %dma_wait3A_53 = arith.constant 0 : i32
      %dma_wait3A_54 = tpu.memref_slice %arg10[%add3A_32, %dma_wait3A_53] : memref<10112x128xf32, #tpu.memory_space<vmem_shared>> -> memref<128x128xf32, #tpu.memory_space<vmem_shared>>
      tpu.wait_dma2 semaphore(%run_scoped3A : memref<!tpu.dma_semaphore, #tpu.memory_space<semaphore_mem>>) src(%dma_wait3A_54 : memref<128x128xf32, #tpu.memory_space<vmem_shared>>) dst(%dma_wait3A_52 : memref<128x128xf32, #tpu.memory_space<vmem>>)
      tpu.yield
    }) : () -> ()
    "tpu.region"() ({
      %run_scoped3A = tpu.sem_alloc : memref<!tpu.dma_semaphore, #tpu.memory_space<semaphore_mem>>
      %dma_start3A = arith.constant 0 : i32
      %dma_start3A_37 = arith.constant 0 : i32
      %dma_start3A_38 = tpu.memref_slice %arg9[%dma_start3A, %dma_start3A_37] : memref<128x128xf32, #tpu.memory_space<vmem>> -> memref<128x128xf32, #tpu.memory_space<vmem>>
      %dma_start3A_39 = arith.constant 0 : i32
      %dma_start3A_40 = arith.constant 0 : i32
      %dma_start3A_41 = tpu.memref_slice %arg5[%arg0, %dma_start3A_39, %dma_start3A_40] : memref<2x10112x128xf32, #tpu.memory_space<hbm>> -> memref<1x10112x128xf32, #tpu.memory_space<hbm>>
      %dma_start3A_42 = tpu.memref_squeeze %dma_start3A_41 : memref<1x10112x128xf32, #tpu.memory_space<hbm>> -> memref<10112x128xf32, #tpu.memory_space<hbm>>
      %dma_start3A_43 = arith.constant 0 : i32
      %dma_start3A_44 = tpu.memref_slice %dma_start3A_42[%add3A_32, %dma_start3A_43] : memref<10112x128xf32, #tpu.memory_space<hbm>> -> memref<128x128xf32, #tpu.memory_space<hbm>>
      %dma_start3A_45 = arith.constant 0 : i32
      %dma_start3A_46 = arith.constant 0 : i32
      %dma_start3A_47 = tpu.memref_slice %arg5[%arg0, %dma_start3A_45, %dma_start3A_46] : memref<2x10112x128xf32, #tpu.memory_space<hbm>> -> memref<1x10112x128xf32, #tpu.memory_space<hbm>>
      %dma_start3A_48 = tpu.memref_squeeze %dma_start3A_47 : memref<1x10112x128xf32, #tpu.memory_space<hbm>> -> memref<10112x128xf32, #tpu.memory_space<hbm>>
      %dma_start3A_49 = arith.constant 0 : i32
      %dma_start3A_50 = tpu.memref_slice %dma_start3A_48[%add3A_32, %dma_start3A_49] : memref<10112x128xf32, #tpu.memory_space<hbm>> -> memref<128x128xf32, #tpu.memory_space<hbm>>
      %dma_start3A_51 = arith.constant 0 : i32
      %dma_start3A_52 = arith.constant 0 : i32
      %dma_start3A_53 = tpu.memref_slice %arg9[%dma_start3A_51, %dma_start3A_52] : memref<128x128xf32, #tpu.memory_space<vmem>> -> memref<128x128xf32, #tpu.memory_space<vmem>>
      tpu.enqueue_dma source(%dma_start3A_53 : memref<128x128xf32, #tpu.memory_space<vmem>>) target(%dma_start3A_50 : memref<128x128xf32, #tpu.memory_space<hbm>>) target_semaphore(%run_scoped3A : memref<!tpu.dma_semaphore, #tpu.memory_space<semaphore_mem>>)
      %dma_wait3A = arith.constant 0 : i32
      %dma_wait3A_54 = arith.constant 0 : i32
      %dma_wait3A_55 = tpu.memref_slice %arg9[%dma_wait3A, %dma_wait3A_54] : memref<128x128xf32, #tpu.memory_space<vmem>> -> memref<128x128xf32, #tpu.memory_space<vmem>>
      %dma_wait3A_56 = arith.constant 0 : i32
      %dma_wait3A_57 = arith.constant 0 : i32
      %dma_wait3A_58 = tpu.memref_slice %arg5[%arg0, %dma_wait3A_56, %dma_wait3A_57] : memref<2x10112x128xf32, #tpu.memory_space<hbm>> -> memref<1x10112x128xf32, #tpu.memory_space<hbm>>
      %dma_wait3A_59 = tpu.memref_squeeze %dma_wait3A_58 : memref<1x10112x128xf32, #tpu.memory_space<hbm>> -> memref<10112x128xf32, #tpu.memory_space<hbm>>
      %dma_wait3A_60 = arith.constant 0 : i32
      %dma_wait3A_61 = tpu.memref_slice %dma_wait3A_59[%add3A_32, %dma_wait3A_60] : memref<10112x128xf32, #tpu.memory_space<hbm>> -> memref<128x128xf32, #tpu.memory_space<hbm>>
      %dma_wait3A_62 = arith.constant 0 : i32
      %dma_wait3A_63 = arith.constant 0 : i32
      %dma_wait3A_64 = tpu.memref_slice %arg5[%arg0, %dma_wait3A_62, %dma_wait3A_63] : memref<2x10112x128xf32, #tpu.memory_space<hbm>> -> memref<1x10112x128xf32, #tpu.memory_space<hbm>>
      %dma_wait3A_65 = tpu.memref_squeeze %dma_wait3A_64 : memref<1x10112x128xf32, #tpu.memory_space<hbm>> -> memref<10112x128xf32, #tpu.memory_space<hbm>>
      %dma_wait3A_66 = arith.constant 0 : i32
      %dma_wait3A_67 = tpu.memref_slice %dma_wait3A_65[%add3A_32, %dma_wait3A_66] : memref<10112x128xf32, #tpu.memory_space<hbm>> -> memref<128x128xf32, #tpu.memory_space<hbm>>
      %dma_wait3A_68 = arith.constant 0 : i32
      %dma_wait3A_69 = arith.constant 0 : i32
      %dma_wait3A_70 = tpu.memref_slice %arg9[%dma_wait3A_68, %dma_wait3A_69] : memref<128x128xf32, #tpu.memory_space<vmem>> -> memref<128x128xf32, #tpu.memory_space<vmem>>
      tpu.wait_dma2 semaphore(%run_scoped3A : memref<!tpu.dma_semaphore, #tpu.memory_space<semaphore_mem>>) src(%dma_wait3A_70 : memref<128x128xf32, #tpu.memory_space<vmem>>) dst(%dma_wait3A_67 : memref<128x128xf32, #tpu.memory_space<hbm>>)
      tpu.yield
    }) : () -> ()
    %add3A_33 = arith.constant 128 : i32
    %add3A_34 = arith.addi %add3A_32, %add3A_33 : i32
    "tpu.region"() ({
      %run_scoped3A = tpu.sem_alloc : memref<!tpu.dma_semaphore, #tpu.memory_space<semaphore_mem>>
      %dma_start3A = arith.constant 0 : i32
      %dma_start3A_37 = arith.constant 0 : i32
      %dma_start3A_38 = tpu.memref_slice %arg9[%dma_start3A, %dma_start3A_37] : memref<128x128xf32, #tpu.memory_space<vmem>> -> memref<120x128xf32, #tpu.memory_space<vmem>>
      %dma_start3A_39 = arith.constant 0 : i32
      %dma_start3A_40 = tpu.memref_slice %arg10[%add3A_34, %dma_start3A_39] : memref<10112x128xf32, #tpu.memory_space<vmem_shared>> -> memref<120x128xf32, #tpu.memory_space<vmem_shared>>
      %dma_start3A_41 = arith.constant 0 : i32
      %dma_start3A_42 = arith.constant 0 : i32
      %dma_start3A_43 = tpu.memref_slice %arg9[%dma_start3A_41, %dma_start3A_42] : memref<128x128xf32, #tpu.memory_space<vmem>> -> memref<120x128xf32, #tpu.memory_space<vmem>>
      %dma_start3A_44 = arith.constant 0 : i32
      %dma_start3A_45 = tpu.memref_slice %arg10[%add3A_34, %dma_start3A_44] : memref<10112x128xf32, #tpu.memory_space<vmem_shared>> -> memref<120x128xf32, #tpu.memory_space<vmem_shared>>
      tpu.enqueue_dma source(%dma_start3A_45 : memref<120x128xf32, #tpu.memory_space<vmem_shared>>) target(%dma_start3A_43 : memref<120x128xf32, #tpu.memory_space<vmem>>) target_semaphore(%run_scoped3A : memref<!tpu.dma_semaphore, #tpu.memory_space<semaphore_mem>>)
      %dma_wait3A = arith.constant 0 : i32
      %dma_wait3A_46 = arith.constant 0 : i32
      %dma_wait3A_47 = tpu.memref_slice %arg9[%dma_wait3A, %dma_wait3A_46] : memref<128x128xf32, #tpu.memory_space<vmem>> -> memref<120x128xf32, #tpu.memory_space<vmem>>
      %dma_wait3A_48 = arith.constant 0 : i32
      %dma_wait3A_49 = tpu.memref_slice %arg10[%add3A_34, %dma_wait3A_48] : memref<10112x128xf32, #tpu.memory_space<vmem_shared>> -> memref<120x128xf32, #tpu.memory_space<vmem_shared>>
      %dma_wait3A_50 = arith.constant 0 : i32
      %dma_wait3A_51 = arith.constant 0 : i32
      %dma_wait3A_52 = tpu.memref_slice %arg9[%dma_wait3A_50, %dma_wait3A_51] : memref<128x128xf32, #tpu.memory_space<vmem>> -> memref<120x128xf32, #tpu.memory_space<vmem>>
      %dma_wait3A_53 = arith.constant 0 : i32
      %dma_wait3A_54 = tpu.memref_slice %arg10[%add3A_34, %dma_wait3A_53] : memref<10112x128xf32, #tpu.memory_space<vmem_shared>> -> memref<120x128xf32, #tpu.memory_space<vmem_shared>>
      tpu.wait_dma2 semaphore(%run_scoped3A : memref<!tpu.dma_semaphore, #tpu.memory_space<semaphore_mem>>) src(%dma_wait3A_54 : memref<120x128xf32, #tpu.memory_space<vmem_shared>>) dst(%dma_wait3A_52 : memref<120x128xf32, #tpu.memory_space<vmem>>)
      tpu.yield
    }) : () -> ()
    "tpu.region"() ({
      %run_scoped3A = tpu.sem_alloc : memref<!tpu.dma_semaphore, #tpu.memory_space<semaphore_mem>>
      %dma_start3A = arith.constant 0 : i32
      %dma_start3A_37 = arith.constant 0 : i32
      %dma_start3A_38 = tpu.memref_slice %arg9[%dma_start3A, %dma_start3A_37] : memref<128x128xf32, #tpu.memory_space<vmem>> -> memref<120x128xf32, #tpu.memory_space<vmem>>
      %dma_start3A_39 = arith.constant 0 : i32
      %dma_start3A_40 = arith.constant 0 : i32
      %dma_start3A_41 = tpu.memref_slice %arg5[%arg0, %dma_start3A_39, %dma_start3A_40] : memref<2x10112x128xf32, #tpu.memory_space<hbm>> -> memref<1x10112x128xf32, #tpu.memory_space<hbm>>
      %dma_start3A_42 = tpu.memref_squeeze %dma_start3A_41 : memref<1x10112x128xf32, #tpu.memory_space<hbm>> -> memref<10112x128xf32, #tpu.memory_space<hbm>>
      %dma_start3A_43 = arith.constant 0 : i32
      %dma_start3A_44 = tpu.memref_slice %dma_start3A_42[%add3A_34, %dma_start3A_43] : memref<10112x128xf32, #tpu.memory_space<hbm>> -> memref<120x128xf32, #tpu.memory_space<hbm>>
      %dma_start3A_45 = arith.constant 0 : i32
      %dma_start3A_46 = arith.constant 0 : i32
      %dma_start3A_47 = tpu.memref_slice %arg5[%arg0, %dma_start3A_45, %dma_start3A_46] : memref<2x10112x128xf32, #tpu.memory_space<hbm>> -> memref<1x10112x128xf32, #tpu.memory_space<hbm>>
      %dma_start3A_48 = tpu.memref_squeeze %dma_start3A_47 : memref<1x10112x128xf32, #tpu.memory_space<hbm>> -> memref<10112x128xf32, #tpu.memory_space<hbm>>
      %dma_start3A_49 = arith.constant 0 : i32
      %dma_start3A_50 = tpu.memref_slice %dma_start3A_48[%add3A_34, %dma_start3A_49] : memref<10112x128xf32, #tpu.memory_space<hbm>> -> memref<120x128xf32, #tpu.memory_space<hbm>>
      %dma_start3A_51 = arith.constant 0 : i32
      %dma_start3A_52 = arith.constant 0 : i32
      %dma_start3A_53 = tpu.memref_slice %arg9[%dma_start3A_51, %dma_start3A_52] : memref<128x128xf32, #tpu.memory_space<vmem>> -> memref<120x128xf32, #tpu.memory_space<vmem>>
      tpu.enqueue_dma source(%dma_start3A_53 : memref<120x128xf32, #tpu.memory_space<vmem>>) target(%dma_start3A_50 : memref<120x128xf32, #tpu.memory_space<hbm>>) target_semaphore(%run_scoped3A : memref<!tpu.dma_semaphore, #tpu.memory_space<semaphore_mem>>)
      %dma_wait3A = arith.constant 0 : i32
      %dma_wait3A_54 = arith.constant 0 : i32
      %dma_wait3A_55 = tpu.memref_slice %arg9[%dma_wait3A, %dma_wait3A_54] : memref<128x128xf32, #tpu.memory_space<vmem>> -> memref<120x128xf32, #tpu.memory_space<vmem>>
      %dma_wait3A_56 = arith.constant 0 : i32
      %dma_wait3A_57 = arith.constant 0 : i32
      %dma_wait3A_58 = tpu.memref_slice %arg5[%arg0, %dma_wait3A_56, %dma_wait3A_57] : memref<2x10112x128xf32, #tpu.memory_space<hbm>> -> memref<1x10112x128xf32, #tpu.memory_space<hbm>>
      %dma_wait3A_59 = tpu.memref_squeeze %dma_wait3A_58 : memref<1x10112x128xf32, #tpu.memory_space<hbm>> -> memref<10112x128xf32, #tpu.memory_space<hbm>>
      %dma_wait3A_60 = arith.constant 0 : i32
      %dma_wait3A_61 = tpu.memref_slice %dma_wait3A_59[%add3A_34, %dma_wait3A_60] : memref<10112x128xf32, #tpu.memory_space<hbm>> -> memref<120x128xf32, #tpu.memory_space<hbm>>
      %dma_wait3A_62 = arith.constant 0 : i32
      %dma_wait3A_63 = arith.constant 0 : i32
      %dma_wait3A_64 = tpu.memref_slice %arg5[%arg0, %dma_wait3A_62, %dma_wait3A_63] : memref<2x10112x128xf32, #tpu.memory_space<hbm>> -> memref<1x10112x128xf32, #tpu.memory_space<hbm>>
      %dma_wait3A_65 = tpu.memref_squeeze %dma_wait3A_64 : memref<1x10112x128xf32, #tpu.memory_space<hbm>> -> memref<10112x128xf32, #tpu.memory_space<hbm>>
      %dma_wait3A_66 = arith.constant 0 : i32
      %dma_wait3A_67 = tpu.memref_slice %dma_wait3A_65[%add3A_34, %dma_wait3A_66] : memref<10112x128xf32, #tpu.memory_space<hbm>> -> memref<120x128xf32, #tpu.memory_space<hbm>>
      %dma_wait3A_68 = arith.constant 0 : i32
      %dma_wait3A_69 = arith.constant 0 : i32
      %dma_wait3A_70 = tpu.memref_slice %arg9[%dma_wait3A_68, %dma_wait3A_69] : memref<128x128xf32, #tpu.memory_space<vmem>> -> memref<120x128xf32, #tpu.memory_space<vmem>>
      tpu.wait_dma2 semaphore(%run_scoped3A : memref<!tpu.dma_semaphore, #tpu.memory_space<semaphore_mem>>) src(%dma_wait3A_70 : memref<120x128xf32, #tpu.memory_space<vmem>>) dst(%dma_wait3A_67 : memref<120x128xf32, #tpu.memory_space<hbm>>)
      tpu.yield
    }) : () -> ()
    %add3A_35 = arith.constant 120 : i32
    %add3A_36 = arith.addi %add3A_34, %add3A_35 : i32
    return
  }
}

#map = affine_map<(d0, d1) -> (0)>
#map1 = affine_map<(d0, d1) -> (0, 0, 0)>
module attributes {stable_mosaic.version = 14 : i64} {
  func.func @_deg_kernel(%arg0: i32, %arg1: i32, %arg2: memref<320000xi32, #tpu.memory_space<hbm>>, %arg3: memref<2x10112x128xf32, #tpu.memory_space<hbm>>, %arg4: memref<5x80xi32, #tpu.memory_space<vmem>>, %arg5: memref<80x128xf32, #tpu.memory_space<vmem>>, %arg6: memref<128x128xf32, #tpu.memory_space<vmem>>, %arg7: memref<10112x128xf32, #tpu.memory_space<vmem_shared>>, %arg8: memref<!tpu.dma_semaphore, #tpu.memory_space<semaphore_mem>>, %arg9: memref<!tpu.dma_semaphore, #tpu.memory_space<semaphore_mem>>, %arg10: memref<!tpu.dma_semaphore, #tpu.memory_space<semaphore_mem>>, %arg11: memref<!tpu.dma_semaphore, #tpu.memory_space<semaphore_mem>>, %arg12: memref<!tpu.dma_semaphore, #tpu.memory_space<semaphore_mem>>) attributes {dimension_semantics = [#tpu.dimension_semantics<core_parallel>, #tpu.dimension_semantics<subcore_parallel>], iteration_bounds = array<i64: 2, 16>, scalar_prefetch = 0 : i64, scratch_operands = 9 : i64, tpu.core_type = #tpu.core_type<sc_vector_subcore>, window_params = [{transform_indices = #map}, {transform_indices = #map1}]} {
    %iota3A = tpu.iota {dimensions = array<i32: 0>} : vector<16xi32>
    %eq3A = arith.constant 0 : i32
    %eq3A_0 = vector.broadcast %eq3A : i32 to vector<16xi32>
    %eq3A_1 = arith.cmpi eq, %iota3A, %eq3A_0 : vector<16xi32>
    %jit3A = arith.constant 1.000000e+00 : f32
    %jit3A_2 = arith.constant 0.000000e+00 : f32
    %broadcast_in_dim3A = vector.broadcast %jit3A : f32 to vector<16xf32>
    %broadcast_in_dim3A_3 = vector.broadcast %jit3A_2 : f32 to vector<16xf32>
    %select_n3A = arith.select %eq3A_1, %broadcast_in_dim3A, %broadcast_in_dim3A_3 : vector<16xi1>, vector<16xf32>
    %broadcast_in_dim3A_4 = arith.constant 0.000000e+00 : f32
    %broadcast_in_dim3A_5 = vector.broadcast %broadcast_in_dim3A_4 : f32 to vector<16xf32>
    %scan3A = arith.constant 0 : i32
    %scan3A_6 = arith.constant 0 : i32
    %scan3A_7 = arith.constant 640 : i32
    %scan3A_8 = arith.addi %scan3A_6, %scan3A_7 : i32
    %scan3A_9 = arith.constant 1 : i32
    %scan3A_10 = scf.for %scan3A_52 = %scan3A_6 to %scan3A_8 step %scan3A_9 iter_args(%scan3A_53 = %scan3A) -> (i32)  : i32 {
      %jit3A_54 = arith.constant 8 : i32
      %eq3A_55 = arith.constant 0 : i32
      %eq3A_56 = arith.cmpi eq, %jit3A_54, %eq3A_55 : i32
      %jit3A_57 = arith.constant 1 : i32
      %select_n3A_58 = arith.select %eq3A_56, %jit3A_57, %jit3A_54 : i32
      %rem3A = arith.remsi %scan3A_52, %select_n3A_58 : i32
      %ne3A = arith.constant 0 : i32
      %ne3A_59 = arith.cmpi ne, %rem3A, %ne3A : i32
      %lt3A = arith.constant 0 : i32
      %lt3A_60 = arith.cmpi slt, %rem3A, %lt3A : i32
      %lt3A_61 = arith.constant 0 : i32
      %lt3A_62 = arith.cmpi slt, %select_n3A_58, %lt3A_61 : i32
      %ne3A_63 = arith.xori %lt3A_60, %lt3A_62 : i1
      %and3A = arith.andi %ne3A_63, %ne3A_59 : i1
      %add3A_64 = arith.addi %rem3A, %select_n3A_58 : i32
      %select_n3A_65 = arith.select %and3A, %add3A_64, %rem3A : i32
      %eq3A_66 = arith.constant 0 : i32
      %eq3A_67 = arith.cmpi eq, %select_n3A_65, %eq3A_66 : i32
      %select_n3A_68 = arith.select %eq3A_67, %select_n3A, %broadcast_in_dim3A_5 : vector<16xf32>
      %jit3A_69 = arith.constant 8 : i32
      %div3A = arith.divsi %scan3A_52, %jit3A_69 : i32
      %sign3A = arith.constant 0 : i32
      %sign3A_70 = arith.cmpi sgt, %scan3A_52, %sign3A : i32
      %sign3A_71 = arith.extui %sign3A_70 : i1 to i32
      %sign3A_72 = arith.constant 0 : i32
      %sign3A_73 = arith.cmpi slt, %scan3A_52, %sign3A_72 : i32
      %sign3A_74 = arith.extui %sign3A_73 : i1 to i32
      %sign3A_75 = arith.subi %sign3A_71, %sign3A_74 : i32
      %sign3A_76 = arith.constant 0 : i32
      %sign3A_77 = arith.cmpi sgt, %jit3A_69, %sign3A_76 : i32
      %sign3A_78 = arith.extui %sign3A_77 : i1 to i32
      %sign3A_79 = arith.constant 0 : i32
      %sign3A_80 = arith.cmpi slt, %jit3A_69, %sign3A_79 : i32
      %sign3A_81 = arith.extui %sign3A_80 : i1 to i32
      %sign3A_82 = arith.subi %sign3A_78, %sign3A_81 : i32
      %ne3A_83 = arith.cmpi ne, %sign3A_75, %sign3A_82 : i32
      %rem3A_84 = arith.remsi %scan3A_52, %jit3A_69 : i32
      %ne3A_85 = arith.constant 0 : i32
      %ne3A_86 = arith.cmpi ne, %rem3A_84, %ne3A_85 : i32
      %and3A_87 = arith.andi %ne3A_83, %ne3A_86 : i1
      %sub3A = arith.constant 1 : i32
      %sub3A_88 = arith.subi %div3A, %sub3A : i32
      %select_n3A_89 = arith.select %and3A_87, %sub3A_88, %div3A : i32
      %jit3A_90 = arith.constant 8 : i32
      %eq3A_91 = arith.constant 0 : i32
      %eq3A_92 = arith.cmpi eq, %jit3A_90, %eq3A_91 : i32
      %jit3A_93 = arith.constant 1 : i32
      %select_n3A_94 = arith.select %eq3A_92, %jit3A_93, %jit3A_90 : i32
      %rem3A_95 = arith.remsi %scan3A_52, %select_n3A_94 : i32
      %ne3A_96 = arith.constant 0 : i32
      %ne3A_97 = arith.cmpi ne, %rem3A_95, %ne3A_96 : i32
      %lt3A_98 = arith.constant 0 : i32
      %lt3A_99 = arith.cmpi slt, %rem3A_95, %lt3A_98 : i32
      %lt3A_100 = arith.constant 0 : i32
      %lt3A_101 = arith.cmpi slt, %select_n3A_94, %lt3A_100 : i32
      %ne3A_102 = arith.xori %lt3A_99, %lt3A_101 : i1
      %and3A_103 = arith.andi %ne3A_102, %ne3A_97 : i1
      %add3A_104 = arith.addi %rem3A_95, %select_n3A_94 : i32
      %select_n3A_105 = arith.select %and3A_103, %add3A_104, %rem3A_95 : i32
      %mul3A_106 = arith.constant 16 : i32
      %mul3A_107 = arith.muli %select_n3A_105, %mul3A_106 : i32
      %swap3A = arith.index_cast %select_n3A_89 : i32 to index
      %swap3A_108 = arith.index_cast %mul3A_107 : i32 to index
      %swap3A_109 = tpu.vector_load %arg5[%swap3A, %swap3A_108] {strides = array<i32>} : memref<80x128xf32, #tpu.memory_space<vmem>>, vector<1x16xf32>,
      %swap3A_110 = vector.shape_cast %swap3A_109 : vector<1x16xf32> to vector<16xf32>
      %swap3A_111 = vector.shape_cast %select_n3A_68 : vector<16xf32> to vector<1x16xf32>
      tpu.vector_store %arg5[%swap3A, %swap3A_108], %swap3A_111 {strides = array<i32>} : memref<80x128xf32, #tpu.memory_space<vmem>>, vector<1x16xf32>,
      %scan3A_112 = arith.constant 0 : i32
      scf.yield %scan3A_112 : i32
    }
    %scan3A_11 = arith.constant 640 : i32
    %scan3A_12 = arith.constant 0 : i32
    %scan3A_13 = arith.constant 0 : i32
    %scan3A_14 = arith.constant 1024 : i32
    %scan3A_15 = arith.addi %scan3A_13, %scan3A_14 : i32
    %scan3A_16 = arith.constant 1 : i32
    %scan3A_17 = scf.for %scan3A_52 = %scan3A_13 to %scan3A_15 step %scan3A_16 iter_args(%scan3A_53 = %scan3A_12) -> (i32)  : i32 {
      %jit3A_54 = arith.constant 8 : i32
      %div3A = arith.divsi %scan3A_52, %jit3A_54 : i32
      %sign3A = arith.constant 0 : i32
      %sign3A_55 = arith.cmpi sgt, %scan3A_52, %sign3A : i32
      %sign3A_56 = arith.extui %sign3A_55 : i1 to i32
      %sign3A_57 = arith.constant 0 : i32
      %sign3A_58 = arith.cmpi slt, %scan3A_52, %sign3A_57 : i32
      %sign3A_59 = arith.extui %sign3A_58 : i1 to i32
      %sign3A_60 = arith.subi %sign3A_56, %sign3A_59 : i32
      %sign3A_61 = arith.constant 0 : i32
      %sign3A_62 = arith.cmpi sgt, %jit3A_54, %sign3A_61 : i32
      %sign3A_63 = arith.extui %sign3A_62 : i1 to i32
      %sign3A_64 = arith.constant 0 : i32
      %sign3A_65 = arith.cmpi slt, %jit3A_54, %sign3A_64 : i32
      %sign3A_66 = arith.extui %sign3A_65 : i1 to i32
      %sign3A_67 = arith.subi %sign3A_63, %sign3A_66 : i32
      %ne3A = arith.cmpi ne, %sign3A_60, %sign3A_67 : i32
      %rem3A = arith.remsi %scan3A_52, %jit3A_54 : i32
      %ne3A_68 = arith.constant 0 : i32
      %ne3A_69 = arith.cmpi ne, %rem3A, %ne3A_68 : i32
      %and3A = arith.andi %ne3A, %ne3A_69 : i1
      %sub3A = arith.constant 1 : i32
      %sub3A_70 = arith.subi %div3A, %sub3A : i32
      %select_n3A_71 = arith.select %and3A, %sub3A_70, %div3A : i32
      %jit3A_72 = arith.constant 8 : i32
      %eq3A_73 = arith.constant 0 : i32
      %eq3A_74 = arith.cmpi eq, %jit3A_72, %eq3A_73 : i32
      %jit3A_75 = arith.constant 1 : i32
      %select_n3A_76 = arith.select %eq3A_74, %jit3A_75, %jit3A_72 : i32
      %rem3A_77 = arith.remsi %scan3A_52, %select_n3A_76 : i32
      %ne3A_78 = arith.constant 0 : i32
      %ne3A_79 = arith.cmpi ne, %rem3A_77, %ne3A_78 : i32
      %lt3A = arith.constant 0 : i32
      %lt3A_80 = arith.cmpi slt, %rem3A_77, %lt3A : i32
      %lt3A_81 = arith.constant 0 : i32
      %lt3A_82 = arith.cmpi slt, %select_n3A_76, %lt3A_81 : i32
      %ne3A_83 = arith.xori %lt3A_80, %lt3A_82 : i1
      %and3A_84 = arith.andi %ne3A_83, %ne3A_79 : i1
      %add3A_85 = arith.addi %rem3A_77, %select_n3A_76 : i32
      %select_n3A_86 = arith.select %and3A_84, %add3A_85, %rem3A_77 : i32
      %mul3A_87 = arith.constant 16 : i32
      %mul3A_88 = arith.muli %select_n3A_86, %mul3A_87 : i32
      %swap3A = arith.index_cast %select_n3A_71 : i32 to index
      %swap3A_89 = arith.index_cast %mul3A_88 : i32 to index
      %swap3A_90 = tpu.vector_load %arg6[%swap3A, %swap3A_89] {strides = array<i32>} : memref<128x128xf32, #tpu.memory_space<vmem>>, vector<1x16xf32>,
      %swap3A_91 = vector.shape_cast %swap3A_90 : vector<1x16xf32> to vector<16xf32>
      %swap3A_92 = vector.shape_cast %broadcast_in_dim3A_5 : vector<16xf32> to vector<1x16xf32>
      tpu.vector_store %arg6[%swap3A, %swap3A_89], %swap3A_92 {strides = array<i32>} : memref<128x128xf32, #tpu.memory_space<vmem>>, vector<1x16xf32>,
      %scan3A_93 = arith.constant 0 : i32
      scf.yield %scan3A_93 : i32
    }
    %scan3A_18 = arith.constant 1024 : i32
    %mul3A = arith.constant 632 : i32
    %mul3A_19 = arith.muli %arg1, %mul3A : i32
    "tpu.region"() ({
      %run_scoped3A = tpu.sem_alloc : memref<!tpu.dma_semaphore, #tpu.memory_space<semaphore_mem>>
      %dma_start3A = arith.constant 0 : i32
      %dma_start3A_52 = arith.constant 0 : i32
      %dma_start3A_53 = tpu.memref_slice %arg6[%dma_start3A, %dma_start3A_52] : memref<128x128xf32, #tpu.memory_space<vmem>> -> memref<128x128xf32, #tpu.memory_space<vmem>>
      %dma_start3A_54 = arith.constant 0 : i32
      %dma_start3A_55 = tpu.memref_slice %arg7[%mul3A_19, %dma_start3A_54] : memref<10112x128xf32, #tpu.memory_space<vmem_shared>> -> memref<128x128xf32, #tpu.memory_space<vmem_shared>>
      %dma_start3A_56 = arith.constant 0 : i32
      %dma_start3A_57 = tpu.memref_slice %arg7[%mul3A_19, %dma_start3A_56] : memref<10112x128xf32, #tpu.memory_space<vmem_shared>> -> memref<128x128xf32, #tpu.memory_space<vmem_shared>>
      %dma_start3A_58 = arith.constant 0 : i32
      %dma_start3A_59 = arith.constant 0 : i32
      %dma_start3A_60 = tpu.memref_slice %arg6[%dma_start3A_58, %dma_start3A_59] : memref<128x128xf32, #tpu.memory_space<vmem>> -> memref<128x128xf32, #tpu.memory_space<vmem>>
      tpu.enqueue_dma source(%dma_start3A_60 : memref<128x128xf32, #tpu.memory_space<vmem>>) target(%dma_start3A_57 : memref<128x128xf32, #tpu.memory_space<vmem_shared>>) target_semaphore(%run_scoped3A : memref<!tpu.dma_semaphore, #tpu.memory_space<semaphore_mem>>)
      %dma_wait3A = arith.constant 0 : i32
      %dma_wait3A_61 = arith.constant 0 : i32
      %dma_wait3A_62 = tpu.memref_slice %arg6[%dma_wait3A, %dma_wait3A_61] : memref<128x128xf32, #tpu.memory_space<vmem>> -> memref<128x128xf32, #tpu.memory_space<vmem>>
      %dma_wait3A_63 = arith.constant 0 : i32
      %dma_wait3A_64 = tpu.memref_slice %arg7[%mul3A_19, %dma_wait3A_63] : memref<10112x128xf32, #tpu.memory_space<vmem_shared>> -> memref<128x128xf32, #tpu.memory_space<vmem_shared>>
      %dma_wait3A_65 = arith.constant 0 : i32
      %dma_wait3A_66 = tpu.memref_slice %arg7[%mul3A_19, %dma_wait3A_65] : memref<10112x128xf32, #tpu.memory_space<vmem_shared>> -> memref<128x128xf32, #tpu.memory_space<vmem_shared>>
      %dma_wait3A_67 = arith.constant 0 : i32
      %dma_wait3A_68 = arith.constant 0 : i32
      %dma_wait3A_69 = tpu.memref_slice %arg6[%dma_wait3A_67, %dma_wait3A_68] : memref<128x128xf32, #tpu.memory_space<vmem>> -> memref<128x128xf32, #tpu.memory_space<vmem>>
      tpu.wait_dma2 semaphore(%run_scoped3A : memref<!tpu.dma_semaphore, #tpu.memory_space<semaphore_mem>>) src(%dma_wait3A_69 : memref<128x128xf32, #tpu.memory_space<vmem>>) dst(%dma_wait3A_66 : memref<128x128xf32, #tpu.memory_space<vmem_shared>>)
      tpu.yield
    }) : () -> ()
    %add3A = arith.constant 128 : i32
    %add3A_20 = arith.addi %mul3A_19, %add3A : i32
    "tpu.region"() ({
      %run_scoped3A = tpu.sem_alloc : memref<!tpu.dma_semaphore, #tpu.memory_space<semaphore_mem>>
      %dma_start3A = arith.constant 0 : i32
      %dma_start3A_52 = arith.constant 0 : i32
      %dma_start3A_53 = tpu.memref_slice %arg6[%dma_start3A, %dma_start3A_52] : memref<128x128xf32, #tpu.memory_space<vmem>> -> memref<128x128xf32, #tpu.memory_space<vmem>>
      %dma_start3A_54 = arith.constant 0 : i32
      %dma_start3A_55 = tpu.memref_slice %arg7[%add3A_20, %dma_start3A_54] : memref<10112x128xf32, #tpu.memory_space<vmem_shared>> -> memref<128x128xf32, #tpu.memory_space<vmem_shared>>
      %dma_start3A_56 = arith.constant 0 : i32
      %dma_start3A_57 = tpu.memref_slice %arg7[%add3A_20, %dma_start3A_56] : memref<10112x128xf32, #tpu.memory_space<vmem_shared>> -> memref<128x128xf32, #tpu.memory_space<vmem_shared>>
      %dma_start3A_58 = arith.constant 0 : i32
      %dma_start3A_59 = arith.constant 0 : i32
      %dma_start3A_60 = tpu.memref_slice %arg6[%dma_start3A_58, %dma_start3A_59] : memref<128x128xf32, #tpu.memory_space<vmem>> -> memref<128x128xf32, #tpu.memory_space<vmem>>
      tpu.enqueue_dma source(%dma_start3A_60 : memref<128x128xf32, #tpu.memory_space<vmem>>) target(%dma_start3A_57 : memref<128x128xf32, #tpu.memory_space<vmem_shared>>) target_semaphore(%run_scoped3A : memref<!tpu.dma_semaphore, #tpu.memory_space<semaphore_mem>>)
      %dma_wait3A = arith.constant 0 : i32
      %dma_wait3A_61 = arith.constant 0 : i32
      %dma_wait3A_62 = tpu.memref_slice %arg6[%dma_wait3A, %dma_wait3A_61] : memref<128x128xf32, #tpu.memory_space<vmem>> -> memref<128x128xf32, #tpu.memory_space<vmem>>
      %dma_wait3A_63 = arith.constant 0 : i32
      %dma_wait3A_64 = tpu.memref_slice %arg7[%add3A_20, %dma_wait3A_63] : memref<10112x128xf32, #tpu.memory_space<vmem_shared>> -> memref<128x128xf32, #tpu.memory_space<vmem_shared>>
      %dma_wait3A_65 = arith.constant 0 : i32
      %dma_wait3A_66 = tpu.memref_slice %arg7[%add3A_20, %dma_wait3A_65] : memref<10112x128xf32, #tpu.memory_space<vmem_shared>> -> memref<128x128xf32, #tpu.memory_space<vmem_shared>>
      %dma_wait3A_67 = arith.constant 0 : i32
      %dma_wait3A_68 = arith.constant 0 : i32
      %dma_wait3A_69 = tpu.memref_slice %arg6[%dma_wait3A_67, %dma_wait3A_68] : memref<128x128xf32, #tpu.memory_space<vmem>> -> memref<128x128xf32, #tpu.memory_space<vmem>>
      tpu.wait_dma2 semaphore(%run_scoped3A : memref<!tpu.dma_semaphore, #tpu.memory_space<semaphore_mem>>) src(%dma_wait3A_69 : memref<128x128xf32, #tpu.memory_space<vmem>>) dst(%dma_wait3A_66 : memref<128x128xf32, #tpu.memory_space<vmem_shared>>)
      tpu.yield
    }) : () -> ()
    %add3A_21 = arith.constant 128 : i32
    %add3A_22 = arith.addi %add3A_20, %add3A_21 : i32
    "tpu.region"() ({
      %run_scoped3A = tpu.sem_alloc : memref<!tpu.dma_semaphore, #tpu.memory_space<semaphore_mem>>
      %dma_start3A = arith.constant 0 : i32
      %dma_start3A_52 = arith.constant 0 : i32
      %dma_start3A_53 = tpu.memref_slice %arg6[%dma_start3A, %dma_start3A_52] : memref<128x128xf32, #tpu.memory_space<vmem>> -> memref<128x128xf32, #tpu.memory_space<vmem>>
      %dma_start3A_54 = arith.constant 0 : i32
      %dma_start3A_55 = tpu.memref_slice %arg7[%add3A_22, %dma_start3A_54] : memref<10112x128xf32, #tpu.memory_space<vmem_shared>> -> memref<128x128xf32, #tpu.memory_space<vmem_shared>>
      %dma_start3A_56 = arith.constant 0 : i32
      %dma_start3A_57 = tpu.memref_slice %arg7[%add3A_22, %dma_start3A_56] : memref<10112x128xf32, #tpu.memory_space<vmem_shared>> -> memref<128x128xf32, #tpu.memory_space<vmem_shared>>
      %dma_start3A_58 = arith.constant 0 : i32
      %dma_start3A_59 = arith.constant 0 : i32
      %dma_start3A_60 = tpu.memref_slice %arg6[%dma_start3A_58, %dma_start3A_59] : memref<128x128xf32, #tpu.memory_space<vmem>> -> memref<128x128xf32, #tpu.memory_space<vmem>>
      tpu.enqueue_dma source(%dma_start3A_60 : memref<128x128xf32, #tpu.memory_space<vmem>>) target(%dma_start3A_57 : memref<128x128xf32, #tpu.memory_space<vmem_shared>>) target_semaphore(%run_scoped3A : memref<!tpu.dma_semaphore, #tpu.memory_space<semaphore_mem>>)
      %dma_wait3A = arith.constant 0 : i32
      %dma_wait3A_61 = arith.constant 0 : i32
      %dma_wait3A_62 = tpu.memref_slice %arg6[%dma_wait3A, %dma_wait3A_61] : memref<128x128xf32, #tpu.memory_space<vmem>> -> memref<128x128xf32, #tpu.memory_space<vmem>>
      %dma_wait3A_63 = arith.constant 0 : i32
      %dma_wait3A_64 = tpu.memref_slice %arg7[%add3A_22, %dma_wait3A_63] : memref<10112x128xf32, #tpu.memory_space<vmem_shared>> -> memref<128x128xf32, #tpu.memory_space<vmem_shared>>
      %dma_wait3A_65 = arith.constant 0 : i32
      %dma_wait3A_66 = tpu.memref_slice %arg7[%add3A_22, %dma_wait3A_65] : memref<10112x128xf32, #tpu.memory_space<vmem_shared>> -> memref<128x128xf32, #tpu.memory_space<vmem_shared>>
      %dma_wait3A_67 = arith.constant 0 : i32
      %dma_wait3A_68 = arith.constant 0 : i32
      %dma_wait3A_69 = tpu.memref_slice %arg6[%dma_wait3A_67, %dma_wait3A_68] : memref<128x128xf32, #tpu.memory_space<vmem>> -> memref<128x128xf32, #tpu.memory_space<vmem>>
      tpu.wait_dma2 semaphore(%run_scoped3A : memref<!tpu.dma_semaphore, #tpu.memory_space<semaphore_mem>>) src(%dma_wait3A_69 : memref<128x128xf32, #tpu.memory_space<vmem>>) dst(%dma_wait3A_66 : memref<128x128xf32, #tpu.memory_space<vmem_shared>>)
      tpu.yield
    }) : () -> ()
    %add3A_23 = arith.constant 128 : i32
    %add3A_24 = arith.addi %add3A_22, %add3A_23 : i32
    "tpu.region"() ({
      %run_scoped3A = tpu.sem_alloc : memref<!tpu.dma_semaphore, #tpu.memory_space<semaphore_mem>>
      %dma_start3A = arith.constant 0 : i32
      %dma_start3A_52 = arith.constant 0 : i32
      %dma_start3A_53 = tpu.memref_slice %arg6[%dma_start3A, %dma_start3A_52] : memref<128x128xf32, #tpu.memory_space<vmem>> -> memref<128x128xf32, #tpu.memory_space<vmem>>
      %dma_start3A_54 = arith.constant 0 : i32
      %dma_start3A_55 = tpu.memref_slice %arg7[%add3A_24, %dma_start3A_54] : memref<10112x128xf32, #tpu.memory_space<vmem_shared>> -> memref<128x128xf32, #tpu.memory_space<vmem_shared>>
      %dma_start3A_56 = arith.constant 0 : i32
      %dma_start3A_57 = tpu.memref_slice %arg7[%add3A_24, %dma_start3A_56] : memref<10112x128xf32, #tpu.memory_space<vmem_shared>> -> memref<128x128xf32, #tpu.memory_space<vmem_shared>>
      %dma_start3A_58 = arith.constant 0 : i32
      %dma_start3A_59 = arith.constant 0 : i32
      %dma_start3A_60 = tpu.memref_slice %arg6[%dma_start3A_58, %dma_start3A_59] : memref<128x128xf32, #tpu.memory_space<vmem>> -> memref<128x128xf32, #tpu.memory_space<vmem>>
      tpu.enqueue_dma source(%dma_start3A_60 : memref<128x128xf32, #tpu.memory_space<vmem>>) target(%dma_start3A_57 : memref<128x128xf32, #tpu.memory_space<vmem_shared>>) target_semaphore(%run_scoped3A : memref<!tpu.dma_semaphore, #tpu.memory_space<semaphore_mem>>)
      %dma_wait3A = arith.constant 0 : i32
      %dma_wait3A_61 = arith.constant 0 : i32
      %dma_wait3A_62 = tpu.memref_slice %arg6[%dma_wait3A, %dma_wait3A_61] : memref<128x128xf32, #tpu.memory_space<vmem>> -> memref<128x128xf32, #tpu.memory_space<vmem>>
      %dma_wait3A_63 = arith.constant 0 : i32
      %dma_wait3A_64 = tpu.memref_slice %arg7[%add3A_24, %dma_wait3A_63] : memref<10112x128xf32, #tpu.memory_space<vmem_shared>> -> memref<128x128xf32, #tpu.memory_space<vmem_shared>>
      %dma_wait3A_65 = arith.constant 0 : i32
      %dma_wait3A_66 = tpu.memref_slice %arg7[%add3A_24, %dma_wait3A_65] : memref<10112x128xf32, #tpu.memory_space<vmem_shared>> -> memref<128x128xf32, #tpu.memory_space<vmem_shared>>
      %dma_wait3A_67 = arith.constant 0 : i32
      %dma_wait3A_68 = arith.constant 0 : i32
      %dma_wait3A_69 = tpu.memref_slice %arg6[%dma_wait3A_67, %dma_wait3A_68] : memref<128x128xf32, #tpu.memory_space<vmem>> -> memref<128x128xf32, #tpu.memory_space<vmem>>
      tpu.wait_dma2 semaphore(%run_scoped3A : memref<!tpu.dma_semaphore, #tpu.memory_space<semaphore_mem>>) src(%dma_wait3A_69 : memref<128x128xf32, #tpu.memory_space<vmem>>) dst(%dma_wait3A_66 : memref<128x128xf32, #tpu.memory_space<vmem_shared>>)
      tpu.yield
    }) : () -> ()
    %add3A_25 = arith.constant 128 : i32
    %add3A_26 = arith.addi %add3A_24, %add3A_25 : i32
    "tpu.region"() ({
      %run_scoped3A = tpu.sem_alloc : memref<!tpu.dma_semaphore, #tpu.memory_space<semaphore_mem>>
      %dma_start3A = arith.constant 0 : i32
      %dma_start3A_52 = arith.constant 0 : i32
      %dma_start3A_53 = tpu.memref_slice %arg6[%dma_start3A, %dma_start3A_52] : memref<128x128xf32, #tpu.memory_space<vmem>> -> memref<120x128xf32, #tpu.memory_space<vmem>>
      %dma_start3A_54 = arith.constant 0 : i32
      %dma_start3A_55 = tpu.memref_slice %arg7[%add3A_26, %dma_start3A_54] : memref<10112x128xf32, #tpu.memory_space<vmem_shared>> -> memref<120x128xf32, #tpu.memory_space<vmem_shared>>
      %dma_start3A_56 = arith.constant 0 : i32
      %dma_start3A_57 = tpu.memref_slice %arg7[%add3A_26, %dma_start3A_56] : memref<10112x128xf32, #tpu.memory_space<vmem_shared>> -> memref<120x128xf32, #tpu.memory_space<vmem_shared>>
      %dma_start3A_58 = arith.constant 0 : i32
      %dma_start3A_59 = arith.constant 0 : i32
      %dma_start3A_60 = tpu.memref_slice %arg6[%dma_start3A_58, %dma_start3A_59] : memref<128x128xf32, #tpu.memory_space<vmem>> -> memref<120x128xf32, #tpu.memory_space<vmem>>
      tpu.enqueue_dma source(%dma_start3A_60 : memref<120x128xf32, #tpu.memory_space<vmem>>) target(%dma_start3A_57 : memref<120x128xf32, #tpu.memory_space<vmem_shared>>) target_semaphore(%run_scoped3A : memref<!tpu.dma_semaphore, #tpu.memory_space<semaphore_mem>>)
      %dma_wait3A = arith.constant 0 : i32
      %dma_wait3A_61 = arith.constant 0 : i32
      %dma_wait3A_62 = tpu.memref_slice %arg6[%dma_wait3A, %dma_wait3A_61] : memref<128x128xf32, #tpu.memory_space<vmem>> -> memref<120x128xf32, #tpu.memory_space<vmem>>
      %dma_wait3A_63 = arith.constant 0 : i32
      %dma_wait3A_64 = tpu.memref_slice %arg7[%add3A_26, %dma_wait3A_63] : memref<10112x128xf32, #tpu.memory_space<vmem_shared>> -> memref<120x128xf32, #tpu.memory_space<vmem_shared>>
      %dma_wait3A_65 = arith.constant 0 : i32
      %dma_wait3A_66 = tpu.memref_slice %arg7[%add3A_26, %dma_wait3A_65] : memref<10112x128xf32, #tpu.memory_space<vmem_shared>> -> memref<120x128xf32, #tpu.memory_space<vmem_shared>>
      %dma_wait3A_67 = arith.constant 0 : i32
      %dma_wait3A_68 = arith.constant 0 : i32
      %dma_wait3A_69 = tpu.memref_slice %arg6[%dma_wait3A_67, %dma_wait3A_68] : memref<128x128xf32, #tpu.memory_space<vmem>> -> memref<120x128xf32, #tpu.memory_space<vmem>>
      tpu.wait_dma2 semaphore(%run_scoped3A : memref<!tpu.dma_semaphore, #tpu.memory_space<semaphore_mem>>) src(%dma_wait3A_69 : memref<120x128xf32, #tpu.memory_space<vmem>>) dst(%dma_wait3A_66 : memref<120x128xf32, #tpu.memory_space<vmem_shared>>)
      tpu.yield
    }) : () -> ()
    %add3A_27 = arith.constant 120 : i32
    %add3A_28 = arith.addi %add3A_26, %add3A_27 : i32
    %barrier3A = arith.constant 0 : index
    tpu.barrier barrier_id(%barrier3A)
    %mul3A_29 = arith.constant 2 : i32
    %mul3A_30 = arith.muli %arg1, %mul3A_29 : i32
    %add3A_31 = arith.addi %mul3A_30, %arg0 : i32
    %scan3A_32 = arith.constant 0 : i32
    %scan3A_33 = arith.constant 0 : i32
    %scan3A_34 = arith.constant 25 : i32
    %scan3A_35 = arith.addi %scan3A_33, %scan3A_34 : i32
    %scan3A_36 = arith.constant 1 : i32
    %scan3A_37 = scf.for %scan3A_52 = %scan3A_33 to %scan3A_35 step %scan3A_36 iter_args(%scan3A_53 = %scan3A_32) -> (i32)  : i32 {
      %mul3A_54 = arith.constant 10000 : i32
      %mul3A_55 = arith.muli %add3A_31, %mul3A_54 : i32
      %mul3A_56 = arith.constant 5 : i32
      %mul3A_57 = arith.muli %scan3A_52, %mul3A_56 : i32
      %add3A_58 = arith.constant 0 : i32
      %add3A_59 = arith.addi %mul3A_57, %add3A_58 : i32
      %mul3A_60 = arith.constant 80 : i32
      %mul3A_61 = arith.muli %add3A_59, %mul3A_60 : i32
      %add3A_62 = arith.addi %mul3A_55, %mul3A_61 : i32
      %run_scoped3A = arith.constant 0 : i32
      "tpu.region"() ({
        %run_scoped3A_172 = tpu.sem_alloc : memref<!tpu.dma_semaphore, #tpu.memory_space<semaphore_mem>>
        %dma_start3A_173 = arith.constant 0 : i32
        %dma_start3A_174 = tpu.memref_slice %arg4[%run_scoped3A, %dma_start3A_173] : memref<5x80xi32, #tpu.memory_space<vmem>> -> memref<1x80xi32, #tpu.memory_space<vmem>>
        %dma_start3A_175 = tpu.memref_squeeze %dma_start3A_174 : memref<1x80xi32, #tpu.memory_space<vmem>> -> memref<80xi32, #tpu.memory_space<vmem>>
        %dma_start3A_176 = tpu.memref_slice %arg2[%add3A_62] : memref<320000xi32, #tpu.memory_space<hbm>> -> memref<80xi32, #tpu.memory_space<hbm>>
        %dma_start3A_177 = arith.constant 0 : i32
        %dma_start3A_178 = tpu.memref_slice %arg4[%run_scoped3A, %dma_start3A_177] : memref<5x80xi32, #tpu.memory_space<vmem>> -> memref<1x80xi32, #tpu.memory_space<vmem>>
        %dma_start3A_179 = tpu.memref_squeeze %dma_start3A_178 : memref<1x80xi32, #tpu.memory_space<vmem>> -> memref<80xi32, #tpu.memory_space<vmem>>
        %dma_start3A_180 = tpu.memref_slice %arg2[%add3A_62] : memref<320000xi32, #tpu.memory_space<hbm>> -> memref<80xi32, #tpu.memory_space<hbm>>
        tpu.enqueue_dma source(%dma_start3A_180 : memref<80xi32, #tpu.memory_space<hbm>>) target(%dma_start3A_179 : memref<80xi32, #tpu.memory_space<vmem>>) target_semaphore(%run_scoped3A_172 : memref<!tpu.dma_semaphore, #tpu.memory_space<semaphore_mem>>)
        %dma_wait3A_181 = arith.constant 0 : i32
        %dma_wait3A_182 = tpu.memref_slice %arg4[%run_scoped3A, %dma_wait3A_181] : memref<5x80xi32, #tpu.memory_space<vmem>> -> memref<1x80xi32, #tpu.memory_space<vmem>>
        %dma_wait3A_183 = tpu.memref_squeeze %dma_wait3A_182 : memref<1x80xi32, #tpu.memory_space<vmem>> -> memref<80xi32, #tpu.memory_space<vmem>>
        %dma_wait3A_184 = tpu.memref_slice %arg2[%add3A_62] : memref<320000xi32, #tpu.memory_space<hbm>> -> memref<80xi32, #tpu.memory_space<hbm>>
        %dma_wait3A_185 = arith.constant 0 : i32
        %dma_wait3A_186 = tpu.memref_slice %arg4[%run_scoped3A, %dma_wait3A_185] : memref<5x80xi32, #tpu.memory_space<vmem>> -> memref<1x80xi32, #tpu.memory_space<vmem>>
        %dma_wait3A_187 = tpu.memref_squeeze %dma_wait3A_186 : memref<1x80xi32, #tpu.memory_space<vmem>> -> memref<80xi32, #tpu.memory_space<vmem>>
        %dma_wait3A_188 = tpu.memref_slice %arg2[%add3A_62] : memref<320000xi32, #tpu.memory_space<hbm>> -> memref<80xi32, #tpu.memory_space<hbm>>
        tpu.wait_dma2 semaphore(%run_scoped3A_172 : memref<!tpu.dma_semaphore, #tpu.memory_space<semaphore_mem>>) src(%dma_wait3A_188 : memref<80xi32, #tpu.memory_space<hbm>>) dst(%dma_wait3A_187 : memref<80xi32, #tpu.memory_space<vmem>>)
        tpu.yield
      }) : () -> ()
      %dma_start3A = arith.constant 0 : i32
      %dma_start3A_63 = arith.constant 0 : i32
      %dma_start3A_64 = tpu.memref_slice %arg4[%dma_start3A, %dma_start3A_63] : memref<5x80xi32, #tpu.memory_space<vmem>> -> memref<1x80xi32, #tpu.memory_space<vmem>>
      %dma_start3A_65 = tpu.memref_squeeze %dma_start3A_64 : memref<1x80xi32, #tpu.memory_space<vmem>> -> memref<80xi32, #tpu.memory_space<vmem>>
      %dma_start3A_66 = arith.constant 0 : i32
      %dma_start3A_67 = arith.constant 0 : i32
      %dma_start3A_68 = tpu.memref_slice %arg7[%dma_start3A_66, %dma_start3A_67] : memref<10112x128xf32, #tpu.memory_space<vmem_shared>> -> memref<10112x128xf32, #tpu.memory_space<vmem_shared>>
      tpu.enqueue_indirect_dma source(%arg5 : memref<80x128xf32, #tpu.memory_space<vmem>>) target(%dma_start3A_68 : memref<10112x128xf32, #tpu.memory_space<vmem_shared>>) offsets(%dma_start3A_65 : memref<80xi32, #tpu.memory_space<vmem>>) semaphore(%arg8 : memref<!tpu.dma_semaphore, #tpu.memory_space<semaphore_mem>>) {add = true}
      %mul3A_69 = arith.constant 10000 : i32
      %mul3A_70 = arith.muli %add3A_31, %mul3A_69 : i32
      %mul3A_71 = arith.constant 5 : i32
      %mul3A_72 = arith.muli %scan3A_52, %mul3A_71 : i32
      %add3A_73 = arith.constant 1 : i32
      %add3A_74 = arith.addi %mul3A_72, %add3A_73 : i32
      %mul3A_75 = arith.constant 80 : i32
      %mul3A_76 = arith.muli %add3A_74, %mul3A_75 : i32
      %add3A_77 = arith.addi %mul3A_70, %mul3A_76 : i32
      %run_scoped3A_78 = arith.constant 1 : i32
      "tpu.region"() ({
        %run_scoped3A_172 = tpu.sem_alloc : memref<!tpu.dma_semaphore, #tpu.memory_space<semaphore_mem>>
        %dma_start3A_173 = arith.constant 0 : i32
        %dma_start3A_174 = tpu.memref_slice %arg4[%run_scoped3A_78, %dma_start3A_173] : memref<5x80xi32, #tpu.memory_space<vmem>> -> memref<1x80xi32, #tpu.memory_space<vmem>>
        %dma_start3A_175 = tpu.memref_squeeze %dma_start3A_174 : memref<1x80xi32, #tpu.memory_space<vmem>> -> memref<80xi32, #tpu.memory_space<vmem>>
        %dma_start3A_176 = tpu.memref_slice %arg2[%add3A_77] : memref<320000xi32, #tpu.memory_space<hbm>> -> memref<80xi32, #tpu.memory_space<hbm>>
        %dma_start3A_177 = arith.constant 0 : i32
        %dma_start3A_178 = tpu.memref_slice %arg4[%run_scoped3A_78, %dma_start3A_177] : memref<5x80xi32, #tpu.memory_space<vmem>> -> memref<1x80xi32, #tpu.memory_space<vmem>>
        %dma_start3A_179 = tpu.memref_squeeze %dma_start3A_178 : memref<1x80xi32, #tpu.memory_space<vmem>> -> memref<80xi32, #tpu.memory_space<vmem>>
        %dma_start3A_180 = tpu.memref_slice %arg2[%add3A_77] : memref<320000xi32, #tpu.memory_space<hbm>> -> memref<80xi32, #tpu.memory_space<hbm>>
        tpu.enqueue_dma source(%dma_start3A_180 : memref<80xi32, #tpu.memory_space<hbm>>) target(%dma_start3A_179 : memref<80xi32, #tpu.memory_space<vmem>>) target_semaphore(%run_scoped3A_172 : memref<!tpu.dma_semaphore, #tpu.memory_space<semaphore_mem>>)
        %dma_wait3A_181 = arith.constant 0 : i32
        %dma_wait3A_182 = tpu.memref_slice %arg4[%run_scoped3A_78, %dma_wait3A_181] : memref<5x80xi32, #tpu.memory_space<vmem>> -> memref<1x80xi32, #tpu.memory_space<vmem>>
        %dma_wait3A_183 = tpu.memref_squeeze %dma_wait3A_182 : memref<1x80xi32, #tpu.memory_space<vmem>> -> memref<80xi32, #tpu.memory_space<vmem>>
        %dma_wait3A_184 = tpu.memref_slice %arg2[%add3A_77] : memref<320000xi32, #tpu.memory_space<hbm>> -> memref<80xi32, #tpu.memory_space<hbm>>
        %dma_wait3A_185 = arith.constant 0 : i32
        %dma_wait3A_186 = tpu.memref_slice %arg4[%run_scoped3A_78, %dma_wait3A_185] : memref<5x80xi32, #tpu.memory_space<vmem>> -> memref<1x80xi32, #tpu.memory_space<vmem>>
        %dma_wait3A_187 = tpu.memref_squeeze %dma_wait3A_186 : memref<1x80xi32, #tpu.memory_space<vmem>> -> memref<80xi32, #tpu.memory_space<vmem>>
        %dma_wait3A_188 = tpu.memref_slice %arg2[%add3A_77] : memref<320000xi32, #tpu.memory_space<hbm>> -> memref<80xi32, #tpu.memory_space<hbm>>
        tpu.wait_dma2 semaphore(%run_scoped3A_172 : memref<!tpu.dma_semaphore, #tpu.memory_space<semaphore_mem>>) src(%dma_wait3A_188 : memref<80xi32, #tpu.memory_space<hbm>>) dst(%dma_wait3A_187 : memref<80xi32, #tpu.memory_space<vmem>>)
        tpu.yield
      }) : () -> ()
      %dma_start3A_79 = arith.constant 1 : i32
      %dma_start3A_80 = arith.constant 0 : i32
      %dma_start3A_81 = tpu.memref_slice %arg4[%dma_start3A_79, %dma_start3A_80] : memref<5x80xi32, #tpu.memory_space<vmem>> -> memref<1x80xi32, #tpu.memory_space<vmem>>
      %dma_start3A_82 = tpu.memref_squeeze %dma_start3A_81 : memref<1x80xi32, #tpu.memory_space<vmem>> -> memref<80xi32, #tpu.memory_space<vmem>>
      %dma_start3A_83 = arith.constant 0 : i32
      %dma_start3A_84 = arith.constant 0 : i32
      %dma_start3A_85 = tpu.memref_slice %arg7[%dma_start3A_83, %dma_start3A_84] : memref<10112x128xf32, #tpu.memory_space<vmem_shared>> -> memref<10112x128xf32, #tpu.memory_space<vmem_shared>>
      tpu.enqueue_indirect_dma source(%arg5 : memref<80x128xf32, #tpu.memory_space<vmem>>) target(%dma_start3A_85 : memref<10112x128xf32, #tpu.memory_space<vmem_shared>>) offsets(%dma_start3A_82 : memref<80xi32, #tpu.memory_space<vmem>>) semaphore(%arg9 : memref<!tpu.dma_semaphore, #tpu.memory_space<semaphore_mem>>) {add = true}
      %mul3A_86 = arith.constant 10000 : i32
      %mul3A_87 = arith.muli %add3A_31, %mul3A_86 : i32
      %mul3A_88 = arith.constant 5 : i32
      %mul3A_89 = arith.muli %scan3A_52, %mul3A_88 : i32
      %add3A_90 = arith.constant 2 : i32
      %add3A_91 = arith.addi %mul3A_89, %add3A_90 : i32
      %mul3A_92 = arith.constant 80 : i32
      %mul3A_93 = arith.muli %add3A_91, %mul3A_92 : i32
      %add3A_94 = arith.addi %mul3A_87, %mul3A_93 : i32
      %run_scoped3A_95 = arith.constant 2 : i32
      "tpu.region"() ({
        %run_scoped3A_172 = tpu.sem_alloc : memref<!tpu.dma_semaphore, #tpu.memory_space<semaphore_mem>>
        %dma_start3A_173 = arith.constant 0 : i32
        %dma_start3A_174 = tpu.memref_slice %arg4[%run_scoped3A_95, %dma_start3A_173] : memref<5x80xi32, #tpu.memory_space<vmem>> -> memref<1x80xi32, #tpu.memory_space<vmem>>
        %dma_start3A_175 = tpu.memref_squeeze %dma_start3A_174 : memref<1x80xi32, #tpu.memory_space<vmem>> -> memref<80xi32, #tpu.memory_space<vmem>>
        %dma_start3A_176 = tpu.memref_slice %arg2[%add3A_94] : memref<320000xi32, #tpu.memory_space<hbm>> -> memref<80xi32, #tpu.memory_space<hbm>>
        %dma_start3A_177 = arith.constant 0 : i32
        %dma_start3A_178 = tpu.memref_slice %arg4[%run_scoped3A_95, %dma_start3A_177] : memref<5x80xi32, #tpu.memory_space<vmem>> -> memref<1x80xi32, #tpu.memory_space<vmem>>
        %dma_start3A_179 = tpu.memref_squeeze %dma_start3A_178 : memref<1x80xi32, #tpu.memory_space<vmem>> -> memref<80xi32, #tpu.memory_space<vmem>>
        %dma_start3A_180 = tpu.memref_slice %arg2[%add3A_94] : memref<320000xi32, #tpu.memory_space<hbm>> -> memref<80xi32, #tpu.memory_space<hbm>>
        tpu.enqueue_dma source(%dma_start3A_180 : memref<80xi32, #tpu.memory_space<hbm>>) target(%dma_start3A_179 : memref<80xi32, #tpu.memory_space<vmem>>) target_semaphore(%run_scoped3A_172 : memref<!tpu.dma_semaphore, #tpu.memory_space<semaphore_mem>>)
        %dma_wait3A_181 = arith.constant 0 : i32
        %dma_wait3A_182 = tpu.memref_slice %arg4[%run_scoped3A_95, %dma_wait3A_181] : memref<5x80xi32, #tpu.memory_space<vmem>> -> memref<1x80xi32, #tpu.memory_space<vmem>>
        %dma_wait3A_183 = tpu.memref_squeeze %dma_wait3A_182 : memref<1x80xi32, #tpu.memory_space<vmem>> -> memref<80xi32, #tpu.memory_space<vmem>>
        %dma_wait3A_184 = tpu.memref_slice %arg2[%add3A_94] : memref<320000xi32, #tpu.memory_space<hbm>> -> memref<80xi32, #tpu.memory_space<hbm>>
        %dma_wait3A_185 = arith.constant 0 : i32
        %dma_wait3A_186 = tpu.memref_slice %arg4[%run_scoped3A_95, %dma_wait3A_185] : memref<5x80xi32, #tpu.memory_space<vmem>> -> memref<1x80xi32, #tpu.memory_space<vmem>>
        %dma_wait3A_187 = tpu.memref_squeeze %dma_wait3A_186 : memref<1x80xi32, #tpu.memory_space<vmem>> -> memref<80xi32, #tpu.memory_space<vmem>>
        %dma_wait3A_188 = tpu.memref_slice %arg2[%add3A_94] : memref<320000xi32, #tpu.memory_space<hbm>> -> memref<80xi32, #tpu.memory_space<hbm>>
        tpu.wait_dma2 semaphore(%run_scoped3A_172 : memref<!tpu.dma_semaphore, #tpu.memory_space<semaphore_mem>>) src(%dma_wait3A_188 : memref<80xi32, #tpu.memory_space<hbm>>) dst(%dma_wait3A_187 : memref<80xi32, #tpu.memory_space<vmem>>)
        tpu.yield
      }) : () -> ()
      %dma_start3A_96 = arith.constant 2 : i32
      %dma_start3A_97 = arith.constant 0 : i32
      %dma_start3A_98 = tpu.memref_slice %arg4[%dma_start3A_96, %dma_start3A_97] : memref<5x80xi32, #tpu.memory_space<vmem>> -> memref<1x80xi32, #tpu.memory_space<vmem>>
      %dma_start3A_99 = tpu.memref_squeeze %dma_start3A_98 : memref<1x80xi32, #tpu.memory_space<vmem>> -> memref<80xi32, #tpu.memory_space<vmem>>
      %dma_start3A_100 = arith.constant 0 : i32
      %dma_start3A_101 = arith.constant 0 : i32
      %dma_start3A_102 = tpu.memref_slice %arg7[%dma_start3A_100, %dma_start3A_101] : memref<10112x128xf32, #tpu.memory_space<vmem_shared>> -> memref<10112x128xf32, #tpu.memory_space<vmem_shared>>
      tpu.enqueue_indirect_dma source(%arg5 : memref<80x128xf32, #tpu.memory_space<vmem>>) target(%dma_start3A_102 : memref<10112x128xf32, #tpu.memory_space<vmem_shared>>) offsets(%dma_start3A_99 : memref<80xi32, #tpu.memory_space<vmem>>) semaphore(%arg10 : memref<!tpu.dma_semaphore, #tpu.memory_space<semaphore_mem>>) {add = true}
      %mul3A_103 = arith.constant 10000 : i32
      %mul3A_104 = arith.muli %add3A_31, %mul3A_103 : i32
      %mul3A_105 = arith.constant 5 : i32
      %mul3A_106 = arith.muli %scan3A_52, %mul3A_105 : i32
      %add3A_107 = arith.constant 3 : i32
      %add3A_108 = arith.addi %mul3A_106, %add3A_107 : i32
      %mul3A_109 = arith.constant 80 : i32
      %mul3A_110 = arith.muli %add3A_108, %mul3A_109 : i32
      %add3A_111 = arith.addi %mul3A_104, %mul3A_110 : i32
      %run_scoped3A_112 = arith.constant 3 : i32
      "tpu.region"() ({
        %run_scoped3A_172 = tpu.sem_alloc : memref<!tpu.dma_semaphore, #tpu.memory_space<semaphore_mem>>
        %dma_start3A_173 = arith.constant 0 : i32
        %dma_start3A_174 = tpu.memref_slice %arg4[%run_scoped3A_112, %dma_start3A_173] : memref<5x80xi32, #tpu.memory_space<vmem>> -> memref<1x80xi32, #tpu.memory_space<vmem>>
        %dma_start3A_175 = tpu.memref_squeeze %dma_start3A_174 : memref<1x80xi32, #tpu.memory_space<vmem>> -> memref<80xi32, #tpu.memory_space<vmem>>
        %dma_start3A_176 = tpu.memref_slice %arg2[%add3A_111] : memref<320000xi32, #tpu.memory_space<hbm>> -> memref<80xi32, #tpu.memory_space<hbm>>
        %dma_start3A_177 = arith.constant 0 : i32
        %dma_start3A_178 = tpu.memref_slice %arg4[%run_scoped3A_112, %dma_start3A_177] : memref<5x80xi32, #tpu.memory_space<vmem>> -> memref<1x80xi32, #tpu.memory_space<vmem>>
        %dma_start3A_179 = tpu.memref_squeeze %dma_start3A_178 : memref<1x80xi32, #tpu.memory_space<vmem>> -> memref<80xi32, #tpu.memory_space<vmem>>
        %dma_start3A_180 = tpu.memref_slice %arg2[%add3A_111] : memref<320000xi32, #tpu.memory_space<hbm>> -> memref<80xi32, #tpu.memory_space<hbm>>
        tpu.enqueue_dma source(%dma_start3A_180 : memref<80xi32, #tpu.memory_space<hbm>>) target(%dma_start3A_179 : memref<80xi32, #tpu.memory_space<vmem>>) target_semaphore(%run_scoped3A_172 : memref<!tpu.dma_semaphore, #tpu.memory_space<semaphore_mem>>)
        %dma_wait3A_181 = arith.constant 0 : i32
        %dma_wait3A_182 = tpu.memref_slice %arg4[%run_scoped3A_112, %dma_wait3A_181] : memref<5x80xi32, #tpu.memory_space<vmem>> -> memref<1x80xi32, #tpu.memory_space<vmem>>
        %dma_wait3A_183 = tpu.memref_squeeze %dma_wait3A_182 : memref<1x80xi32, #tpu.memory_space<vmem>> -> memref<80xi32, #tpu.memory_space<vmem>>
        %dma_wait3A_184 = tpu.memref_slice %arg2[%add3A_111] : memref<320000xi32, #tpu.memory_space<hbm>> -> memref<80xi32, #tpu.memory_space<hbm>>
        %dma_wait3A_185 = arith.constant 0 : i32
        %dma_wait3A_186 = tpu.memref_slice %arg4[%run_scoped3A_112, %dma_wait3A_185] : memref<5x80xi32, #tpu.memory_space<vmem>> -> memref<1x80xi32, #tpu.memory_space<vmem>>
        %dma_wait3A_187 = tpu.memref_squeeze %dma_wait3A_186 : memref<1x80xi32, #tpu.memory_space<vmem>> -> memref<80xi32, #tpu.memory_space<vmem>>
        %dma_wait3A_188 = tpu.memref_slice %arg2[%add3A_111] : memref<320000xi32, #tpu.memory_space<hbm>> -> memref<80xi32, #tpu.memory_space<hbm>>
        tpu.wait_dma2 semaphore(%run_scoped3A_172 : memref<!tpu.dma_semaphore, #tpu.memory_space<semaphore_mem>>) src(%dma_wait3A_188 : memref<80xi32, #tpu.memory_space<hbm>>) dst(%dma_wait3A_187 : memref<80xi32, #tpu.memory_space<vmem>>)
        tpu.yield
      }) : () -> ()
      %dma_start3A_113 = arith.constant 3 : i32
      %dma_start3A_114 = arith.constant 0 : i32
      %dma_start3A_115 = tpu.memref_slice %arg4[%dma_start3A_113, %dma_start3A_114] : memref<5x80xi32, #tpu.memory_space<vmem>> -> memref<1x80xi32, #tpu.memory_space<vmem>>
      %dma_start3A_116 = tpu.memref_squeeze %dma_start3A_115 : memref<1x80xi32, #tpu.memory_space<vmem>> -> memref<80xi32, #tpu.memory_space<vmem>>
      %dma_start3A_117 = arith.constant 0 : i32
      %dma_start3A_118 = arith.constant 0 : i32
      %dma_start3A_119 = tpu.memref_slice %arg7[%dma_start3A_117, %dma_start3A_118] : memref<10112x128xf32, #tpu.memory_space<vmem_shared>> -> memref<10112x128xf32, #tpu.memory_space<vmem_shared>>
      tpu.enqueue_indirect_dma source(%arg5 : memref<80x128xf32, #tpu.memory_space<vmem>>) target(%dma_start3A_119 : memref<10112x128xf32, #tpu.memory_space<vmem_shared>>) offsets(%dma_start3A_116 : memref<80xi32, #tpu.memory_space<vmem>>) semaphore(%arg11 : memref<!tpu.dma_semaphore, #tpu.memory_space<semaphore_mem>>) {add = true}
      %mul3A_120 = arith.constant 10000 : i32
      %mul3A_121 = arith.muli %add3A_31, %mul3A_120 : i32
      %mul3A_122 = arith.constant 5 : i32
      %mul3A_123 = arith.muli %scan3A_52, %mul3A_122 : i32
      %add3A_124 = arith.constant 4 : i32
      %add3A_125 = arith.addi %mul3A_123, %add3A_124 : i32
      %mul3A_126 = arith.constant 80 : i32
      %mul3A_127 = arith.muli %add3A_125, %mul3A_126 : i32
      %add3A_128 = arith.addi %mul3A_121, %mul3A_127 : i32
      %run_scoped3A_129 = arith.constant 4 : i32
      "tpu.region"() ({
        %run_scoped3A_172 = tpu.sem_alloc : memref<!tpu.dma_semaphore, #tpu.memory_space<semaphore_mem>>
        %dma_start3A_173 = arith.constant 0 : i32
        %dma_start3A_174 = tpu.memref_slice %arg4[%run_scoped3A_129, %dma_start3A_173] : memref<5x80xi32, #tpu.memory_space<vmem>> -> memref<1x80xi32, #tpu.memory_space<vmem>>
        %dma_start3A_175 = tpu.memref_squeeze %dma_start3A_174 : memref<1x80xi32, #tpu.memory_space<vmem>> -> memref<80xi32, #tpu.memory_space<vmem>>
        %dma_start3A_176 = tpu.memref_slice %arg2[%add3A_128] : memref<320000xi32, #tpu.memory_space<hbm>> -> memref<80xi32, #tpu.memory_space<hbm>>
        %dma_start3A_177 = arith.constant 0 : i32
        %dma_start3A_178 = tpu.memref_slice %arg4[%run_scoped3A_129, %dma_start3A_177] : memref<5x80xi32, #tpu.memory_space<vmem>> -> memref<1x80xi32, #tpu.memory_space<vmem>>
        %dma_start3A_179 = tpu.memref_squeeze %dma_start3A_178 : memref<1x80xi32, #tpu.memory_space<vmem>> -> memref<80xi32, #tpu.memory_space<vmem>>
        %dma_start3A_180 = tpu.memref_slice %arg2[%add3A_128] : memref<320000xi32, #tpu.memory_space<hbm>> -> memref<80xi32, #tpu.memory_space<hbm>>
        tpu.enqueue_dma source(%dma_start3A_180 : memref<80xi32, #tpu.memory_space<hbm>>) target(%dma_start3A_179 : memref<80xi32, #tpu.memory_space<vmem>>) target_semaphore(%run_scoped3A_172 : memref<!tpu.dma_semaphore, #tpu.memory_space<semaphore_mem>>)
        %dma_wait3A_181 = arith.constant 0 : i32
        %dma_wait3A_182 = tpu.memref_slice %arg4[%run_scoped3A_129, %dma_wait3A_181] : memref<5x80xi32, #tpu.memory_space<vmem>> -> memref<1x80xi32, #tpu.memory_space<vmem>>
        %dma_wait3A_183 = tpu.memref_squeeze %dma_wait3A_182 : memref<1x80xi32, #tpu.memory_space<vmem>> -> memref<80xi32, #tpu.memory_space<vmem>>
        %dma_wait3A_184 = tpu.memref_slice %arg2[%add3A_128] : memref<320000xi32, #tpu.memory_space<hbm>> -> memref<80xi32, #tpu.memory_space<hbm>>
        %dma_wait3A_185 = arith.constant 0 : i32
        %dma_wait3A_186 = tpu.memref_slice %arg4[%run_scoped3A_129, %dma_wait3A_185] : memref<5x80xi32, #tpu.memory_space<vmem>> -> memref<1x80xi32, #tpu.memory_space<vmem>>
        %dma_wait3A_187 = tpu.memref_squeeze %dma_wait3A_186 : memref<1x80xi32, #tpu.memory_space<vmem>> -> memref<80xi32, #tpu.memory_space<vmem>>
        %dma_wait3A_188 = tpu.memref_slice %arg2[%add3A_128] : memref<320000xi32, #tpu.memory_space<hbm>> -> memref<80xi32, #tpu.memory_space<hbm>>
        tpu.wait_dma2 semaphore(%run_scoped3A_172 : memref<!tpu.dma_semaphore, #tpu.memory_space<semaphore_mem>>) src(%dma_wait3A_188 : memref<80xi32, #tpu.memory_space<hbm>>) dst(%dma_wait3A_187 : memref<80xi32, #tpu.memory_space<vmem>>)
        tpu.yield
      }) : () -> ()
      %dma_start3A_130 = arith.constant 4 : i32
      %dma_start3A_131 = arith.constant 0 : i32
      %dma_start3A_132 = tpu.memref_slice %arg4[%dma_start3A_130, %dma_start3A_131] : memref<5x80xi32, #tpu.memory_space<vmem>> -> memref<1x80xi32, #tpu.memory_space<vmem>>
      %dma_start3A_133 = tpu.memref_squeeze %dma_start3A_132 : memref<1x80xi32, #tpu.memory_space<vmem>> -> memref<80xi32, #tpu.memory_space<vmem>>
      %dma_start3A_134 = arith.constant 0 : i32
      %dma_start3A_135 = arith.constant 0 : i32
      %dma_start3A_136 = tpu.memref_slice %arg7[%dma_start3A_134, %dma_start3A_135] : memref<10112x128xf32, #tpu.memory_space<vmem_shared>> -> memref<10112x128xf32, #tpu.memory_space<vmem_shared>>
      tpu.enqueue_indirect_dma source(%arg5 : memref<80x128xf32, #tpu.memory_space<vmem>>) target(%dma_start3A_136 : memref<10112x128xf32, #tpu.memory_space<vmem_shared>>) offsets(%dma_start3A_133 : memref<80xi32, #tpu.memory_space<vmem>>) semaphore(%arg12 : memref<!tpu.dma_semaphore, #tpu.memory_space<semaphore_mem>>) {add = true}
      %dma_wait3A = arith.constant 0 : i32
      %dma_wait3A_137 = arith.constant 0 : i32
      %dma_wait3A_138 = tpu.memref_slice %arg4[%dma_wait3A, %dma_wait3A_137] : memref<5x80xi32, #tpu.memory_space<vmem>> -> memref<1x80xi32, #tpu.memory_space<vmem>>
      %dma_wait3A_139 = tpu.memref_squeeze %dma_wait3A_138 : memref<1x80xi32, #tpu.memory_space<vmem>> -> memref<80xi32, #tpu.memory_space<vmem>>
      %dma_wait3A_140 = arith.constant 0 : i32
      %dma_wait3A_141 = arith.constant 0 : i32
      %dma_wait3A_142 = tpu.memref_slice %arg7[%dma_wait3A_140, %dma_wait3A_141] : memref<10112x128xf32, #tpu.memory_space<vmem_shared>> -> memref<10112x128xf32, #tpu.memory_space<vmem_shared>>
      tpu.wait_indirect_dma semaphore(%arg8 : memref<!tpu.dma_semaphore, #tpu.memory_space<semaphore_mem>>) src(%arg5 : memref<80x128xf32, #tpu.memory_space<vmem>>) dst(%dma_wait3A_142 : memref<10112x128xf32, #tpu.memory_space<vmem_shared>>)
      %dma_wait3A_143 = arith.constant 1 : i32
      %dma_wait3A_144 = arith.constant 0 : i32
      %dma_wait3A_145 = tpu.memref_slice %arg4[%dma_wait3A_143, %dma_wait3A_144] : memref<5x80xi32, #tpu.memory_space<vmem>> -> memref<1x80xi32, #tpu.memory_space<vmem>>
      %dma_wait3A_146 = tpu.memref_squeeze %dma_wait3A_145 : memref<1x80xi32, #tpu.memory_space<vmem>> -> memref<80xi32, #tpu.memory_space<vmem>>
      %dma_wait3A_147 = arith.constant 0 : i32
      %dma_wait3A_148 = arith.constant 0 : i32
      %dma_wait3A_149 = tpu.memref_slice %arg7[%dma_wait3A_147, %dma_wait3A_148] : memref<10112x128xf32, #tpu.memory_space<vmem_shared>> -> memref<10112x128xf32, #tpu.memory_space<vmem_shared>>
      tpu.wait_indirect_dma semaphore(%arg9 : memref<!tpu.dma_semaphore, #tpu.memory_space<semaphore_mem>>) src(%arg5 : memref<80x128xf32, #tpu.memory_space<vmem>>) dst(%dma_wait3A_149 : memref<10112x128xf32, #tpu.memory_space<vmem_shared>>)
      %dma_wait3A_150 = arith.constant 2 : i32
      %dma_wait3A_151 = arith.constant 0 : i32
      %dma_wait3A_152 = tpu.memref_slice %arg4[%dma_wait3A_150, %dma_wait3A_151] : memref<5x80xi32, #tpu.memory_space<vmem>> -> memref<1x80xi32, #tpu.memory_space<vmem>>
      %dma_wait3A_153 = tpu.memref_squeeze %dma_wait3A_152 : memref<1x80xi32, #tpu.memory_space<vmem>> -> memref<80xi32, #tpu.memory_space<vmem>>
      %dma_wait3A_154 = arith.constant 0 : i32
      %dma_wait3A_155 = arith.constant 0 : i32
      %dma_wait3A_156 = tpu.memref_slice %arg7[%dma_wait3A_154, %dma_wait3A_155] : memref<10112x128xf32, #tpu.memory_space<vmem_shared>> -> memref<10112x128xf32, #tpu.memory_space<vmem_shared>>
      tpu.wait_indirect_dma semaphore(%arg10 : memref<!tpu.dma_semaphore, #tpu.memory_space<semaphore_mem>>) src(%arg5 : memref<80x128xf32, #tpu.memory_space<vmem>>) dst(%dma_wait3A_156 : memref<10112x128xf32, #tpu.memory_space<vmem_shared>>)
      %dma_wait3A_157 = arith.constant 3 : i32
      %dma_wait3A_158 = arith.constant 0 : i32
      %dma_wait3A_159 = tpu.memref_slice %arg4[%dma_wait3A_157, %dma_wait3A_158] : memref<5x80xi32, #tpu.memory_space<vmem>> -> memref<1x80xi32, #tpu.memory_space<vmem>>
      %dma_wait3A_160 = tpu.memref_squeeze %dma_wait3A_159 : memref<1x80xi32, #tpu.memory_space<vmem>> -> memref<80xi32, #tpu.memory_space<vmem>>
      %dma_wait3A_161 = arith.constant 0 : i32
      %dma_wait3A_162 = arith.constant 0 : i32
      %dma_wait3A_163 = tpu.memref_slice %arg7[%dma_wait3A_161, %dma_wait3A_162] : memref<10112x128xf32, #tpu.memory_space<vmem_shared>> -> memref<10112x128xf32, #tpu.memory_space<vmem_shared>>
      tpu.wait_indirect_dma semaphore(%arg11 : memref<!tpu.dma_semaphore, #tpu.memory_space<semaphore_mem>>) src(%arg5 : memref<80x128xf32, #tpu.memory_space<vmem>>) dst(%dma_wait3A_163 : memref<10112x128xf32, #tpu.memory_space<vmem_shared>>)
      %dma_wait3A_164 = arith.constant 4 : i32
      %dma_wait3A_165 = arith.constant 0 : i32
      %dma_wait3A_166 = tpu.memref_slice %arg4[%dma_wait3A_164, %dma_wait3A_165] : memref<5x80xi32, #tpu.memory_space<vmem>> -> memref<1x80xi32, #tpu.memory_space<vmem>>
      %dma_wait3A_167 = tpu.memref_squeeze %dma_wait3A_166 : memref<1x80xi32, #tpu.memory_space<vmem>> -> memref<80xi32, #tpu.memory_space<vmem>>
      %dma_wait3A_168 = arith.constant 0 : i32
      %dma_wait3A_169 = arith.constant 0 : i32
      %dma_wait3A_170 = tpu.memref_slice %arg7[%dma_wait3A_168, %dma_wait3A_169] : memref<10112x128xf32, #tpu.memory_space<vmem_shared>> -> memref<10112x128xf32, #tpu.memory_space<vmem_shared>>
      tpu.wait_indirect_dma semaphore(%arg12 : memref<!tpu.dma_semaphore, #tpu.memory_space<semaphore_mem>>) src(%arg5 : memref<80x128xf32, #tpu.memory_space<vmem>>) dst(%dma_wait3A_170 : memref<10112x128xf32, #tpu.memory_space<vmem_shared>>)
      %scan3A_171 = arith.constant 0 : i32
      scf.yield %scan3A_171 : i32
    }
    %scan3A_38 = arith.constant 25 : i32
    %barrier3A_39 = arith.constant 0 : index
    tpu.barrier barrier_id(%barrier3A_39)
    %mul3A_40 = arith.constant 632 : i32
    %mul3A_41 = arith.muli %arg1, %mul3A_40 : i32
    "tpu.region"() ({
      %run_scoped3A = tpu.sem_alloc : memref<!tpu.dma_semaphore, #tpu.memory_space<semaphore_mem>>
      %dma_start3A = arith.constant 0 : i32
      %dma_start3A_52 = arith.constant 0 : i32
      %dma_start3A_53 = tpu.memref_slice %arg6[%dma_start3A, %dma_start3A_52] : memref<128x128xf32, #tpu.memory_space<vmem>> -> memref<128x128xf32, #tpu.memory_space<vmem>>
      %dma_start3A_54 = arith.constant 0 : i32
      %dma_start3A_55 = tpu.memref_slice %arg7[%mul3A_41, %dma_start3A_54] : memref<10112x128xf32, #tpu.memory_space<vmem_shared>> -> memref<128x128xf32, #tpu.memory_space<vmem_shared>>
      %dma_start3A_56 = arith.constant 0 : i32
      %dma_start3A_57 = arith.constant 0 : i32
      %dma_start3A_58 = tpu.memref_slice %arg6[%dma_start3A_56, %dma_start3A_57] : memref<128x128xf32, #tpu.memory_space<vmem>> -> memref<128x128xf32, #tpu.memory_space<vmem>>
      %dma_start3A_59 = arith.constant 0 : i32
      %dma_start3A_60 = tpu.memref_slice %arg7[%mul3A_41, %dma_start3A_59] : memref<10112x128xf32, #tpu.memory_space<vmem_shared>> -> memref<128x128xf32, #tpu.memory_space<vmem_shared>>
      tpu.enqueue_dma source(%dma_start3A_60 : memref<128x128xf32, #tpu.memory_space<vmem_shared>>) target(%dma_start3A_58 : memref<128x128xf32, #tpu.memory_space<vmem>>) target_semaphore(%run_scoped3A : memref<!tpu.dma_semaphore, #tpu.memory_space<semaphore_mem>>)
      %dma_wait3A = arith.constant 0 : i32
      %dma_wait3A_61 = arith.constant 0 : i32
      %dma_wait3A_62 = tpu.memref_slice %arg6[%dma_wait3A, %dma_wait3A_61] : memref<128x128xf32, #tpu.memory_space<vmem>> -> memref<128x128xf32, #tpu.memory_space<vmem>>
      %dma_wait3A_63 = arith.constant 0 : i32
      %dma_wait3A_64 = tpu.memref_slice %arg7[%mul3A_41, %dma_wait3A_63] : memref<10112x128xf32, #tpu.memory_space<vmem_shared>> -> memref<128x128xf32, #tpu.memory_space<vmem_shared>>
      %dma_wait3A_65 = arith.constant 0 : i32
      %dma_wait3A_66 = arith.constant 0 : i32
      %dma_wait3A_67 = tpu.memref_slice %arg6[%dma_wait3A_65, %dma_wait3A_66] : memref<128x128xf32, #tpu.memory_space<vmem>> -> memref<128x128xf32, #tpu.memory_space<vmem>>
      %dma_wait3A_68 = arith.constant 0 : i32
      %dma_wait3A_69 = tpu.memref_slice %arg7[%mul3A_41, %dma_wait3A_68] : memref<10112x128xf32, #tpu.memory_space<vmem_shared>> -> memref<128x128xf32, #tpu.memory_space<vmem_shared>>
      tpu.wait_dma2 semaphore(%run_scoped3A : memref<!tpu.dma_semaphore, #tpu.memory_space<semaphore_mem>>) src(%dma_wait3A_69 : memref<128x128xf32, #tpu.memory_space<vmem_shared>>) dst(%dma_wait3A_67 : memref<128x128xf32, #tpu.memory_space<vmem>>)
      tpu.yield
    }) : () -> ()
    "tpu.region"() ({
      %run_scoped3A = tpu.sem_alloc : memref<!tpu.dma_semaphore, #tpu.memory_space<semaphore_mem>>
      %dma_start3A = arith.constant 0 : i32
      %dma_start3A_52 = arith.constant 0 : i32
      %dma_start3A_53 = tpu.memref_slice %arg6[%dma_start3A, %dma_start3A_52] : memref<128x128xf32, #tpu.memory_space<vmem>> -> memref<128x128xf32, #tpu.memory_space<vmem>>
      %dma_start3A_54 = arith.constant 0 : i32
      %dma_start3A_55 = arith.constant 0 : i32
      %dma_start3A_56 = tpu.memref_slice %arg3[%arg0, %dma_start3A_54, %dma_start3A_55] : memref<2x10112x128xf32, #tpu.memory_space<hbm>> -> memref<1x10112x128xf32, #tpu.memory_space<hbm>>
      %dma_start3A_57 = tpu.memref_squeeze %dma_start3A_56 : memref<1x10112x128xf32, #tpu.memory_space<hbm>> -> memref<10112x128xf32, #tpu.memory_space<hbm>>
      %dma_start3A_58 = arith.constant 0 : i32
      %dma_start3A_59 = tpu.memref_slice %dma_start3A_57[%mul3A_41, %dma_start3A_58] : memref<10112x128xf32, #tpu.memory_space<hbm>> -> memref<128x128xf32, #tpu.memory_space<hbm>>
      %dma_start3A_60 = arith.constant 0 : i32
      %dma_start3A_61 = arith.constant 0 : i32
      %dma_start3A_62 = tpu.memref_slice %arg3[%arg0, %dma_start3A_60, %dma_start3A_61] : memref<2x10112x128xf32, #tpu.memory_space<hbm>> -> memref<1x10112x128xf32, #tpu.memory_space<hbm>>
      %dma_start3A_63 = tpu.memref_squeeze %dma_start3A_62 : memref<1x10112x128xf32, #tpu.memory_space<hbm>> -> memref<10112x128xf32, #tpu.memory_space<hbm>>
      %dma_start3A_64 = arith.constant 0 : i32
      %dma_start3A_65 = tpu.memref_slice %dma_start3A_63[%mul3A_41, %dma_start3A_64] : memref<10112x128xf32, #tpu.memory_space<hbm>> -> memref<128x128xf32, #tpu.memory_space<hbm>>
      %dma_start3A_66 = arith.constant 0 : i32
      %dma_start3A_67 = arith.constant 0 : i32
      %dma_start3A_68 = tpu.memref_slice %arg6[%dma_start3A_66, %dma_start3A_67] : memref<128x128xf32, #tpu.memory_space<vmem>> -> memref<128x128xf32, #tpu.memory_space<vmem>>
      tpu.enqueue_dma source(%dma_start3A_68 : memref<128x128xf32, #tpu.memory_space<vmem>>) target(%dma_start3A_65 : memref<128x128xf32, #tpu.memory_space<hbm>>) target_semaphore(%run_scoped3A : memref<!tpu.dma_semaphore, #tpu.memory_space<semaphore_mem>>)
      %dma_wait3A = arith.constant 0 : i32
      %dma_wait3A_69 = arith.constant 0 : i32
      %dma_wait3A_70 = tpu.memref_slice %arg6[%dma_wait3A, %dma_wait3A_69] : memref<128x128xf32, #tpu.memory_space<vmem>> -> memref<128x128xf32, #tpu.memory_space<vmem>>
      %dma_wait3A_71 = arith.constant 0 : i32
      %dma_wait3A_72 = arith.constant 0 : i32
      %dma_wait3A_73 = tpu.memref_slice %arg3[%arg0, %dma_wait3A_71, %dma_wait3A_72] : memref<2x10112x128xf32, #tpu.memory_space<hbm>> -> memref<1x10112x128xf32, #tpu.memory_space<hbm>>
      %dma_wait3A_74 = tpu.memref_squeeze %dma_wait3A_73 : memref<1x10112x128xf32, #tpu.memory_space<hbm>> -> memref<10112x128xf32, #tpu.memory_space<hbm>>
      %dma_wait3A_75 = arith.constant 0 : i32
      %dma_wait3A_76 = tpu.memref_slice %dma_wait3A_74[%mul3A_41, %dma_wait3A_75] : memref<10112x128xf32, #tpu.memory_space<hbm>> -> memref<128x128xf32, #tpu.memory_space<hbm>>
      %dma_wait3A_77 = arith.constant 0 : i32
      %dma_wait3A_78 = arith.constant 0 : i32
      %dma_wait3A_79 = tpu.memref_slice %arg3[%arg0, %dma_wait3A_77, %dma_wait3A_78] : memref<2x10112x128xf32, #tpu.memory_space<hbm>> -> memref<1x10112x128xf32, #tpu.memory_space<hbm>>
      %dma_wait3A_80 = tpu.memref_squeeze %dma_wait3A_79 : memref<1x10112x128xf32, #tpu.memory_space<hbm>> -> memref<10112x128xf32, #tpu.memory_space<hbm>>
      %dma_wait3A_81 = arith.constant 0 : i32
      %dma_wait3A_82 = tpu.memref_slice %dma_wait3A_80[%mul3A_41, %dma_wait3A_81] : memref<10112x128xf32, #tpu.memory_space<hbm>> -> memref<128x128xf32, #tpu.memory_space<hbm>>
      %dma_wait3A_83 = arith.constant 0 : i32
      %dma_wait3A_84 = arith.constant 0 : i32
      %dma_wait3A_85 = tpu.memref_slice %arg6[%dma_wait3A_83, %dma_wait3A_84] : memref<128x128xf32, #tpu.memory_space<vmem>> -> memref<128x128xf32, #tpu.memory_space<vmem>>
      tpu.wait_dma2 semaphore(%run_scoped3A : memref<!tpu.dma_semaphore, #tpu.memory_space<semaphore_mem>>) src(%dma_wait3A_85 : memref<128x128xf32, #tpu.memory_space<vmem>>) dst(%dma_wait3A_82 : memref<128x128xf32, #tpu.memory_space<hbm>>)
      tpu.yield
    }) : () -> ()
    %add3A_42 = arith.constant 128 : i32
    %add3A_43 = arith.addi %mul3A_41, %add3A_42 : i32
    "tpu.region"() ({
      %run_scoped3A = tpu.sem_alloc : memref<!tpu.dma_semaphore, #tpu.memory_space<semaphore_mem>>
      %dma_start3A = arith.constant 0 : i32
      %dma_start3A_52 = arith.constant 0 : i32
      %dma_start3A_53 = tpu.memref_slice %arg6[%dma_start3A, %dma_start3A_52] : memref<128x128xf32, #tpu.memory_space<vmem>> -> memref<128x128xf32, #tpu.memory_space<vmem>>
      %dma_start3A_54 = arith.constant 0 : i32
      %dma_start3A_55 = tpu.memref_slice %arg7[%add3A_43, %dma_start3A_54] : memref<10112x128xf32, #tpu.memory_space<vmem_shared>> -> memref<128x128xf32, #tpu.memory_space<vmem_shared>>
      %dma_start3A_56 = arith.constant 0 : i32
      %dma_start3A_57 = arith.constant 0 : i32
      %dma_start3A_58 = tpu.memref_slice %arg6[%dma_start3A_56, %dma_start3A_57] : memref<128x128xf32, #tpu.memory_space<vmem>> -> memref<128x128xf32, #tpu.memory_space<vmem>>
      %dma_start3A_59 = arith.constant 0 : i32
      %dma_start3A_60 = tpu.memref_slice %arg7[%add3A_43, %dma_start3A_59] : memref<10112x128xf32, #tpu.memory_space<vmem_shared>> -> memref<128x128xf32, #tpu.memory_space<vmem_shared>>
      tpu.enqueue_dma source(%dma_start3A_60 : memref<128x128xf32, #tpu.memory_space<vmem_shared>>) target(%dma_start3A_58 : memref<128x128xf32, #tpu.memory_space<vmem>>) target_semaphore(%run_scoped3A : memref<!tpu.dma_semaphore, #tpu.memory_space<semaphore_mem>>)
      %dma_wait3A = arith.constant 0 : i32
      %dma_wait3A_61 = arith.constant 0 : i32
      %dma_wait3A_62 = tpu.memref_slice %arg6[%dma_wait3A, %dma_wait3A_61] : memref<128x128xf32, #tpu.memory_space<vmem>> -> memref<128x128xf32, #tpu.memory_space<vmem>>
      %dma_wait3A_63 = arith.constant 0 : i32
      %dma_wait3A_64 = tpu.memref_slice %arg7[%add3A_43, %dma_wait3A_63] : memref<10112x128xf32, #tpu.memory_space<vmem_shared>> -> memref<128x128xf32, #tpu.memory_space<vmem_shared>>
      %dma_wait3A_65 = arith.constant 0 : i32
      %dma_wait3A_66 = arith.constant 0 : i32
      %dma_wait3A_67 = tpu.memref_slice %arg6[%dma_wait3A_65, %dma_wait3A_66] : memref<128x128xf32, #tpu.memory_space<vmem>> -> memref<128x128xf32, #tpu.memory_space<vmem>>
      %dma_wait3A_68 = arith.constant 0 : i32
      %dma_wait3A_69 = tpu.memref_slice %arg7[%add3A_43, %dma_wait3A_68] : memref<10112x128xf32, #tpu.memory_space<vmem_shared>> -> memref<128x128xf32, #tpu.memory_space<vmem_shared>>
      tpu.wait_dma2 semaphore(%run_scoped3A : memref<!tpu.dma_semaphore, #tpu.memory_space<semaphore_mem>>) src(%dma_wait3A_69 : memref<128x128xf32, #tpu.memory_space<vmem_shared>>) dst(%dma_wait3A_67 : memref<128x128xf32, #tpu.memory_space<vmem>>)
      tpu.yield
    }) : () -> ()
    "tpu.region"() ({
      %run_scoped3A = tpu.sem_alloc : memref<!tpu.dma_semaphore, #tpu.memory_space<semaphore_mem>>
      %dma_start3A = arith.constant 0 : i32
      %dma_start3A_52 = arith.constant 0 : i32
      %dma_start3A_53 = tpu.memref_slice %arg6[%dma_start3A, %dma_start3A_52] : memref<128x128xf32, #tpu.memory_space<vmem>> -> memref<128x128xf32, #tpu.memory_space<vmem>>
      %dma_start3A_54 = arith.constant 0 : i32
      %dma_start3A_55 = arith.constant 0 : i32
      %dma_start3A_56 = tpu.memref_slice %arg3[%arg0, %dma_start3A_54, %dma_start3A_55] : memref<2x10112x128xf32, #tpu.memory_space<hbm>> -> memref<1x10112x128xf32, #tpu.memory_space<hbm>>
      %dma_start3A_57 = tpu.memref_squeeze %dma_start3A_56 : memref<1x10112x128xf32, #tpu.memory_space<hbm>> -> memref<10112x128xf32, #tpu.memory_space<hbm>>
      %dma_start3A_58 = arith.constant 0 : i32
      %dma_start3A_59 = tpu.memref_slice %dma_start3A_57[%add3A_43, %dma_start3A_58] : memref<10112x128xf32, #tpu.memory_space<hbm>> -> memref<128x128xf32, #tpu.memory_space<hbm>>
      %dma_start3A_60 = arith.constant 0 : i32
      %dma_start3A_61 = arith.constant 0 : i32
      %dma_start3A_62 = tpu.memref_slice %arg3[%arg0, %dma_start3A_60, %dma_start3A_61] : memref<2x10112x128xf32, #tpu.memory_space<hbm>> -> memref<1x10112x128xf32, #tpu.memory_space<hbm>>
      %dma_start3A_63 = tpu.memref_squeeze %dma_start3A_62 : memref<1x10112x128xf32, #tpu.memory_space<hbm>> -> memref<10112x128xf32, #tpu.memory_space<hbm>>
      %dma_start3A_64 = arith.constant 0 : i32
      %dma_start3A_65 = tpu.memref_slice %dma_start3A_63[%add3A_43, %dma_start3A_64] : memref<10112x128xf32, #tpu.memory_space<hbm>> -> memref<128x128xf32, #tpu.memory_space<hbm>>
      %dma_start3A_66 = arith.constant 0 : i32
      %dma_start3A_67 = arith.constant 0 : i32
      %dma_start3A_68 = tpu.memref_slice %arg6[%dma_start3A_66, %dma_start3A_67] : memref<128x128xf32, #tpu.memory_space<vmem>> -> memref<128x128xf32, #tpu.memory_space<vmem>>
      tpu.enqueue_dma source(%dma_start3A_68 : memref<128x128xf32, #tpu.memory_space<vmem>>) target(%dma_start3A_65 : memref<128x128xf32, #tpu.memory_space<hbm>>) target_semaphore(%run_scoped3A : memref<!tpu.dma_semaphore, #tpu.memory_space<semaphore_mem>>)
      %dma_wait3A = arith.constant 0 : i32
      %dma_wait3A_69 = arith.constant 0 : i32
      %dma_wait3A_70 = tpu.memref_slice %arg6[%dma_wait3A, %dma_wait3A_69] : memref<128x128xf32, #tpu.memory_space<vmem>> -> memref<128x128xf32, #tpu.memory_space<vmem>>
      %dma_wait3A_71 = arith.constant 0 : i32
      %dma_wait3A_72 = arith.constant 0 : i32
      %dma_wait3A_73 = tpu.memref_slice %arg3[%arg0, %dma_wait3A_71, %dma_wait3A_72] : memref<2x10112x128xf32, #tpu.memory_space<hbm>> -> memref<1x10112x128xf32, #tpu.memory_space<hbm>>
      %dma_wait3A_74 = tpu.memref_squeeze %dma_wait3A_73 : memref<1x10112x128xf32, #tpu.memory_space<hbm>> -> memref<10112x128xf32, #tpu.memory_space<hbm>>
      %dma_wait3A_75 = arith.constant 0 : i32
      %dma_wait3A_76 = tpu.memref_slice %dma_wait3A_74[%add3A_43, %dma_wait3A_75] : memref<10112x128xf32, #tpu.memory_space<hbm>> -> memref<128x128xf32, #tpu.memory_space<hbm>>
      %dma_wait3A_77 = arith.constant 0 : i32
      %dma_wait3A_78 = arith.constant 0 : i32
      %dma_wait3A_79 = tpu.memref_slice %arg3[%arg0, %dma_wait3A_77, %dma_wait3A_78] : memref<2x10112x128xf32, #tpu.memory_space<hbm>> -> memref<1x10112x128xf32, #tpu.memory_space<hbm>>
      %dma_wait3A_80 = tpu.memref_squeeze %dma_wait3A_79 : memref<1x10112x128xf32, #tpu.memory_space<hbm>> -> memref<10112x128xf32, #tpu.memory_space<hbm>>
      %dma_wait3A_81 = arith.constant 0 : i32
      %dma_wait3A_82 = tpu.memref_slice %dma_wait3A_80[%add3A_43, %dma_wait3A_81] : memref<10112x128xf32, #tpu.memory_space<hbm>> -> memref<128x128xf32, #tpu.memory_space<hbm>>
      %dma_wait3A_83 = arith.constant 0 : i32
      %dma_wait3A_84 = arith.constant 0 : i32
      %dma_wait3A_85 = tpu.memref_slice %arg6[%dma_wait3A_83, %dma_wait3A_84] : memref<128x128xf32, #tpu.memory_space<vmem>> -> memref<128x128xf32, #tpu.memory_space<vmem>>
      tpu.wait_dma2 semaphore(%run_scoped3A : memref<!tpu.dma_semaphore, #tpu.memory_space<semaphore_mem>>) src(%dma_wait3A_85 : memref<128x128xf32, #tpu.memory_space<vmem>>) dst(%dma_wait3A_82 : memref<128x128xf32, #tpu.memory_space<hbm>>)
      tpu.yield
    }) : () -> ()
    %add3A_44 = arith.constant 128 : i32
    %add3A_45 = arith.addi %add3A_43, %add3A_44 : i32
    "tpu.region"() ({
      %run_scoped3A = tpu.sem_alloc : memref<!tpu.dma_semaphore, #tpu.memory_space<semaphore_mem>>
      %dma_start3A = arith.constant 0 : i32
      %dma_start3A_52 = arith.constant 0 : i32
      %dma_start3A_53 = tpu.memref_slice %arg6[%dma_start3A, %dma_start3A_52] : memref<128x128xf32, #tpu.memory_space<vmem>> -> memref<128x128xf32, #tpu.memory_space<vmem>>
      %dma_start3A_54 = arith.constant 0 : i32
      %dma_start3A_55 = tpu.memref_slice %arg7[%add3A_45, %dma_start3A_54] : memref<10112x128xf32, #tpu.memory_space<vmem_shared>> -> memref<128x128xf32, #tpu.memory_space<vmem_shared>>
      %dma_start3A_56 = arith.constant 0 : i32
      %dma_start3A_57 = arith.constant 0 : i32
      %dma_start3A_58 = tpu.memref_slice %arg6[%dma_start3A_56, %dma_start3A_57] : memref<128x128xf32, #tpu.memory_space<vmem>> -> memref<128x128xf32, #tpu.memory_space<vmem>>
      %dma_start3A_59 = arith.constant 0 : i32
      %dma_start3A_60 = tpu.memref_slice %arg7[%add3A_45, %dma_start3A_59] : memref<10112x128xf32, #tpu.memory_space<vmem_shared>> -> memref<128x128xf32, #tpu.memory_space<vmem_shared>>
      tpu.enqueue_dma source(%dma_start3A_60 : memref<128x128xf32, #tpu.memory_space<vmem_shared>>) target(%dma_start3A_58 : memref<128x128xf32, #tpu.memory_space<vmem>>) target_semaphore(%run_scoped3A : memref<!tpu.dma_semaphore, #tpu.memory_space<semaphore_mem>>)
      %dma_wait3A = arith.constant 0 : i32
      %dma_wait3A_61 = arith.constant 0 : i32
      %dma_wait3A_62 = tpu.memref_slice %arg6[%dma_wait3A, %dma_wait3A_61] : memref<128x128xf32, #tpu.memory_space<vmem>> -> memref<128x128xf32, #tpu.memory_space<vmem>>
      %dma_wait3A_63 = arith.constant 0 : i32
      %dma_wait3A_64 = tpu.memref_slice %arg7[%add3A_45, %dma_wait3A_63] : memref<10112x128xf32, #tpu.memory_space<vmem_shared>> -> memref<128x128xf32, #tpu.memory_space<vmem_shared>>
      %dma_wait3A_65 = arith.constant 0 : i32
      %dma_wait3A_66 = arith.constant 0 : i32
      %dma_wait3A_67 = tpu.memref_slice %arg6[%dma_wait3A_65, %dma_wait3A_66] : memref<128x128xf32, #tpu.memory_space<vmem>> -> memref<128x128xf32, #tpu.memory_space<vmem>>
      %dma_wait3A_68 = arith.constant 0 : i32
      %dma_wait3A_69 = tpu.memref_slice %arg7[%add3A_45, %dma_wait3A_68] : memref<10112x128xf32, #tpu.memory_space<vmem_shared>> -> memref<128x128xf32, #tpu.memory_space<vmem_shared>>
      tpu.wait_dma2 semaphore(%run_scoped3A : memref<!tpu.dma_semaphore, #tpu.memory_space<semaphore_mem>>) src(%dma_wait3A_69 : memref<128x128xf32, #tpu.memory_space<vmem_shared>>) dst(%dma_wait3A_67 : memref<128x128xf32, #tpu.memory_space<vmem>>)
      tpu.yield
    }) : () -> ()
    "tpu.region"() ({
      %run_scoped3A = tpu.sem_alloc : memref<!tpu.dma_semaphore, #tpu.memory_space<semaphore_mem>>
      %dma_start3A = arith.constant 0 : i32
      %dma_start3A_52 = arith.constant 0 : i32
      %dma_start3A_53 = tpu.memref_slice %arg6[%dma_start3A, %dma_start3A_52] : memref<128x128xf32, #tpu.memory_space<vmem>> -> memref<128x128xf32, #tpu.memory_space<vmem>>
      %dma_start3A_54 = arith.constant 0 : i32
      %dma_start3A_55 = arith.constant 0 : i32
      %dma_start3A_56 = tpu.memref_slice %arg3[%arg0, %dma_start3A_54, %dma_start3A_55] : memref<2x10112x128xf32, #tpu.memory_space<hbm>> -> memref<1x10112x128xf32, #tpu.memory_space<hbm>>
      %dma_start3A_57 = tpu.memref_squeeze %dma_start3A_56 : memref<1x10112x128xf32, #tpu.memory_space<hbm>> -> memref<10112x128xf32, #tpu.memory_space<hbm>>
      %dma_start3A_58 = arith.constant 0 : i32
      %dma_start3A_59 = tpu.memref_slice %dma_start3A_57[%add3A_45, %dma_start3A_58] : memref<10112x128xf32, #tpu.memory_space<hbm>> -> memref<128x128xf32, #tpu.memory_space<hbm>>
      %dma_start3A_60 = arith.constant 0 : i32
      %dma_start3A_61 = arith.constant 0 : i32
      %dma_start3A_62 = tpu.memref_slice %arg3[%arg0, %dma_start3A_60, %dma_start3A_61] : memref<2x10112x128xf32, #tpu.memory_space<hbm>> -> memref<1x10112x128xf32, #tpu.memory_space<hbm>>
      %dma_start3A_63 = tpu.memref_squeeze %dma_start3A_62 : memref<1x10112x128xf32, #tpu.memory_space<hbm>> -> memref<10112x128xf32, #tpu.memory_space<hbm>>
      %dma_start3A_64 = arith.constant 0 : i32
      %dma_start3A_65 = tpu.memref_slice %dma_start3A_63[%add3A_45, %dma_start3A_64] : memref<10112x128xf32, #tpu.memory_space<hbm>> -> memref<128x128xf32, #tpu.memory_space<hbm>>
      %dma_start3A_66 = arith.constant 0 : i32
      %dma_start3A_67 = arith.constant 0 : i32
      %dma_start3A_68 = tpu.memref_slice %arg6[%dma_start3A_66, %dma_start3A_67] : memref<128x128xf32, #tpu.memory_space<vmem>> -> memref<128x128xf32, #tpu.memory_space<vmem>>
      tpu.enqueue_dma source(%dma_start3A_68 : memref<128x128xf32, #tpu.memory_space<vmem>>) target(%dma_start3A_65 : memref<128x128xf32, #tpu.memory_space<hbm>>) target_semaphore(%run_scoped3A : memref<!tpu.dma_semaphore, #tpu.memory_space<semaphore_mem>>)
      %dma_wait3A = arith.constant 0 : i32
      %dma_wait3A_69 = arith.constant 0 : i32
      %dma_wait3A_70 = tpu.memref_slice %arg6[%dma_wait3A, %dma_wait3A_69] : memref<128x128xf32, #tpu.memory_space<vmem>> -> memref<128x128xf32, #tpu.memory_space<vmem>>
      %dma_wait3A_71 = arith.constant 0 : i32
      %dma_wait3A_72 = arith.constant 0 : i32
      %dma_wait3A_73 = tpu.memref_slice %arg3[%arg0, %dma_wait3A_71, %dma_wait3A_72] : memref<2x10112x128xf32, #tpu.memory_space<hbm>> -> memref<1x10112x128xf32, #tpu.memory_space<hbm>>
      %dma_wait3A_74 = tpu.memref_squeeze %dma_wait3A_73 : memref<1x10112x128xf32, #tpu.memory_space<hbm>> -> memref<10112x128xf32, #tpu.memory_space<hbm>>
      %dma_wait3A_75 = arith.constant 0 : i32
      %dma_wait3A_76 = tpu.memref_slice %dma_wait3A_74[%add3A_45, %dma_wait3A_75] : memref<10112x128xf32, #tpu.memory_space<hbm>> -> memref<128x128xf32, #tpu.memory_space<hbm>>
      %dma_wait3A_77 = arith.constant 0 : i32
      %dma_wait3A_78 = arith.constant 0 : i32
      %dma_wait3A_79 = tpu.memref_slice %arg3[%arg0, %dma_wait3A_77, %dma_wait3A_78] : memref<2x10112x128xf32, #tpu.memory_space<hbm>> -> memref<1x10112x128xf32, #tpu.memory_space<hbm>>
      %dma_wait3A_80 = tpu.memref_squeeze %dma_wait3A_79 : memref<1x10112x128xf32, #tpu.memory_space<hbm>> -> memref<10112x128xf32, #tpu.memory_space<hbm>>
      %dma_wait3A_81 = arith.constant 0 : i32
      %dma_wait3A_82 = tpu.memref_slice %dma_wait3A_80[%add3A_45, %dma_wait3A_81] : memref<10112x128xf32, #tpu.memory_space<hbm>> -> memref<128x128xf32, #tpu.memory_space<hbm>>
      %dma_wait3A_83 = arith.constant 0 : i32
      %dma_wait3A_84 = arith.constant 0 : i32
      %dma_wait3A_85 = tpu.memref_slice %arg6[%dma_wait3A_83, %dma_wait3A_84] : memref<128x128xf32, #tpu.memory_space<vmem>> -> memref<128x128xf32, #tpu.memory_space<vmem>>
      tpu.wait_dma2 semaphore(%run_scoped3A : memref<!tpu.dma_semaphore, #tpu.memory_space<semaphore_mem>>) src(%dma_wait3A_85 : memref<128x128xf32, #tpu.memory_space<vmem>>) dst(%dma_wait3A_82 : memref<128x128xf32, #tpu.memory_space<hbm>>)
      tpu.yield
    }) : () -> ()
    %add3A_46 = arith.constant 128 : i32
    %add3A_47 = arith.addi %add3A_45, %add3A_46 : i32
    "tpu.region"() ({
      %run_scoped3A = tpu.sem_alloc : memref<!tpu.dma_semaphore, #tpu.memory_space<semaphore_mem>>
      %dma_start3A = arith.constant 0 : i32
      %dma_start3A_52 = arith.constant 0 : i32
      %dma_start3A_53 = tpu.memref_slice %arg6[%dma_start3A, %dma_start3A_52] : memref<128x128xf32, #tpu.memory_space<vmem>> -> memref<128x128xf32, #tpu.memory_space<vmem>>
      %dma_start3A_54 = arith.constant 0 : i32
      %dma_start3A_55 = tpu.memref_slice %arg7[%add3A_47, %dma_start3A_54] : memref<10112x128xf32, #tpu.memory_space<vmem_shared>> -> memref<128x128xf32, #tpu.memory_space<vmem_shared>>
      %dma_start3A_56 = arith.constant 0 : i32
      %dma_start3A_57 = arith.constant 0 : i32
      %dma_start3A_58 = tpu.memref_slice %arg6[%dma_start3A_56, %dma_start3A_57] : memref<128x128xf32, #tpu.memory_space<vmem>> -> memref<128x128xf32, #tpu.memory_space<vmem>>
      %dma_start3A_59 = arith.constant 0 : i32
      %dma_start3A_60 = tpu.memref_slice %arg7[%add3A_47, %dma_start3A_59] : memref<10112x128xf32, #tpu.memory_space<vmem_shared>> -> memref<128x128xf32, #tpu.memory_space<vmem_shared>>
      tpu.enqueue_dma source(%dma_start3A_60 : memref<128x128xf32, #tpu.memory_space<vmem_shared>>) target(%dma_start3A_58 : memref<128x128xf32, #tpu.memory_space<vmem>>) target_semaphore(%run_scoped3A : memref<!tpu.dma_semaphore, #tpu.memory_space<semaphore_mem>>)
      %dma_wait3A = arith.constant 0 : i32
      %dma_wait3A_61 = arith.constant 0 : i32
      %dma_wait3A_62 = tpu.memref_slice %arg6[%dma_wait3A, %dma_wait3A_61] : memref<128x128xf32, #tpu.memory_space<vmem>> -> memref<128x128xf32, #tpu.memory_space<vmem>>
      %dma_wait3A_63 = arith.constant 0 : i32
      %dma_wait3A_64 = tpu.memref_slice %arg7[%add3A_47, %dma_wait3A_63] : memref<10112x128xf32, #tpu.memory_space<vmem_shared>> -> memref<128x128xf32, #tpu.memory_space<vmem_shared>>
      %dma_wait3A_65 = arith.constant 0 : i32
      %dma_wait3A_66 = arith.constant 0 : i32
      %dma_wait3A_67 = tpu.memref_slice %arg6[%dma_wait3A_65, %dma_wait3A_66] : memref<128x128xf32, #tpu.memory_space<vmem>> -> memref<128x128xf32, #tpu.memory_space<vmem>>
      %dma_wait3A_68 = arith.constant 0 : i32
      %dma_wait3A_69 = tpu.memref_slice %arg7[%add3A_47, %dma_wait3A_68] : memref<10112x128xf32, #tpu.memory_space<vmem_shared>> -> memref<128x128xf32, #tpu.memory_space<vmem_shared>>
      tpu.wait_dma2 semaphore(%run_scoped3A : memref<!tpu.dma_semaphore, #tpu.memory_space<semaphore_mem>>) src(%dma_wait3A_69 : memref<128x128xf32, #tpu.memory_space<vmem_shared>>) dst(%dma_wait3A_67 : memref<128x128xf32, #tpu.memory_space<vmem>>)
      tpu.yield
    }) : () -> ()
    "tpu.region"() ({
      %run_scoped3A = tpu.sem_alloc : memref<!tpu.dma_semaphore, #tpu.memory_space<semaphore_mem>>
      %dma_start3A = arith.constant 0 : i32
      %dma_start3A_52 = arith.constant 0 : i32
      %dma_start3A_53 = tpu.memref_slice %arg6[%dma_start3A, %dma_start3A_52] : memref<128x128xf32, #tpu.memory_space<vmem>> -> memref<128x128xf32, #tpu.memory_space<vmem>>
      %dma_start3A_54 = arith.constant 0 : i32
      %dma_start3A_55 = arith.constant 0 : i32
      %dma_start3A_56 = tpu.memref_slice %arg3[%arg0, %dma_start3A_54, %dma_start3A_55] : memref<2x10112x128xf32, #tpu.memory_space<hbm>> -> memref<1x10112x128xf32, #tpu.memory_space<hbm>>
      %dma_start3A_57 = tpu.memref_squeeze %dma_start3A_56 : memref<1x10112x128xf32, #tpu.memory_space<hbm>> -> memref<10112x128xf32, #tpu.memory_space<hbm>>
      %dma_start3A_58 = arith.constant 0 : i32
      %dma_start3A_59 = tpu.memref_slice %dma_start3A_57[%add3A_47, %dma_start3A_58] : memref<10112x128xf32, #tpu.memory_space<hbm>> -> memref<128x128xf32, #tpu.memory_space<hbm>>
      %dma_start3A_60 = arith.constant 0 : i32
      %dma_start3A_61 = arith.constant 0 : i32
      %dma_start3A_62 = tpu.memref_slice %arg3[%arg0, %dma_start3A_60, %dma_start3A_61] : memref<2x10112x128xf32, #tpu.memory_space<hbm>> -> memref<1x10112x128xf32, #tpu.memory_space<hbm>>
      %dma_start3A_63 = tpu.memref_squeeze %dma_start3A_62 : memref<1x10112x128xf32, #tpu.memory_space<hbm>> -> memref<10112x128xf32, #tpu.memory_space<hbm>>
      %dma_start3A_64 = arith.constant 0 : i32
      %dma_start3A_65 = tpu.memref_slice %dma_start3A_63[%add3A_47, %dma_start3A_64] : memref<10112x128xf32, #tpu.memory_space<hbm>> -> memref<128x128xf32, #tpu.memory_space<hbm>>
      %dma_start3A_66 = arith.constant 0 : i32
      %dma_start3A_67 = arith.constant 0 : i32
      %dma_start3A_68 = tpu.memref_slice %arg6[%dma_start3A_66, %dma_start3A_67] : memref<128x128xf32, #tpu.memory_space<vmem>> -> memref<128x128xf32, #tpu.memory_space<vmem>>
      tpu.enqueue_dma source(%dma_start3A_68 : memref<128x128xf32, #tpu.memory_space<vmem>>) target(%dma_start3A_65 : memref<128x128xf32, #tpu.memory_space<hbm>>) target_semaphore(%run_scoped3A : memref<!tpu.dma_semaphore, #tpu.memory_space<semaphore_mem>>)
      %dma_wait3A = arith.constant 0 : i32
      %dma_wait3A_69 = arith.constant 0 : i32
      %dma_wait3A_70 = tpu.memref_slice %arg6[%dma_wait3A, %dma_wait3A_69] : memref<128x128xf32, #tpu.memory_space<vmem>> -> memref<128x128xf32, #tpu.memory_space<vmem>>
      %dma_wait3A_71 = arith.constant 0 : i32
      %dma_wait3A_72 = arith.constant 0 : i32
      %dma_wait3A_73 = tpu.memref_slice %arg3[%arg0, %dma_wait3A_71, %dma_wait3A_72] : memref<2x10112x128xf32, #tpu.memory_space<hbm>> -> memref<1x10112x128xf32, #tpu.memory_space<hbm>>
      %dma_wait3A_74 = tpu.memref_squeeze %dma_wait3A_73 : memref<1x10112x128xf32, #tpu.memory_space<hbm>> -> memref<10112x128xf32, #tpu.memory_space<hbm>>
      %dma_wait3A_75 = arith.constant 0 : i32
      %dma_wait3A_76 = tpu.memref_slice %dma_wait3A_74[%add3A_47, %dma_wait3A_75] : memref<10112x128xf32, #tpu.memory_space<hbm>> -> memref<128x128xf32, #tpu.memory_space<hbm>>
      %dma_wait3A_77 = arith.constant 0 : i32
      %dma_wait3A_78 = arith.constant 0 : i32
      %dma_wait3A_79 = tpu.memref_slice %arg3[%arg0, %dma_wait3A_77, %dma_wait3A_78] : memref<2x10112x128xf32, #tpu.memory_space<hbm>> -> memref<1x10112x128xf32, #tpu.memory_space<hbm>>
      %dma_wait3A_80 = tpu.memref_squeeze %dma_wait3A_79 : memref<1x10112x128xf32, #tpu.memory_space<hbm>> -> memref<10112x128xf32, #tpu.memory_space<hbm>>
      %dma_wait3A_81 = arith.constant 0 : i32
      %dma_wait3A_82 = tpu.memref_slice %dma_wait3A_80[%add3A_47, %dma_wait3A_81] : memref<10112x128xf32, #tpu.memory_space<hbm>> -> memref<128x128xf32, #tpu.memory_space<hbm>>
      %dma_wait3A_83 = arith.constant 0 : i32
      %dma_wait3A_84 = arith.constant 0 : i32
      %dma_wait3A_85 = tpu.memref_slice %arg6[%dma_wait3A_83, %dma_wait3A_84] : memref<128x128xf32, #tpu.memory_space<vmem>> -> memref<128x128xf32, #tpu.memory_space<vmem>>
      tpu.wait_dma2 semaphore(%run_scoped3A : memref<!tpu.dma_semaphore, #tpu.memory_space<semaphore_mem>>) src(%dma_wait3A_85 : memref<128x128xf32, #tpu.memory_space<vmem>>) dst(%dma_wait3A_82 : memref<128x128xf32, #tpu.memory_space<hbm>>)
      tpu.yield
    }) : () -> ()
    %add3A_48 = arith.constant 128 : i32
    %add3A_49 = arith.addi %add3A_47, %add3A_48 : i32
    "tpu.region"() ({
      %run_scoped3A = tpu.sem_alloc : memref<!tpu.dma_semaphore, #tpu.memory_space<semaphore_mem>>
      %dma_start3A = arith.constant 0 : i32
      %dma_start3A_52 = arith.constant 0 : i32
      %dma_start3A_53 = tpu.memref_slice %arg6[%dma_start3A, %dma_start3A_52] : memref<128x128xf32, #tpu.memory_space<vmem>> -> memref<120x128xf32, #tpu.memory_space<vmem>>
      %dma_start3A_54 = arith.constant 0 : i32
      %dma_start3A_55 = tpu.memref_slice %arg7[%add3A_49, %dma_start3A_54] : memref<10112x128xf32, #tpu.memory_space<vmem_shared>> -> memref<120x128xf32, #tpu.memory_space<vmem_shared>>
      %dma_start3A_56 = arith.constant 0 : i32
      %dma_start3A_57 = arith.constant 0 : i32
      %dma_start3A_58 = tpu.memref_slice %arg6[%dma_start3A_56, %dma_start3A_57] : memref<128x128xf32, #tpu.memory_space<vmem>> -> memref<120x128xf32, #tpu.memory_space<vmem>>
      %dma_start3A_59 = arith.constant 0 : i32
      %dma_start3A_60 = tpu.memref_slice %arg7[%add3A_49, %dma_start3A_59] : memref<10112x128xf32, #tpu.memory_space<vmem_shared>> -> memref<120x128xf32, #tpu.memory_space<vmem_shared>>
      tpu.enqueue_dma source(%dma_start3A_60 : memref<120x128xf32, #tpu.memory_space<vmem_shared>>) target(%dma_start3A_58 : memref<120x128xf32, #tpu.memory_space<vmem>>) target_semaphore(%run_scoped3A : memref<!tpu.dma_semaphore, #tpu.memory_space<semaphore_mem>>)
      %dma_wait3A = arith.constant 0 : i32
      %dma_wait3A_61 = arith.constant 0 : i32
      %dma_wait3A_62 = tpu.memref_slice %arg6[%dma_wait3A, %dma_wait3A_61] : memref<128x128xf32, #tpu.memory_space<vmem>> -> memref<120x128xf32, #tpu.memory_space<vmem>>
      %dma_wait3A_63 = arith.constant 0 : i32
      %dma_wait3A_64 = tpu.memref_slice %arg7[%add3A_49, %dma_wait3A_63] : memref<10112x128xf32, #tpu.memory_space<vmem_shared>> -> memref<120x128xf32, #tpu.memory_space<vmem_shared>>
      %dma_wait3A_65 = arith.constant 0 : i32
      %dma_wait3A_66 = arith.constant 0 : i32
      %dma_wait3A_67 = tpu.memref_slice %arg6[%dma_wait3A_65, %dma_wait3A_66] : memref<128x128xf32, #tpu.memory_space<vmem>> -> memref<120x128xf32, #tpu.memory_space<vmem>>
      %dma_wait3A_68 = arith.constant 0 : i32
      %dma_wait3A_69 = tpu.memref_slice %arg7[%add3A_49, %dma_wait3A_68] : memref<10112x128xf32, #tpu.memory_space<vmem_shared>> -> memref<120x128xf32, #tpu.memory_space<vmem_shared>>
      tpu.wait_dma2 semaphore(%run_scoped3A : memref<!tpu.dma_semaphore, #tpu.memory_space<semaphore_mem>>) src(%dma_wait3A_69 : memref<120x128xf32, #tpu.memory_space<vmem_shared>>) dst(%dma_wait3A_67 : memref<120x128xf32, #tpu.memory_space<vmem>>)
      tpu.yield
    }) : () -> ()
    "tpu.region"() ({
      %run_scoped3A = tpu.sem_alloc : memref<!tpu.dma_semaphore, #tpu.memory_space<semaphore_mem>>
      %dma_start3A = arith.constant 0 : i32
      %dma_start3A_52 = arith.constant 0 : i32
      %dma_start3A_53 = tpu.memref_slice %arg6[%dma_start3A, %dma_start3A_52] : memref<128x128xf32, #tpu.memory_space<vmem>> -> memref<120x128xf32, #tpu.memory_space<vmem>>
      %dma_start3A_54 = arith.constant 0 : i32
      %dma_start3A_55 = arith.constant 0 : i32
      %dma_start3A_56 = tpu.memref_slice %arg3[%arg0, %dma_start3A_54, %dma_start3A_55] : memref<2x10112x128xf32, #tpu.memory_space<hbm>> -> memref<1x10112x128xf32, #tpu.memory_space<hbm>>
      %dma_start3A_57 = tpu.memref_squeeze %dma_start3A_56 : memref<1x10112x128xf32, #tpu.memory_space<hbm>> -> memref<10112x128xf32, #tpu.memory_space<hbm>>
      %dma_start3A_58 = arith.constant 0 : i32
      %dma_start3A_59 = tpu.memref_slice %dma_start3A_57[%add3A_49, %dma_start3A_58] : memref<10112x128xf32, #tpu.memory_space<hbm>> -> memref<120x128xf32, #tpu.memory_space<hbm>>
      %dma_start3A_60 = arith.constant 0 : i32
      %dma_start3A_61 = arith.constant 0 : i32
      %dma_start3A_62 = tpu.memref_slice %arg3[%arg0, %dma_start3A_60, %dma_start3A_61] : memref<2x10112x128xf32, #tpu.memory_space<hbm>> -> memref<1x10112x128xf32, #tpu.memory_space<hbm>>
      %dma_start3A_63 = tpu.memref_squeeze %dma_start3A_62 : memref<1x10112x128xf32, #tpu.memory_space<hbm>> -> memref<10112x128xf32, #tpu.memory_space<hbm>>
      %dma_start3A_64 = arith.constant 0 : i32
      %dma_start3A_65 = tpu.memref_slice %dma_start3A_63[%add3A_49, %dma_start3A_64] : memref<10112x128xf32, #tpu.memory_space<hbm>> -> memref<120x128xf32, #tpu.memory_space<hbm>>
      %dma_start3A_66 = arith.constant 0 : i32
      %dma_start3A_67 = arith.constant 0 : i32
      %dma_start3A_68 = tpu.memref_slice %arg6[%dma_start3A_66, %dma_start3A_67] : memref<128x128xf32, #tpu.memory_space<vmem>> -> memref<120x128xf32, #tpu.memory_space<vmem>>
      tpu.enqueue_dma source(%dma_start3A_68 : memref<120x128xf32, #tpu.memory_space<vmem>>) target(%dma_start3A_65 : memref<120x128xf32, #tpu.memory_space<hbm>>) target_semaphore(%run_scoped3A : memref<!tpu.dma_semaphore, #tpu.memory_space<semaphore_mem>>)
      %dma_wait3A = arith.constant 0 : i32
      %dma_wait3A_69 = arith.constant 0 : i32
      %dma_wait3A_70 = tpu.memref_slice %arg6[%dma_wait3A, %dma_wait3A_69] : memref<128x128xf32, #tpu.memory_space<vmem>> -> memref<120x128xf32, #tpu.memory_space<vmem>>
      %dma_wait3A_71 = arith.constant 0 : i32
      %dma_wait3A_72 = arith.constant 0 : i32
      %dma_wait3A_73 = tpu.memref_slice %arg3[%arg0, %dma_wait3A_71, %dma_wait3A_72] : memref<2x10112x128xf32, #tpu.memory_space<hbm>> -> memref<1x10112x128xf32, #tpu.memory_space<hbm>>
      %dma_wait3A_74 = tpu.memref_squeeze %dma_wait3A_73 : memref<1x10112x128xf32, #tpu.memory_space<hbm>> -> memref<10112x128xf32, #tpu.memory_space<hbm>>
      %dma_wait3A_75 = arith.constant 0 : i32
      %dma_wait3A_76 = tpu.memref_slice %dma_wait3A_74[%add3A_49, %dma_wait3A_75] : memref<10112x128xf32, #tpu.memory_space<hbm>> -> memref<120x128xf32, #tpu.memory_space<hbm>>
      %dma_wait3A_77 = arith.constant 0 : i32
      %dma_wait3A_78 = arith.constant 0 : i32
      %dma_wait3A_79 = tpu.memref_slice %arg3[%arg0, %dma_wait3A_77, %dma_wait3A_78] : memref<2x10112x128xf32, #tpu.memory_space<hbm>> -> memref<1x10112x128xf32, #tpu.memory_space<hbm>>
      %dma_wait3A_80 = tpu.memref_squeeze %dma_wait3A_79 : memref<1x10112x128xf32, #tpu.memory_space<hbm>> -> memref<10112x128xf32, #tpu.memory_space<hbm>>
      %dma_wait3A_81 = arith.constant 0 : i32
      %dma_wait3A_82 = tpu.memref_slice %dma_wait3A_80[%add3A_49, %dma_wait3A_81] : memref<10112x128xf32, #tpu.memory_space<hbm>> -> memref<120x128xf32, #tpu.memory_space<hbm>>
      %dma_wait3A_83 = arith.constant 0 : i32
      %dma_wait3A_84 = arith.constant 0 : i32
      %dma_wait3A_85 = tpu.memref_slice %arg6[%dma_wait3A_83, %dma_wait3A_84] : memref<128x128xf32, #tpu.memory_space<vmem>> -> memref<120x128xf32, #tpu.memory_space<vmem>>
      tpu.wait_dma2 semaphore(%run_scoped3A : memref<!tpu.dma_semaphore, #tpu.memory_space<semaphore_mem>>) src(%dma_wait3A_85 : memref<120x128xf32, #tpu.memory_space<vmem>>) dst(%dma_wait3A_82 : memref<120x128xf32, #tpu.memory_space<hbm>>)
      tpu.yield
    }) : () -> ()
    %add3A_50 = arith.constant 120 : i32
    %add3A_51 = arith.addi %add3A_49, %add3A_50 : i32
    return
  }
}

#map = affine_map<(d0, d1) -> (0, 0)>
#map1 = affine_map<(d0, d1) -> (0)>
#map2 = affine_map<(d0, d1) -> (0, 0, 0)>
module attributes {stable_mosaic.version = 14 : i64} {
  func.func @spmm(%arg0: i32, %arg1: i32, %arg2: memref<10112x128xf32, #tpu.memory_space<hbm>>, %arg3: memref<320000xi32, #tpu.memory_space<hbm>>, %arg4: memref<320000xi32, #tpu.memory_space<hbm>>, %arg5: memref<2x10112x128xf32, #tpu.memory_space<hbm>>, %arg6: memref<80xi32, #tpu.memory_space<vmem>>, %arg7: memref<80xi32, #tpu.memory_space<vmem>>, %arg8: memref<80x128xf32, #tpu.memory_space<vmem>>, %arg9: memref<128x128xf32, #tpu.memory_space<vmem>>, %arg10: memref<10112x128xf32, #tpu.memory_space<vmem_shared>>) attributes {dimension_semantics = [#tpu.dimension_semantics<core_parallel>, #tpu.dimension_semantics<subcore_parallel>], iteration_bounds = array<i64: 2, 16>, scalar_prefetch = 0 : i64, scratch_operands = 5 : i64, tpu.core_type = #tpu.core_type<sc_vector_subcore>, window_params = [{transform_indices = #map}, {transform_indices = #map1}, {transform_indices = #map1}, {transform_indices = #map2}]} {
    %broadcast_in_dim3A = arith.constant 0.000000e+00 : f32
    %broadcast_in_dim3A_0 = vector.broadcast %broadcast_in_dim3A : f32 to vector<16xf32>
    %scan3A = arith.constant 0 : i32
    %scan3A_1 = arith.constant 0 : i32
    %scan3A_2 = arith.constant 1024 : i32
    %scan3A_3 = arith.addi %scan3A_1, %scan3A_2 : i32
    %scan3A_4 = arith.constant 1 : i32
    %scan3A_5 = scf.for %scan3A_40 = %scan3A_1 to %scan3A_3 step %scan3A_4 iter_args(%scan3A_41 = %scan3A) -> (i32)  : i32 {
      %jit3A = arith.constant 8 : i32
      %div3A = arith.divsi %scan3A_40, %jit3A : i32
      %sign3A = arith.constant 0 : i32
      %sign3A_42 = arith.cmpi sgt, %scan3A_40, %sign3A : i32
      %sign3A_43 = arith.extui %sign3A_42 : i1 to i32
      %sign3A_44 = arith.constant 0 : i32
      %sign3A_45 = arith.cmpi slt, %scan3A_40, %sign3A_44 : i32
      %sign3A_46 = arith.extui %sign3A_45 : i1 to i32
      %sign3A_47 = arith.subi %sign3A_43, %sign3A_46 : i32
      %sign3A_48 = arith.constant 0 : i32
      %sign3A_49 = arith.cmpi sgt, %jit3A, %sign3A_48 : i32
      %sign3A_50 = arith.extui %sign3A_49 : i1 to i32
      %sign3A_51 = arith.constant 0 : i32
      %sign3A_52 = arith.cmpi slt, %jit3A, %sign3A_51 : i32
      %sign3A_53 = arith.extui %sign3A_52 : i1 to i32
      %sign3A_54 = arith.subi %sign3A_50, %sign3A_53 : i32
      %ne3A = arith.cmpi ne, %sign3A_47, %sign3A_54 : i32
      %rem3A = arith.remsi %scan3A_40, %jit3A : i32
      %ne3A_55 = arith.constant 0 : i32
      %ne3A_56 = arith.cmpi ne, %rem3A, %ne3A_55 : i32
      %and3A = arith.andi %ne3A, %ne3A_56 : i1
      %sub3A = arith.constant 1 : i32
      %sub3A_57 = arith.subi %div3A, %sub3A : i32
      %select_n3A = arith.select %and3A, %sub3A_57, %div3A : i32
      %jit3A_58 = arith.constant 8 : i32
      %eq3A = arith.constant 0 : i32
      %eq3A_59 = arith.cmpi eq, %jit3A_58, %eq3A : i32
      %jit3A_60 = arith.constant 1 : i32
      %select_n3A_61 = arith.select %eq3A_59, %jit3A_60, %jit3A_58 : i32
      %rem3A_62 = arith.remsi %scan3A_40, %select_n3A_61 : i32
      %ne3A_63 = arith.constant 0 : i32
      %ne3A_64 = arith.cmpi ne, %rem3A_62, %ne3A_63 : i32
      %lt3A = arith.constant 0 : i32
      %lt3A_65 = arith.cmpi slt, %rem3A_62, %lt3A : i32
      %lt3A_66 = arith.constant 0 : i32
      %lt3A_67 = arith.cmpi slt, %select_n3A_61, %lt3A_66 : i32
      %ne3A_68 = arith.xori %lt3A_65, %lt3A_67 : i1
      %and3A_69 = arith.andi %ne3A_68, %ne3A_64 : i1
      %add3A_70 = arith.addi %rem3A_62, %select_n3A_61 : i32
      %select_n3A_71 = arith.select %and3A_69, %add3A_70, %rem3A_62 : i32
      %mul3A_72 = arith.constant 16 : i32
      %mul3A_73 = arith.muli %select_n3A_71, %mul3A_72 : i32
      %swap3A = arith.index_cast %select_n3A : i32 to index
      %swap3A_74 = arith.index_cast %mul3A_73 : i32 to index
      %swap3A_75 = tpu.vector_load %arg9[%swap3A, %swap3A_74] {strides = array<i32>} : memref<128x128xf32, #tpu.memory_space<vmem>>, vector<1x16xf32>,
      %swap3A_76 = vector.shape_cast %swap3A_75 : vector<1x16xf32> to vector<16xf32>
      %swap3A_77 = vector.shape_cast %broadcast_in_dim3A_0 : vector<16xf32> to vector<1x16xf32>
      tpu.vector_store %arg9[%swap3A, %swap3A_74], %swap3A_77 {strides = array<i32>} : memref<128x128xf32, #tpu.memory_space<vmem>>, vector<1x16xf32>,
      %scan3A_78 = arith.constant 0 : i32
      scf.yield %scan3A_78 : i32
    }
    %scan3A_6 = arith.constant 1024 : i32
    %mul3A = arith.constant 632 : i32
    %mul3A_7 = arith.muli %arg1, %mul3A : i32
    "tpu.region"() ({
      %run_scoped3A = tpu.sem_alloc : memref<!tpu.dma_semaphore, #tpu.memory_space<semaphore_mem>>
      %dma_start3A = arith.constant 0 : i32
      %dma_start3A_40 = arith.constant 0 : i32
      %dma_start3A_41 = tpu.memref_slice %arg9[%dma_start3A, %dma_start3A_40] : memref<128x128xf32, #tpu.memory_space<vmem>> -> memref<128x128xf32, #tpu.memory_space<vmem>>
      %dma_start3A_42 = arith.constant 0 : i32
      %dma_start3A_43 = tpu.memref_slice %arg10[%mul3A_7, %dma_start3A_42] : memref<10112x128xf32, #tpu.memory_space<vmem_shared>> -> memref<128x128xf32, #tpu.memory_space<vmem_shared>>
      %dma_start3A_44 = arith.constant 0 : i32
      %dma_start3A_45 = tpu.memref_slice %arg10[%mul3A_7, %dma_start3A_44] : memref<10112x128xf32, #tpu.memory_space<vmem_shared>> -> memref<128x128xf32, #tpu.memory_space<vmem_shared>>
      %dma_start3A_46 = arith.constant 0 : i32
      %dma_start3A_47 = arith.constant 0 : i32
      %dma_start3A_48 = tpu.memref_slice %arg9[%dma_start3A_46, %dma_start3A_47] : memref<128x128xf32, #tpu.memory_space<vmem>> -> memref<128x128xf32, #tpu.memory_space<vmem>>
      tpu.enqueue_dma source(%dma_start3A_48 : memref<128x128xf32, #tpu.memory_space<vmem>>) target(%dma_start3A_45 : memref<128x128xf32, #tpu.memory_space<vmem_shared>>) target_semaphore(%run_scoped3A : memref<!tpu.dma_semaphore, #tpu.memory_space<semaphore_mem>>)
      %dma_wait3A = arith.constant 0 : i32
      %dma_wait3A_49 = arith.constant 0 : i32
      %dma_wait3A_50 = tpu.memref_slice %arg9[%dma_wait3A, %dma_wait3A_49] : memref<128x128xf32, #tpu.memory_space<vmem>> -> memref<128x128xf32, #tpu.memory_space<vmem>>
      %dma_wait3A_51 = arith.constant 0 : i32
      %dma_wait3A_52 = tpu.memref_slice %arg10[%mul3A_7, %dma_wait3A_51] : memref<10112x128xf32, #tpu.memory_space<vmem_shared>> -> memref<128x128xf32, #tpu.memory_space<vmem_shared>>
      %dma_wait3A_53 = arith.constant 0 : i32
      %dma_wait3A_54 = tpu.memref_slice %arg10[%mul3A_7, %dma_wait3A_53] : memref<10112x128xf32, #tpu.memory_space<vmem_shared>> -> memref<128x128xf32, #tpu.memory_space<vmem_shared>>
      %dma_wait3A_55 = arith.constant 0 : i32
      %dma_wait3A_56 = arith.constant 0 : i32
      %dma_wait3A_57 = tpu.memref_slice %arg9[%dma_wait3A_55, %dma_wait3A_56] : memref<128x128xf32, #tpu.memory_space<vmem>> -> memref<128x128xf32, #tpu.memory_space<vmem>>
      tpu.wait_dma2 semaphore(%run_scoped3A : memref<!tpu.dma_semaphore, #tpu.memory_space<semaphore_mem>>) src(%dma_wait3A_57 : memref<128x128xf32, #tpu.memory_space<vmem>>) dst(%dma_wait3A_54 : memref<128x128xf32, #tpu.memory_space<vmem_shared>>)
      tpu.yield
    }) : () -> ()
    %add3A = arith.constant 128 : i32
    %add3A_8 = arith.addi %mul3A_7, %add3A : i32
    "tpu.region"() ({
      %run_scoped3A = tpu.sem_alloc : memref<!tpu.dma_semaphore, #tpu.memory_space<semaphore_mem>>
      %dma_start3A = arith.constant 0 : i32
      %dma_start3A_40 = arith.constant 0 : i32
      %dma_start3A_41 = tpu.memref_slice %arg9[%dma_start3A, %dma_start3A_40] : memref<128x128xf32, #tpu.memory_space<vmem>> -> memref<128x128xf32, #tpu.memory_space<vmem>>
      %dma_start3A_42 = arith.constant 0 : i32
      %dma_start3A_43 = tpu.memref_slice %arg10[%add3A_8, %dma_start3A_42] : memref<10112x128xf32, #tpu.memory_space<vmem_shared>> -> memref<128x128xf32, #tpu.memory_space<vmem_shared>>
      %dma_start3A_44 = arith.constant 0 : i32
      %dma_start3A_45 = tpu.memref_slice %arg10[%add3A_8, %dma_start3A_44] : memref<10112x128xf32, #tpu.memory_space<vmem_shared>> -> memref<128x128xf32, #tpu.memory_space<vmem_shared>>
      %dma_start3A_46 = arith.constant 0 : i32
      %dma_start3A_47 = arith.constant 0 : i32
      %dma_start3A_48 = tpu.memref_slice %arg9[%dma_start3A_46, %dma_start3A_47] : memref<128x128xf32, #tpu.memory_space<vmem>> -> memref<128x128xf32, #tpu.memory_space<vmem>>
      tpu.enqueue_dma source(%dma_start3A_48 : memref<128x128xf32, #tpu.memory_space<vmem>>) target(%dma_start3A_45 : memref<128x128xf32, #tpu.memory_space<vmem_shared>>) target_semaphore(%run_scoped3A : memref<!tpu.dma_semaphore, #tpu.memory_space<semaphore_mem>>)
      %dma_wait3A = arith.constant 0 : i32
      %dma_wait3A_49 = arith.constant 0 : i32
      %dma_wait3A_50 = tpu.memref_slice %arg9[%dma_wait3A, %dma_wait3A_49] : memref<128x128xf32, #tpu.memory_space<vmem>> -> memref<128x128xf32, #tpu.memory_space<vmem>>
      %dma_wait3A_51 = arith.constant 0 : i32
      %dma_wait3A_52 = tpu.memref_slice %arg10[%add3A_8, %dma_wait3A_51] : memref<10112x128xf32, #tpu.memory_space<vmem_shared>> -> memref<128x128xf32, #tpu.memory_space<vmem_shared>>
      %dma_wait3A_53 = arith.constant 0 : i32
      %dma_wait3A_54 = tpu.memref_slice %arg10[%add3A_8, %dma_wait3A_53] : memref<10112x128xf32, #tpu.memory_space<vmem_shared>> -> memref<128x128xf32, #tpu.memory_space<vmem_shared>>
      %dma_wait3A_55 = arith.constant 0 : i32
      %dma_wait3A_56 = arith.constant 0 : i32
      %dma_wait3A_57 = tpu.memref_slice %arg9[%dma_wait3A_55, %dma_wait3A_56] : memref<128x128xf32, #tpu.memory_space<vmem>> -> memref<128x128xf32, #tpu.memory_space<vmem>>
      tpu.wait_dma2 semaphore(%run_scoped3A : memref<!tpu.dma_semaphore, #tpu.memory_space<semaphore_mem>>) src(%dma_wait3A_57 : memref<128x128xf32, #tpu.memory_space<vmem>>) dst(%dma_wait3A_54 : memref<128x128xf32, #tpu.memory_space<vmem_shared>>)
      tpu.yield
    }) : () -> ()
    %add3A_9 = arith.constant 128 : i32
    %add3A_10 = arith.addi %add3A_8, %add3A_9 : i32
    "tpu.region"() ({
      %run_scoped3A = tpu.sem_alloc : memref<!tpu.dma_semaphore, #tpu.memory_space<semaphore_mem>>
      %dma_start3A = arith.constant 0 : i32
      %dma_start3A_40 = arith.constant 0 : i32
      %dma_start3A_41 = tpu.memref_slice %arg9[%dma_start3A, %dma_start3A_40] : memref<128x128xf32, #tpu.memory_space<vmem>> -> memref<128x128xf32, #tpu.memory_space<vmem>>
      %dma_start3A_42 = arith.constant 0 : i32
      %dma_start3A_43 = tpu.memref_slice %arg10[%add3A_10, %dma_start3A_42] : memref<10112x128xf32, #tpu.memory_space<vmem_shared>> -> memref<128x128xf32, #tpu.memory_space<vmem_shared>>
      %dma_start3A_44 = arith.constant 0 : i32
      %dma_start3A_45 = tpu.memref_slice %arg10[%add3A_10, %dma_start3A_44] : memref<10112x128xf32, #tpu.memory_space<vmem_shared>> -> memref<128x128xf32, #tpu.memory_space<vmem_shared>>
      %dma_start3A_46 = arith.constant 0 : i32
      %dma_start3A_47 = arith.constant 0 : i32
      %dma_start3A_48 = tpu.memref_slice %arg9[%dma_start3A_46, %dma_start3A_47] : memref<128x128xf32, #tpu.memory_space<vmem>> -> memref<128x128xf32, #tpu.memory_space<vmem>>
      tpu.enqueue_dma source(%dma_start3A_48 : memref<128x128xf32, #tpu.memory_space<vmem>>) target(%dma_start3A_45 : memref<128x128xf32, #tpu.memory_space<vmem_shared>>) target_semaphore(%run_scoped3A : memref<!tpu.dma_semaphore, #tpu.memory_space<semaphore_mem>>)
      %dma_wait3A = arith.constant 0 : i32
      %dma_wait3A_49 = arith.constant 0 : i32
      %dma_wait3A_50 = tpu.memref_slice %arg9[%dma_wait3A, %dma_wait3A_49] : memref<128x128xf32, #tpu.memory_space<vmem>> -> memref<128x128xf32, #tpu.memory_space<vmem>>
      %dma_wait3A_51 = arith.constant 0 : i32
      %dma_wait3A_52 = tpu.memref_slice %arg10[%add3A_10, %dma_wait3A_51] : memref<10112x128xf32, #tpu.memory_space<vmem_shared>> -> memref<128x128xf32, #tpu.memory_space<vmem_shared>>
      %dma_wait3A_53 = arith.constant 0 : i32
      %dma_wait3A_54 = tpu.memref_slice %arg10[%add3A_10, %dma_wait3A_53] : memref<10112x128xf32, #tpu.memory_space<vmem_shared>> -> memref<128x128xf32, #tpu.memory_space<vmem_shared>>
      %dma_wait3A_55 = arith.constant 0 : i32
      %dma_wait3A_56 = arith.constant 0 : i32
      %dma_wait3A_57 = tpu.memref_slice %arg9[%dma_wait3A_55, %dma_wait3A_56] : memref<128x128xf32, #tpu.memory_space<vmem>> -> memref<128x128xf32, #tpu.memory_space<vmem>>
      tpu.wait_dma2 semaphore(%run_scoped3A : memref<!tpu.dma_semaphore, #tpu.memory_space<semaphore_mem>>) src(%dma_wait3A_57 : memref<128x128xf32, #tpu.memory_space<vmem>>) dst(%dma_wait3A_54 : memref<128x128xf32, #tpu.memory_space<vmem_shared>>)
      tpu.yield
    }) : () -> ()
    %add3A_11 = arith.constant 128 : i32
    %add3A_12 = arith.addi %add3A_10, %add3A_11 : i32
    "tpu.region"() ({
      %run_scoped3A = tpu.sem_alloc : memref<!tpu.dma_semaphore, #tpu.memory_space<semaphore_mem>>
      %dma_start3A = arith.constant 0 : i32
      %dma_start3A_40 = arith.constant 0 : i32
      %dma_start3A_41 = tpu.memref_slice %arg9[%dma_start3A, %dma_start3A_40] : memref<128x128xf32, #tpu.memory_space<vmem>> -> memref<128x128xf32, #tpu.memory_space<vmem>>
      %dma_start3A_42 = arith.constant 0 : i32
      %dma_start3A_43 = tpu.memref_slice %arg10[%add3A_12, %dma_start3A_42] : memref<10112x128xf32, #tpu.memory_space<vmem_shared>> -> memref<128x128xf32, #tpu.memory_space<vmem_shared>>
      %dma_start3A_44 = arith.constant 0 : i32
      %dma_start3A_45 = tpu.memref_slice %arg10[%add3A_12, %dma_start3A_44] : memref<10112x128xf32, #tpu.memory_space<vmem_shared>> -> memref<128x128xf32, #tpu.memory_space<vmem_shared>>
      %dma_start3A_46 = arith.constant 0 : i32
      %dma_start3A_47 = arith.constant 0 : i32
      %dma_start3A_48 = tpu.memref_slice %arg9[%dma_start3A_46, %dma_start3A_47] : memref<128x128xf32, #tpu.memory_space<vmem>> -> memref<128x128xf32, #tpu.memory_space<vmem>>
      tpu.enqueue_dma source(%dma_start3A_48 : memref<128x128xf32, #tpu.memory_space<vmem>>) target(%dma_start3A_45 : memref<128x128xf32, #tpu.memory_space<vmem_shared>>) target_semaphore(%run_scoped3A : memref<!tpu.dma_semaphore, #tpu.memory_space<semaphore_mem>>)
      %dma_wait3A = arith.constant 0 : i32
      %dma_wait3A_49 = arith.constant 0 : i32
      %dma_wait3A_50 = tpu.memref_slice %arg9[%dma_wait3A, %dma_wait3A_49] : memref<128x128xf32, #tpu.memory_space<vmem>> -> memref<128x128xf32, #tpu.memory_space<vmem>>
      %dma_wait3A_51 = arith.constant 0 : i32
      %dma_wait3A_52 = tpu.memref_slice %arg10[%add3A_12, %dma_wait3A_51] : memref<10112x128xf32, #tpu.memory_space<vmem_shared>> -> memref<128x128xf32, #tpu.memory_space<vmem_shared>>
      %dma_wait3A_53 = arith.constant 0 : i32
      %dma_wait3A_54 = tpu.memref_slice %arg10[%add3A_12, %dma_wait3A_53] : memref<10112x128xf32, #tpu.memory_space<vmem_shared>> -> memref<128x128xf32, #tpu.memory_space<vmem_shared>>
      %dma_wait3A_55 = arith.constant 0 : i32
      %dma_wait3A_56 = arith.constant 0 : i32
      %dma_wait3A_57 = tpu.memref_slice %arg9[%dma_wait3A_55, %dma_wait3A_56] : memref<128x128xf32, #tpu.memory_space<vmem>> -> memref<128x128xf32, #tpu.memory_space<vmem>>
      tpu.wait_dma2 semaphore(%run_scoped3A : memref<!tpu.dma_semaphore, #tpu.memory_space<semaphore_mem>>) src(%dma_wait3A_57 : memref<128x128xf32, #tpu.memory_space<vmem>>) dst(%dma_wait3A_54 : memref<128x128xf32, #tpu.memory_space<vmem_shared>>)
      tpu.yield
    }) : () -> ()
    %add3A_13 = arith.constant 128 : i32
    %add3A_14 = arith.addi %add3A_12, %add3A_13 : i32
    "tpu.region"() ({
      %run_scoped3A = tpu.sem_alloc : memref<!tpu.dma_semaphore, #tpu.memory_space<semaphore_mem>>
      %dma_start3A = arith.constant 0 : i32
      %dma_start3A_40 = arith.constant 0 : i32
      %dma_start3A_41 = tpu.memref_slice %arg9[%dma_start3A, %dma_start3A_40] : memref<128x128xf32, #tpu.memory_space<vmem>> -> memref<120x128xf32, #tpu.memory_space<vmem>>
      %dma_start3A_42 = arith.constant 0 : i32
      %dma_start3A_43 = tpu.memref_slice %arg10[%add3A_14, %dma_start3A_42] : memref<10112x128xf32, #tpu.memory_space<vmem_shared>> -> memref<120x128xf32, #tpu.memory_space<vmem_shared>>
      %dma_start3A_44 = arith.constant 0 : i32
      %dma_start3A_45 = tpu.memref_slice %arg10[%add3A_14, %dma_start3A_44] : memref<10112x128xf32, #tpu.memory_space<vmem_shared>> -> memref<120x128xf32, #tpu.memory_space<vmem_shared>>
      %dma_start3A_46 = arith.constant 0 : i32
      %dma_start3A_47 = arith.constant 0 : i32
      %dma_start3A_48 = tpu.memref_slice %arg9[%dma_start3A_46, %dma_start3A_47] : memref<128x128xf32, #tpu.memory_space<vmem>> -> memref<120x128xf32, #tpu.memory_space<vmem>>
      tpu.enqueue_dma source(%dma_start3A_48 : memref<120x128xf32, #tpu.memory_space<vmem>>) target(%dma_start3A_45 : memref<120x128xf32, #tpu.memory_space<vmem_shared>>) target_semaphore(%run_scoped3A : memref<!tpu.dma_semaphore, #tpu.memory_space<semaphore_mem>>)
      %dma_wait3A = arith.constant 0 : i32
      %dma_wait3A_49 = arith.constant 0 : i32
      %dma_wait3A_50 = tpu.memref_slice %arg9[%dma_wait3A, %dma_wait3A_49] : memref<128x128xf32, #tpu.memory_space<vmem>> -> memref<120x128xf32, #tpu.memory_space<vmem>>
      %dma_wait3A_51 = arith.constant 0 : i32
      %dma_wait3A_52 = tpu.memref_slice %arg10[%add3A_14, %dma_wait3A_51] : memref<10112x128xf32, #tpu.memory_space<vmem_shared>> -> memref<120x128xf32, #tpu.memory_space<vmem_shared>>
      %dma_wait3A_53 = arith.constant 0 : i32
      %dma_wait3A_54 = tpu.memref_slice %arg10[%add3A_14, %dma_wait3A_53] : memref<10112x128xf32, #tpu.memory_space<vmem_shared>> -> memref<120x128xf32, #tpu.memory_space<vmem_shared>>
      %dma_wait3A_55 = arith.constant 0 : i32
      %dma_wait3A_56 = arith.constant 0 : i32
      %dma_wait3A_57 = tpu.memref_slice %arg9[%dma_wait3A_55, %dma_wait3A_56] : memref<128x128xf32, #tpu.memory_space<vmem>> -> memref<120x128xf32, #tpu.memory_space<vmem>>
      tpu.wait_dma2 semaphore(%run_scoped3A : memref<!tpu.dma_semaphore, #tpu.memory_space<semaphore_mem>>) src(%dma_wait3A_57 : memref<120x128xf32, #tpu.memory_space<vmem>>) dst(%dma_wait3A_54 : memref<120x128xf32, #tpu.memory_space<vmem_shared>>)
      tpu.yield
    }) : () -> ()
    %add3A_15 = arith.constant 120 : i32
    %add3A_16 = arith.addi %add3A_14, %add3A_15 : i32
    %barrier3A = arith.constant 0 : index
    tpu.barrier barrier_id(%barrier3A)
    %mul3A_17 = arith.constant 2 : i32
    %mul3A_18 = arith.muli %arg1, %mul3A_17 : i32
    %add3A_19 = arith.addi %mul3A_18, %arg0 : i32
    %scan3A_20 = arith.constant 0 : i32
    %scan3A_21 = arith.constant 0 : i32
    %scan3A_22 = arith.constant 125 : i32
    %scan3A_23 = arith.addi %scan3A_21, %scan3A_22 : i32
    %scan3A_24 = arith.constant 1 : i32
    %scan3A_25 = scf.for %scan3A_40 = %scan3A_21 to %scan3A_23 step %scan3A_24 iter_args(%scan3A_41 = %scan3A_20) -> (i32)  : i32 {
      %mul3A_42 = arith.constant 10000 : i32
      %mul3A_43 = arith.muli %add3A_19, %mul3A_42 : i32
      %mul3A_44 = arith.constant 80 : i32
      %mul3A_45 = arith.muli %scan3A_40, %mul3A_44 : i32
      %add3A_46 = arith.addi %mul3A_43, %mul3A_45 : i32
      "tpu.region"() ({
        %run_scoped3A = tpu.sem_alloc : memref<!tpu.dma_semaphore, #tpu.memory_space<semaphore_mem>>
        %dma_start3A = tpu.memref_slice %arg3[%add3A_46] : memref<320000xi32, #tpu.memory_space<hbm>> -> memref<80xi32, #tpu.memory_space<hbm>>
        %dma_start3A_48 = tpu.memref_slice %arg3[%add3A_46] : memref<320000xi32, #tpu.memory_space<hbm>> -> memref<80xi32, #tpu.memory_space<hbm>>
        tpu.enqueue_dma source(%dma_start3A_48 : memref<80xi32, #tpu.memory_space<hbm>>) target(%arg6 : memref<80xi32, #tpu.memory_space<vmem>>) target_semaphore(%run_scoped3A : memref<!tpu.dma_semaphore, #tpu.memory_space<semaphore_mem>>)
        %dma_wait3A = tpu.memref_slice %arg3[%add3A_46] : memref<320000xi32, #tpu.memory_space<hbm>> -> memref<80xi32, #tpu.memory_space<hbm>>
        %dma_wait3A_49 = tpu.memref_slice %arg3[%add3A_46] : memref<320000xi32, #tpu.memory_space<hbm>> -> memref<80xi32, #tpu.memory_space<hbm>>
        tpu.wait_dma2 semaphore(%run_scoped3A : memref<!tpu.dma_semaphore, #tpu.memory_space<semaphore_mem>>) src(%dma_wait3A_49 : memref<80xi32, #tpu.memory_space<hbm>>) dst(%arg6 : memref<80xi32, #tpu.memory_space<vmem>>)
        tpu.yield
      }) : () -> ()
      "tpu.region"() ({
        %run_scoped3A = tpu.sem_alloc : memref<!tpu.dma_semaphore, #tpu.memory_space<semaphore_mem>>
        %dma_start3A = tpu.memref_slice %arg4[%add3A_46] : memref<320000xi32, #tpu.memory_space<hbm>> -> memref<80xi32, #tpu.memory_space<hbm>>
        %dma_start3A_48 = tpu.memref_slice %arg4[%add3A_46] : memref<320000xi32, #tpu.memory_space<hbm>> -> memref<80xi32, #tpu.memory_space<hbm>>
        tpu.enqueue_dma source(%dma_start3A_48 : memref<80xi32, #tpu.memory_space<hbm>>) target(%arg7 : memref<80xi32, #tpu.memory_space<vmem>>) target_semaphore(%run_scoped3A : memref<!tpu.dma_semaphore, #tpu.memory_space<semaphore_mem>>)
        %dma_wait3A = tpu.memref_slice %arg4[%add3A_46] : memref<320000xi32, #tpu.memory_space<hbm>> -> memref<80xi32, #tpu.memory_space<hbm>>
        %dma_wait3A_49 = tpu.memref_slice %arg4[%add3A_46] : memref<320000xi32, #tpu.memory_space<hbm>> -> memref<80xi32, #tpu.memory_space<hbm>>
        tpu.wait_dma2 semaphore(%run_scoped3A : memref<!tpu.dma_semaphore, #tpu.memory_space<semaphore_mem>>) src(%dma_wait3A_49 : memref<80xi32, #tpu.memory_space<hbm>>) dst(%arg7 : memref<80xi32, #tpu.memory_space<vmem>>)
        tpu.yield
      }) : () -> ()
      "tpu.region"() ({
        %run_scoped3A = tpu.sem_alloc : memref<!tpu.dma_semaphore, #tpu.memory_space<semaphore_mem>>
        %dma_start3A = arith.constant 0 : i32
        %dma_start3A_48 = arith.constant 0 : i32
        %dma_start3A_49 = tpu.memref_slice %arg2[%dma_start3A, %dma_start3A_48] : memref<10112x128xf32, #tpu.memory_space<hbm>> -> memref<10112x128xf32, #tpu.memory_space<hbm>>
        tpu.enqueue_indirect_dma source(%dma_start3A_49 : memref<10112x128xf32, #tpu.memory_space<hbm>>) target(%arg8 : memref<80x128xf32, #tpu.memory_space<vmem>>) offsets(%arg6 : memref<80xi32, #tpu.memory_space<vmem>>) semaphore(%run_scoped3A : memref<!tpu.dma_semaphore, #tpu.memory_space<semaphore_mem>>)
        %dma_wait3A = arith.constant 0 : i32
        %dma_wait3A_50 = arith.constant 0 : i32
        %dma_wait3A_51 = tpu.memref_slice %arg2[%dma_wait3A, %dma_wait3A_50] : memref<10112x128xf32, #tpu.memory_space<hbm>> -> memref<10112x128xf32, #tpu.memory_space<hbm>>
        tpu.wait_indirect_dma semaphore(%run_scoped3A : memref<!tpu.dma_semaphore, #tpu.memory_space<semaphore_mem>>) src(%dma_wait3A_51 : memref<10112x128xf32, #tpu.memory_space<hbm>>) dst(%arg8 : memref<80x128xf32, #tpu.memory_space<vmem>>)
        tpu.yield
      }) : () -> ()
      "tpu.region"() ({
        %run_scoped3A = tpu.sem_alloc : memref<!tpu.dma_semaphore, #tpu.memory_space<semaphore_mem>>
        %dma_start3A = arith.constant 0 : i32
        %dma_start3A_48 = arith.constant 0 : i32
        %dma_start3A_49 = tpu.memref_slice %arg10[%dma_start3A, %dma_start3A_48] : memref<10112x128xf32, #tpu.memory_space<vmem_shared>> -> memref<10112x128xf32, #tpu.memory_space<vmem_shared>>
        tpu.enqueue_indirect_dma source(%arg8 : memref<80x128xf32, #tpu.memory_space<vmem>>) target(%dma_start3A_49 : memref<10112x128xf32, #tpu.memory_space<vmem_shared>>) offsets(%arg7 : memref<80xi32, #tpu.memory_space<vmem>>) semaphore(%run_scoped3A : memref<!tpu.dma_semaphore, #tpu.memory_space<semaphore_mem>>) {add = true}
        %dma_wait3A = arith.constant 0 : i32
        %dma_wait3A_50 = arith.constant 0 : i32
        %dma_wait3A_51 = tpu.memref_slice %arg10[%dma_wait3A, %dma_wait3A_50] : memref<10112x128xf32, #tpu.memory_space<vmem_shared>> -> memref<10112x128xf32, #tpu.memory_space<vmem_shared>>
        tpu.wait_indirect_dma semaphore(%run_scoped3A : memref<!tpu.dma_semaphore, #tpu.memory_space<semaphore_mem>>) src(%arg8 : memref<80x128xf32, #tpu.memory_space<vmem>>) dst(%dma_wait3A_51 : memref<10112x128xf32, #tpu.memory_space<vmem_shared>>)
        tpu.yield
      }) : () -> ()
      %scan3A_47 = arith.constant 0 : i32
      scf.yield %scan3A_47 : i32
    }
    %scan3A_26 = arith.constant 125 : i32
    %barrier3A_27 = arith.constant 0 : index
    tpu.barrier barrier_id(%barrier3A_27)
    %mul3A_28 = arith.constant 632 : i32
    %mul3A_29 = arith.muli %arg1, %mul3A_28 : i32
    "tpu.region"() ({
      %run_scoped3A = tpu.sem_alloc : memref<!tpu.dma_semaphore, #tpu.memory_space<semaphore_mem>>
      %dma_start3A = arith.constant 0 : i32
      %dma_start3A_40 = arith.constant 0 : i32
      %dma_start3A_41 = tpu.memref_slice %arg9[%dma_start3A, %dma_start3A_40] : memref<128x128xf32, #tpu.memory_space<vmem>> -> memref<128x128xf32, #tpu.memory_space<vmem>>
      %dma_start3A_42 = arith.constant 0 : i32
      %dma_start3A_43 = tpu.memref_slice %arg10[%mul3A_29, %dma_start3A_42] : memref<10112x128xf32, #tpu.memory_space<vmem_shared>> -> memref<128x128xf32, #tpu.memory_space<vmem_shared>>
      %dma_start3A_44 = arith.constant 0 : i32
      %dma_start3A_45 = arith.constant 0 : i32
      %dma_start3A_46 = tpu.memref_slice %arg9[%dma_start3A_44, %dma_start3A_45] : memref<128x128xf32, #tpu.memory_space<vmem>> -> memref<128x128xf32, #tpu.memory_space<vmem>>
      %dma_start3A_47 = arith.constant 0 : i32
      %dma_start3A_48 = tpu.memref_slice %arg10[%mul3A_29, %dma_start3A_47] : memref<10112x128xf32, #tpu.memory_space<vmem_shared>> -> memref<128x128xf32, #tpu.memory_space<vmem_shared>>
      tpu.enqueue_dma source(%dma_start3A_48 : memref<128x128xf32, #tpu.memory_space<vmem_shared>>) target(%dma_start3A_46 : memref<128x128xf32, #tpu.memory_space<vmem>>) target_semaphore(%run_scoped3A : memref<!tpu.dma_semaphore, #tpu.memory_space<semaphore_mem>>)
      %dma_wait3A = arith.constant 0 : i32
      %dma_wait3A_49 = arith.constant 0 : i32
      %dma_wait3A_50 = tpu.memref_slice %arg9[%dma_wait3A, %dma_wait3A_49] : memref<128x128xf32, #tpu.memory_space<vmem>> -> memref<128x128xf32, #tpu.memory_space<vmem>>
      %dma_wait3A_51 = arith.constant 0 : i32
      %dma_wait3A_52 = tpu.memref_slice %arg10[%mul3A_29, %dma_wait3A_51] : memref<10112x128xf32, #tpu.memory_space<vmem_shared>> -> memref<128x128xf32, #tpu.memory_space<vmem_shared>>
      %dma_wait3A_53 = arith.constant 0 : i32
      %dma_wait3A_54 = arith.constant 0 : i32
      %dma_wait3A_55 = tpu.memref_slice %arg9[%dma_wait3A_53, %dma_wait3A_54] : memref<128x128xf32, #tpu.memory_space<vmem>> -> memref<128x128xf32, #tpu.memory_space<vmem>>
      %dma_wait3A_56 = arith.constant 0 : i32
      %dma_wait3A_57 = tpu.memref_slice %arg10[%mul3A_29, %dma_wait3A_56] : memref<10112x128xf32, #tpu.memory_space<vmem_shared>> -> memref<128x128xf32, #tpu.memory_space<vmem_shared>>
      tpu.wait_dma2 semaphore(%run_scoped3A : memref<!tpu.dma_semaphore, #tpu.memory_space<semaphore_mem>>) src(%dma_wait3A_57 : memref<128x128xf32, #tpu.memory_space<vmem_shared>>) dst(%dma_wait3A_55 : memref<128x128xf32, #tpu.memory_space<vmem>>)
      tpu.yield
    }) : () -> ()
    "tpu.region"() ({
      %run_scoped3A = tpu.sem_alloc : memref<!tpu.dma_semaphore, #tpu.memory_space<semaphore_mem>>
      %dma_start3A = arith.constant 0 : i32
      %dma_start3A_40 = arith.constant 0 : i32
      %dma_start3A_41 = tpu.memref_slice %arg9[%dma_start3A, %dma_start3A_40] : memref<128x128xf32, #tpu.memory_space<vmem>> -> memref<128x128xf32, #tpu.memory_space<vmem>>
      %dma_start3A_42 = arith.constant 0 : i32
      %dma_start3A_43 = arith.constant 0 : i32
      %dma_start3A_44 = tpu.memref_slice %arg5[%arg0, %dma_start3A_42, %dma_start3A_43] : memref<2x10112x128xf32, #tpu.memory_space<hbm>> -> memref<1x10112x128xf32, #tpu.memory_space<hbm>>
      %dma_start3A_45 = tpu.memref_squeeze %dma_start3A_44 : memref<1x10112x128xf32, #tpu.memory_space<hbm>> -> memref<10112x128xf32, #tpu.memory_space<hbm>>
      %dma_start3A_46 = arith.constant 0 : i32
      %dma_start3A_47 = tpu.memref_slice %dma_start3A_45[%mul3A_29, %dma_start3A_46] : memref<10112x128xf32, #tpu.memory_space<hbm>> -> memref<128x128xf32, #tpu.memory_space<hbm>>
      %dma_start3A_48 = arith.constant 0 : i32
      %dma_start3A_49 = arith.constant 0 : i32
      %dma_start3A_50 = tpu.memref_slice %arg5[%arg0, %dma_start3A_48, %dma_start3A_49] : memref<2x10112x128xf32, #tpu.memory_space<hbm>> -> memref<1x10112x128xf32, #tpu.memory_space<hbm>>
      %dma_start3A_51 = tpu.memref_squeeze %dma_start3A_50 : memref<1x10112x128xf32, #tpu.memory_space<hbm>> -> memref<10112x128xf32, #tpu.memory_space<hbm>>
      %dma_start3A_52 = arith.constant 0 : i32
      %dma_start3A_53 = tpu.memref_slice %dma_start3A_51[%mul3A_29, %dma_start3A_52] : memref<10112x128xf32, #tpu.memory_space<hbm>> -> memref<128x128xf32, #tpu.memory_space<hbm>>
      %dma_start3A_54 = arith.constant 0 : i32
      %dma_start3A_55 = arith.constant 0 : i32
      %dma_start3A_56 = tpu.memref_slice %arg9[%dma_start3A_54, %dma_start3A_55] : memref<128x128xf32, #tpu.memory_space<vmem>> -> memref<128x128xf32, #tpu.memory_space<vmem>>
      tpu.enqueue_dma source(%dma_start3A_56 : memref<128x128xf32, #tpu.memory_space<vmem>>) target(%dma_start3A_53 : memref<128x128xf32, #tpu.memory_space<hbm>>) target_semaphore(%run_scoped3A : memref<!tpu.dma_semaphore, #tpu.memory_space<semaphore_mem>>)
      %dma_wait3A = arith.constant 0 : i32
      %dma_wait3A_57 = arith.constant 0 : i32
      %dma_wait3A_58 = tpu.memref_slice %arg9[%dma_wait3A, %dma_wait3A_57] : memref<128x128xf32, #tpu.memory_space<vmem>> -> memref<128x128xf32, #tpu.memory_space<vmem>>
      %dma_wait3A_59 = arith.constant 0 : i32
      %dma_wait3A_60 = arith.constant 0 : i32
      %dma_wait3A_61 = tpu.memref_slice %arg5[%arg0, %dma_wait3A_59, %dma_wait3A_60] : memref<2x10112x128xf32, #tpu.memory_space<hbm>> -> memref<1x10112x128xf32, #tpu.memory_space<hbm>>
      %dma_wait3A_62 = tpu.memref_squeeze %dma_wait3A_61 : memref<1x10112x128xf32, #tpu.memory_space<hbm>> -> memref<10112x128xf32, #tpu.memory_space<hbm>>
      %dma_wait3A_63 = arith.constant 0 : i32
      %dma_wait3A_64 = tpu.memref_slice %dma_wait3A_62[%mul3A_29, %dma_wait3A_63] : memref<10112x128xf32, #tpu.memory_space<hbm>> -> memref<128x128xf32, #tpu.memory_space<hbm>>
      %dma_wait3A_65 = arith.constant 0 : i32
      %dma_wait3A_66 = arith.constant 0 : i32
      %dma_wait3A_67 = tpu.memref_slice %arg5[%arg0, %dma_wait3A_65, %dma_wait3A_66] : memref<2x10112x128xf32, #tpu.memory_space<hbm>> -> memref<1x10112x128xf32, #tpu.memory_space<hbm>>
      %dma_wait3A_68 = tpu.memref_squeeze %dma_wait3A_67 : memref<1x10112x128xf32, #tpu.memory_space<hbm>> -> memref<10112x128xf32, #tpu.memory_space<hbm>>
      %dma_wait3A_69 = arith.constant 0 : i32
      %dma_wait3A_70 = tpu.memref_slice %dma_wait3A_68[%mul3A_29, %dma_wait3A_69] : memref<10112x128xf32, #tpu.memory_space<hbm>> -> memref<128x128xf32, #tpu.memory_space<hbm>>
      %dma_wait3A_71 = arith.constant 0 : i32
      %dma_wait3A_72 = arith.constant 0 : i32
      %dma_wait3A_73 = tpu.memref_slice %arg9[%dma_wait3A_71, %dma_wait3A_72] : memref<128x128xf32, #tpu.memory_space<vmem>> -> memref<128x128xf32, #tpu.memory_space<vmem>>
      tpu.wait_dma2 semaphore(%run_scoped3A : memref<!tpu.dma_semaphore, #tpu.memory_space<semaphore_mem>>) src(%dma_wait3A_73 : memref<128x128xf32, #tpu.memory_space<vmem>>) dst(%dma_wait3A_70 : memref<128x128xf32, #tpu.memory_space<hbm>>)
      tpu.yield
    }) : () -> ()
    %add3A_30 = arith.constant 128 : i32
    %add3A_31 = arith.addi %mul3A_29, %add3A_30 : i32
    "tpu.region"() ({
      %run_scoped3A = tpu.sem_alloc : memref<!tpu.dma_semaphore, #tpu.memory_space<semaphore_mem>>
      %dma_start3A = arith.constant 0 : i32
      %dma_start3A_40 = arith.constant 0 : i32
      %dma_start3A_41 = tpu.memref_slice %arg9[%dma_start3A, %dma_start3A_40] : memref<128x128xf32, #tpu.memory_space<vmem>> -> memref<128x128xf32, #tpu.memory_space<vmem>>
      %dma_start3A_42 = arith.constant 0 : i32
      %dma_start3A_43 = tpu.memref_slice %arg10[%add3A_31, %dma_start3A_42] : memref<10112x128xf32, #tpu.memory_space<vmem_shared>> -> memref<128x128xf32, #tpu.memory_space<vmem_shared>>
      %dma_start3A_44 = arith.constant 0 : i32
      %dma_start3A_45 = arith.constant 0 : i32
      %dma_start3A_46 = tpu.memref_slice %arg9[%dma_start3A_44, %dma_start3A_45] : memref<128x128xf32, #tpu.memory_space<vmem>> -> memref<128x128xf32, #tpu.memory_space<vmem>>
      %dma_start3A_47 = arith.constant 0 : i32
      %dma_start3A_48 = tpu.memref_slice %arg10[%add3A_31, %dma_start3A_47] : memref<10112x128xf32, #tpu.memory_space<vmem_shared>> -> memref<128x128xf32, #tpu.memory_space<vmem_shared>>
      tpu.enqueue_dma source(%dma_start3A_48 : memref<128x128xf32, #tpu.memory_space<vmem_shared>>) target(%dma_start3A_46 : memref<128x128xf32, #tpu.memory_space<vmem>>) target_semaphore(%run_scoped3A : memref<!tpu.dma_semaphore, #tpu.memory_space<semaphore_mem>>)
      %dma_wait3A = arith.constant 0 : i32
      %dma_wait3A_49 = arith.constant 0 : i32
      %dma_wait3A_50 = tpu.memref_slice %arg9[%dma_wait3A, %dma_wait3A_49] : memref<128x128xf32, #tpu.memory_space<vmem>> -> memref<128x128xf32, #tpu.memory_space<vmem>>
      %dma_wait3A_51 = arith.constant 0 : i32
      %dma_wait3A_52 = tpu.memref_slice %arg10[%add3A_31, %dma_wait3A_51] : memref<10112x128xf32, #tpu.memory_space<vmem_shared>> -> memref<128x128xf32, #tpu.memory_space<vmem_shared>>
      %dma_wait3A_53 = arith.constant 0 : i32
      %dma_wait3A_54 = arith.constant 0 : i32
      %dma_wait3A_55 = tpu.memref_slice %arg9[%dma_wait3A_53, %dma_wait3A_54] : memref<128x128xf32, #tpu.memory_space<vmem>> -> memref<128x128xf32, #tpu.memory_space<vmem>>
      %dma_wait3A_56 = arith.constant 0 : i32
      %dma_wait3A_57 = tpu.memref_slice %arg10[%add3A_31, %dma_wait3A_56] : memref<10112x128xf32, #tpu.memory_space<vmem_shared>> -> memref<128x128xf32, #tpu.memory_space<vmem_shared>>
      tpu.wait_dma2 semaphore(%run_scoped3A : memref<!tpu.dma_semaphore, #tpu.memory_space<semaphore_mem>>) src(%dma_wait3A_57 : memref<128x128xf32, #tpu.memory_space<vmem_shared>>) dst(%dma_wait3A_55 : memref<128x128xf32, #tpu.memory_space<vmem>>)
      tpu.yield
    }) : () -> ()
    "tpu.region"() ({
      %run_scoped3A = tpu.sem_alloc : memref<!tpu.dma_semaphore, #tpu.memory_space<semaphore_mem>>
      %dma_start3A = arith.constant 0 : i32
      %dma_start3A_40 = arith.constant 0 : i32
      %dma_start3A_41 = tpu.memref_slice %arg9[%dma_start3A, %dma_start3A_40] : memref<128x128xf32, #tpu.memory_space<vmem>> -> memref<128x128xf32, #tpu.memory_space<vmem>>
      %dma_start3A_42 = arith.constant 0 : i32
      %dma_start3A_43 = arith.constant 0 : i32
      %dma_start3A_44 = tpu.memref_slice %arg5[%arg0, %dma_start3A_42, %dma_start3A_43] : memref<2x10112x128xf32, #tpu.memory_space<hbm>> -> memref<1x10112x128xf32, #tpu.memory_space<hbm>>
      %dma_start3A_45 = tpu.memref_squeeze %dma_start3A_44 : memref<1x10112x128xf32, #tpu.memory_space<hbm>> -> memref<10112x128xf32, #tpu.memory_space<hbm>>
      %dma_start3A_46 = arith.constant 0 : i32
      %dma_start3A_47 = tpu.memref_slice %dma_start3A_45[%add3A_31, %dma_start3A_46] : memref<10112x128xf32, #tpu.memory_space<hbm>> -> memref<128x128xf32, #tpu.memory_space<hbm>>
      %dma_start3A_48 = arith.constant 0 : i32
      %dma_start3A_49 = arith.constant 0 : i32
      %dma_start3A_50 = tpu.memref_slice %arg5[%arg0, %dma_start3A_48, %dma_start3A_49] : memref<2x10112x128xf32, #tpu.memory_space<hbm>> -> memref<1x10112x128xf32, #tpu.memory_space<hbm>>
      %dma_start3A_51 = tpu.memref_squeeze %dma_start3A_50 : memref<1x10112x128xf32, #tpu.memory_space<hbm>> -> memref<10112x128xf32, #tpu.memory_space<hbm>>
      %dma_start3A_52 = arith.constant 0 : i32
      %dma_start3A_53 = tpu.memref_slice %dma_start3A_51[%add3A_31, %dma_start3A_52] : memref<10112x128xf32, #tpu.memory_space<hbm>> -> memref<128x128xf32, #tpu.memory_space<hbm>>
      %dma_start3A_54 = arith.constant 0 : i32
      %dma_start3A_55 = arith.constant 0 : i32
      %dma_start3A_56 = tpu.memref_slice %arg9[%dma_start3A_54, %dma_start3A_55] : memref<128x128xf32, #tpu.memory_space<vmem>> -> memref<128x128xf32, #tpu.memory_space<vmem>>
      tpu.enqueue_dma source(%dma_start3A_56 : memref<128x128xf32, #tpu.memory_space<vmem>>) target(%dma_start3A_53 : memref<128x128xf32, #tpu.memory_space<hbm>>) target_semaphore(%run_scoped3A : memref<!tpu.dma_semaphore, #tpu.memory_space<semaphore_mem>>)
      %dma_wait3A = arith.constant 0 : i32
      %dma_wait3A_57 = arith.constant 0 : i32
      %dma_wait3A_58 = tpu.memref_slice %arg9[%dma_wait3A, %dma_wait3A_57] : memref<128x128xf32, #tpu.memory_space<vmem>> -> memref<128x128xf32, #tpu.memory_space<vmem>>
      %dma_wait3A_59 = arith.constant 0 : i32
      %dma_wait3A_60 = arith.constant 0 : i32
      %dma_wait3A_61 = tpu.memref_slice %arg5[%arg0, %dma_wait3A_59, %dma_wait3A_60] : memref<2x10112x128xf32, #tpu.memory_space<hbm>> -> memref<1x10112x128xf32, #tpu.memory_space<hbm>>
      %dma_wait3A_62 = tpu.memref_squeeze %dma_wait3A_61 : memref<1x10112x128xf32, #tpu.memory_space<hbm>> -> memref<10112x128xf32, #tpu.memory_space<hbm>>
      %dma_wait3A_63 = arith.constant 0 : i32
      %dma_wait3A_64 = tpu.memref_slice %dma_wait3A_62[%add3A_31, %dma_wait3A_63] : memref<10112x128xf32, #tpu.memory_space<hbm>> -> memref<128x128xf32, #tpu.memory_space<hbm>>
      %dma_wait3A_65 = arith.constant 0 : i32
      %dma_wait3A_66 = arith.constant 0 : i32
      %dma_wait3A_67 = tpu.memref_slice %arg5[%arg0, %dma_wait3A_65, %dma_wait3A_66] : memref<2x10112x128xf32, #tpu.memory_space<hbm>> -> memref<1x10112x128xf32, #tpu.memory_space<hbm>>
      %dma_wait3A_68 = tpu.memref_squeeze %dma_wait3A_67 : memref<1x10112x128xf32, #tpu.memory_space<hbm>> -> memref<10112x128xf32, #tpu.memory_space<hbm>>
      %dma_wait3A_69 = arith.constant 0 : i32
      %dma_wait3A_70 = tpu.memref_slice %dma_wait3A_68[%add3A_31, %dma_wait3A_69] : memref<10112x128xf32, #tpu.memory_space<hbm>> -> memref<128x128xf32, #tpu.memory_space<hbm>>
      %dma_wait3A_71 = arith.constant 0 : i32
      %dma_wait3A_72 = arith.constant 0 : i32
      %dma_wait3A_73 = tpu.memref_slice %arg9[%dma_wait3A_71, %dma_wait3A_72] : memref<128x128xf32, #tpu.memory_space<vmem>> -> memref<128x128xf32, #tpu.memory_space<vmem>>
      tpu.wait_dma2 semaphore(%run_scoped3A : memref<!tpu.dma_semaphore, #tpu.memory_space<semaphore_mem>>) src(%dma_wait3A_73 : memref<128x128xf32, #tpu.memory_space<vmem>>) dst(%dma_wait3A_70 : memref<128x128xf32, #tpu.memory_space<hbm>>)
      tpu.yield
    }) : () -> ()
    %add3A_32 = arith.constant 128 : i32
    %add3A_33 = arith.addi %add3A_31, %add3A_32 : i32
    "tpu.region"() ({
      %run_scoped3A = tpu.sem_alloc : memref<!tpu.dma_semaphore, #tpu.memory_space<semaphore_mem>>
      %dma_start3A = arith.constant 0 : i32
      %dma_start3A_40 = arith.constant 0 : i32
      %dma_start3A_41 = tpu.memref_slice %arg9[%dma_start3A, %dma_start3A_40] : memref<128x128xf32, #tpu.memory_space<vmem>> -> memref<128x128xf32, #tpu.memory_space<vmem>>
      %dma_start3A_42 = arith.constant 0 : i32
      %dma_start3A_43 = tpu.memref_slice %arg10[%add3A_33, %dma_start3A_42] : memref<10112x128xf32, #tpu.memory_space<vmem_shared>> -> memref<128x128xf32, #tpu.memory_space<vmem_shared>>
      %dma_start3A_44 = arith.constant 0 : i32
      %dma_start3A_45 = arith.constant 0 : i32
      %dma_start3A_46 = tpu.memref_slice %arg9[%dma_start3A_44, %dma_start3A_45] : memref<128x128xf32, #tpu.memory_space<vmem>> -> memref<128x128xf32, #tpu.memory_space<vmem>>
      %dma_start3A_47 = arith.constant 0 : i32
      %dma_start3A_48 = tpu.memref_slice %arg10[%add3A_33, %dma_start3A_47] : memref<10112x128xf32, #tpu.memory_space<vmem_shared>> -> memref<128x128xf32, #tpu.memory_space<vmem_shared>>
      tpu.enqueue_dma source(%dma_start3A_48 : memref<128x128xf32, #tpu.memory_space<vmem_shared>>) target(%dma_start3A_46 : memref<128x128xf32, #tpu.memory_space<vmem>>) target_semaphore(%run_scoped3A : memref<!tpu.dma_semaphore, #tpu.memory_space<semaphore_mem>>)
      %dma_wait3A = arith.constant 0 : i32
      %dma_wait3A_49 = arith.constant 0 : i32
      %dma_wait3A_50 = tpu.memref_slice %arg9[%dma_wait3A, %dma_wait3A_49] : memref<128x128xf32, #tpu.memory_space<vmem>> -> memref<128x128xf32, #tpu.memory_space<vmem>>
      %dma_wait3A_51 = arith.constant 0 : i32
      %dma_wait3A_52 = tpu.memref_slice %arg10[%add3A_33, %dma_wait3A_51] : memref<10112x128xf32, #tpu.memory_space<vmem_shared>> -> memref<128x128xf32, #tpu.memory_space<vmem_shared>>
      %dma_wait3A_53 = arith.constant 0 : i32
      %dma_wait3A_54 = arith.constant 0 : i32
      %dma_wait3A_55 = tpu.memref_slice %arg9[%dma_wait3A_53, %dma_wait3A_54] : memref<128x128xf32, #tpu.memory_space<vmem>> -> memref<128x128xf32, #tpu.memory_space<vmem>>
      %dma_wait3A_56 = arith.constant 0 : i32
      %dma_wait3A_57 = tpu.memref_slice %arg10[%add3A_33, %dma_wait3A_56] : memref<10112x128xf32, #tpu.memory_space<vmem_shared>> -> memref<128x128xf32, #tpu.memory_space<vmem_shared>>
      tpu.wait_dma2 semaphore(%run_scoped3A : memref<!tpu.dma_semaphore, #tpu.memory_space<semaphore_mem>>) src(%dma_wait3A_57 : memref<128x128xf32, #tpu.memory_space<vmem_shared>>) dst(%dma_wait3A_55 : memref<128x128xf32, #tpu.memory_space<vmem>>)
      tpu.yield
    }) : () -> ()
    "tpu.region"() ({
      %run_scoped3A = tpu.sem_alloc : memref<!tpu.dma_semaphore, #tpu.memory_space<semaphore_mem>>
      %dma_start3A = arith.constant 0 : i32
      %dma_start3A_40 = arith.constant 0 : i32
      %dma_start3A_41 = tpu.memref_slice %arg9[%dma_start3A, %dma_start3A_40] : memref<128x128xf32, #tpu.memory_space<vmem>> -> memref<128x128xf32, #tpu.memory_space<vmem>>
      %dma_start3A_42 = arith.constant 0 : i32
      %dma_start3A_43 = arith.constant 0 : i32
      %dma_start3A_44 = tpu.memref_slice %arg5[%arg0, %dma_start3A_42, %dma_start3A_43] : memref<2x10112x128xf32, #tpu.memory_space<hbm>> -> memref<1x10112x128xf32, #tpu.memory_space<hbm>>
      %dma_start3A_45 = tpu.memref_squeeze %dma_start3A_44 : memref<1x10112x128xf32, #tpu.memory_space<hbm>> -> memref<10112x128xf32, #tpu.memory_space<hbm>>
      %dma_start3A_46 = arith.constant 0 : i32
      %dma_start3A_47 = tpu.memref_slice %dma_start3A_45[%add3A_33, %dma_start3A_46] : memref<10112x128xf32, #tpu.memory_space<hbm>> -> memref<128x128xf32, #tpu.memory_space<hbm>>
      %dma_start3A_48 = arith.constant 0 : i32
      %dma_start3A_49 = arith.constant 0 : i32
      %dma_start3A_50 = tpu.memref_slice %arg5[%arg0, %dma_start3A_48, %dma_start3A_49] : memref<2x10112x128xf32, #tpu.memory_space<hbm>> -> memref<1x10112x128xf32, #tpu.memory_space<hbm>>
      %dma_start3A_51 = tpu.memref_squeeze %dma_start3A_50 : memref<1x10112x128xf32, #tpu.memory_space<hbm>> -> memref<10112x128xf32, #tpu.memory_space<hbm>>
      %dma_start3A_52 = arith.constant 0 : i32
      %dma_start3A_53 = tpu.memref_slice %dma_start3A_51[%add3A_33, %dma_start3A_52] : memref<10112x128xf32, #tpu.memory_space<hbm>> -> memref<128x128xf32, #tpu.memory_space<hbm>>
      %dma_start3A_54 = arith.constant 0 : i32
      %dma_start3A_55 = arith.constant 0 : i32
      %dma_start3A_56 = tpu.memref_slice %arg9[%dma_start3A_54, %dma_start3A_55] : memref<128x128xf32, #tpu.memory_space<vmem>> -> memref<128x128xf32, #tpu.memory_space<vmem>>
      tpu.enqueue_dma source(%dma_start3A_56 : memref<128x128xf32, #tpu.memory_space<vmem>>) target(%dma_start3A_53 : memref<128x128xf32, #tpu.memory_space<hbm>>) target_semaphore(%run_scoped3A : memref<!tpu.dma_semaphore, #tpu.memory_space<semaphore_mem>>)
      %dma_wait3A = arith.constant 0 : i32
      %dma_wait3A_57 = arith.constant 0 : i32
      %dma_wait3A_58 = tpu.memref_slice %arg9[%dma_wait3A, %dma_wait3A_57] : memref<128x128xf32, #tpu.memory_space<vmem>> -> memref<128x128xf32, #tpu.memory_space<vmem>>
      %dma_wait3A_59 = arith.constant 0 : i32
      %dma_wait3A_60 = arith.constant 0 : i32
      %dma_wait3A_61 = tpu.memref_slice %arg5[%arg0, %dma_wait3A_59, %dma_wait3A_60] : memref<2x10112x128xf32, #tpu.memory_space<hbm>> -> memref<1x10112x128xf32, #tpu.memory_space<hbm>>
      %dma_wait3A_62 = tpu.memref_squeeze %dma_wait3A_61 : memref<1x10112x128xf32, #tpu.memory_space<hbm>> -> memref<10112x128xf32, #tpu.memory_space<hbm>>
      %dma_wait3A_63 = arith.constant 0 : i32
      %dma_wait3A_64 = tpu.memref_slice %dma_wait3A_62[%add3A_33, %dma_wait3A_63] : memref<10112x128xf32, #tpu.memory_space<hbm>> -> memref<128x128xf32, #tpu.memory_space<hbm>>
      %dma_wait3A_65 = arith.constant 0 : i32
      %dma_wait3A_66 = arith.constant 0 : i32
      %dma_wait3A_67 = tpu.memref_slice %arg5[%arg0, %dma_wait3A_65, %dma_wait3A_66] : memref<2x10112x128xf32, #tpu.memory_space<hbm>> -> memref<1x10112x128xf32, #tpu.memory_space<hbm>>
      %dma_wait3A_68 = tpu.memref_squeeze %dma_wait3A_67 : memref<1x10112x128xf32, #tpu.memory_space<hbm>> -> memref<10112x128xf32, #tpu.memory_space<hbm>>
      %dma_wait3A_69 = arith.constant 0 : i32
      %dma_wait3A_70 = tpu.memref_slice %dma_wait3A_68[%add3A_33, %dma_wait3A_69] : memref<10112x128xf32, #tpu.memory_space<hbm>> -> memref<128x128xf32, #tpu.memory_space<hbm>>
      %dma_wait3A_71 = arith.constant 0 : i32
      %dma_wait3A_72 = arith.constant 0 : i32
      %dma_wait3A_73 = tpu.memref_slice %arg9[%dma_wait3A_71, %dma_wait3A_72] : memref<128x128xf32, #tpu.memory_space<vmem>> -> memref<128x128xf32, #tpu.memory_space<vmem>>
      tpu.wait_dma2 semaphore(%run_scoped3A : memref<!tpu.dma_semaphore, #tpu.memory_space<semaphore_mem>>) src(%dma_wait3A_73 : memref<128x128xf32, #tpu.memory_space<vmem>>) dst(%dma_wait3A_70 : memref<128x128xf32, #tpu.memory_space<hbm>>)
      tpu.yield
    }) : () -> ()
    %add3A_34 = arith.constant 128 : i32
    %add3A_35 = arith.addi %add3A_33, %add3A_34 : i32
    "tpu.region"() ({
      %run_scoped3A = tpu.sem_alloc : memref<!tpu.dma_semaphore, #tpu.memory_space<semaphore_mem>>
      %dma_start3A = arith.constant 0 : i32
      %dma_start3A_40 = arith.constant 0 : i32
      %dma_start3A_41 = tpu.memref_slice %arg9[%dma_start3A, %dma_start3A_40] : memref<128x128xf32, #tpu.memory_space<vmem>> -> memref<128x128xf32, #tpu.memory_space<vmem>>
      %dma_start3A_42 = arith.constant 0 : i32
      %dma_start3A_43 = tpu.memref_slice %arg10[%add3A_35, %dma_start3A_42] : memref<10112x128xf32, #tpu.memory_space<vmem_shared>> -> memref<128x128xf32, #tpu.memory_space<vmem_shared>>
      %dma_start3A_44 = arith.constant 0 : i32
      %dma_start3A_45 = arith.constant 0 : i32
      %dma_start3A_46 = tpu.memref_slice %arg9[%dma_start3A_44, %dma_start3A_45] : memref<128x128xf32, #tpu.memory_space<vmem>> -> memref<128x128xf32, #tpu.memory_space<vmem>>
      %dma_start3A_47 = arith.constant 0 : i32
      %dma_start3A_48 = tpu.memref_slice %arg10[%add3A_35, %dma_start3A_47] : memref<10112x128xf32, #tpu.memory_space<vmem_shared>> -> memref<128x128xf32, #tpu.memory_space<vmem_shared>>
      tpu.enqueue_dma source(%dma_start3A_48 : memref<128x128xf32, #tpu.memory_space<vmem_shared>>) target(%dma_start3A_46 : memref<128x128xf32, #tpu.memory_space<vmem>>) target_semaphore(%run_scoped3A : memref<!tpu.dma_semaphore, #tpu.memory_space<semaphore_mem>>)
      %dma_wait3A = arith.constant 0 : i32
      %dma_wait3A_49 = arith.constant 0 : i32
      %dma_wait3A_50 = tpu.memref_slice %arg9[%dma_wait3A, %dma_wait3A_49] : memref<128x128xf32, #tpu.memory_space<vmem>> -> memref<128x128xf32, #tpu.memory_space<vmem>>
      %dma_wait3A_51 = arith.constant 0 : i32
      %dma_wait3A_52 = tpu.memref_slice %arg10[%add3A_35, %dma_wait3A_51] : memref<10112x128xf32, #tpu.memory_space<vmem_shared>> -> memref<128x128xf32, #tpu.memory_space<vmem_shared>>
      %dma_wait3A_53 = arith.constant 0 : i32
      %dma_wait3A_54 = arith.constant 0 : i32
      %dma_wait3A_55 = tpu.memref_slice %arg9[%dma_wait3A_53, %dma_wait3A_54] : memref<128x128xf32, #tpu.memory_space<vmem>> -> memref<128x128xf32, #tpu.memory_space<vmem>>
      %dma_wait3A_56 = arith.constant 0 : i32
      %dma_wait3A_57 = tpu.memref_slice %arg10[%add3A_35, %dma_wait3A_56] : memref<10112x128xf32, #tpu.memory_space<vmem_shared>> -> memref<128x128xf32, #tpu.memory_space<vmem_shared>>
      tpu.wait_dma2 semaphore(%run_scoped3A : memref<!tpu.dma_semaphore, #tpu.memory_space<semaphore_mem>>) src(%dma_wait3A_57 : memref<128x128xf32, #tpu.memory_space<vmem_shared>>) dst(%dma_wait3A_55 : memref<128x128xf32, #tpu.memory_space<vmem>>)
      tpu.yield
    }) : () -> ()
    "tpu.region"() ({
      %run_scoped3A = tpu.sem_alloc : memref<!tpu.dma_semaphore, #tpu.memory_space<semaphore_mem>>
      %dma_start3A = arith.constant 0 : i32
      %dma_start3A_40 = arith.constant 0 : i32
      %dma_start3A_41 = tpu.memref_slice %arg9[%dma_start3A, %dma_start3A_40] : memref<128x128xf32, #tpu.memory_space<vmem>> -> memref<128x128xf32, #tpu.memory_space<vmem>>
      %dma_start3A_42 = arith.constant 0 : i32
      %dma_start3A_43 = arith.constant 0 : i32
      %dma_start3A_44 = tpu.memref_slice %arg5[%arg0, %dma_start3A_42, %dma_start3A_43] : memref<2x10112x128xf32, #tpu.memory_space<hbm>> -> memref<1x10112x128xf32, #tpu.memory_space<hbm>>
      %dma_start3A_45 = tpu.memref_squeeze %dma_start3A_44 : memref<1x10112x128xf32, #tpu.memory_space<hbm>> -> memref<10112x128xf32, #tpu.memory_space<hbm>>
      %dma_start3A_46 = arith.constant 0 : i32
      %dma_start3A_47 = tpu.memref_slice %dma_start3A_45[%add3A_35, %dma_start3A_46] : memref<10112x128xf32, #tpu.memory_space<hbm>> -> memref<128x128xf32, #tpu.memory_space<hbm>>
      %dma_start3A_48 = arith.constant 0 : i32
      %dma_start3A_49 = arith.constant 0 : i32
      %dma_start3A_50 = tpu.memref_slice %arg5[%arg0, %dma_start3A_48, %dma_start3A_49] : memref<2x10112x128xf32, #tpu.memory_space<hbm>> -> memref<1x10112x128xf32, #tpu.memory_space<hbm>>
      %dma_start3A_51 = tpu.memref_squeeze %dma_start3A_50 : memref<1x10112x128xf32, #tpu.memory_space<hbm>> -> memref<10112x128xf32, #tpu.memory_space<hbm>>
      %dma_start3A_52 = arith.constant 0 : i32
      %dma_start3A_53 = tpu.memref_slice %dma_start3A_51[%add3A_35, %dma_start3A_52] : memref<10112x128xf32, #tpu.memory_space<hbm>> -> memref<128x128xf32, #tpu.memory_space<hbm>>
      %dma_start3A_54 = arith.constant 0 : i32
      %dma_start3A_55 = arith.constant 0 : i32
      %dma_start3A_56 = tpu.memref_slice %arg9[%dma_start3A_54, %dma_start3A_55] : memref<128x128xf32, #tpu.memory_space<vmem>> -> memref<128x128xf32, #tpu.memory_space<vmem>>
      tpu.enqueue_dma source(%dma_start3A_56 : memref<128x128xf32, #tpu.memory_space<vmem>>) target(%dma_start3A_53 : memref<128x128xf32, #tpu.memory_space<hbm>>) target_semaphore(%run_scoped3A : memref<!tpu.dma_semaphore, #tpu.memory_space<semaphore_mem>>)
      %dma_wait3A = arith.constant 0 : i32
      %dma_wait3A_57 = arith.constant 0 : i32
      %dma_wait3A_58 = tpu.memref_slice %arg9[%dma_wait3A, %dma_wait3A_57] : memref<128x128xf32, #tpu.memory_space<vmem>> -> memref<128x128xf32, #tpu.memory_space<vmem>>
      %dma_wait3A_59 = arith.constant 0 : i32
      %dma_wait3A_60 = arith.constant 0 : i32
      %dma_wait3A_61 = tpu.memref_slice %arg5[%arg0, %dma_wait3A_59, %dma_wait3A_60] : memref<2x10112x128xf32, #tpu.memory_space<hbm>> -> memref<1x10112x128xf32, #tpu.memory_space<hbm>>
      %dma_wait3A_62 = tpu.memref_squeeze %dma_wait3A_61 : memref<1x10112x128xf32, #tpu.memory_space<hbm>> -> memref<10112x128xf32, #tpu.memory_space<hbm>>
      %dma_wait3A_63 = arith.constant 0 : i32
      %dma_wait3A_64 = tpu.memref_slice %dma_wait3A_62[%add3A_35, %dma_wait3A_63] : memref<10112x128xf32, #tpu.memory_space<hbm>> -> memref<128x128xf32, #tpu.memory_space<hbm>>
      %dma_wait3A_65 = arith.constant 0 : i32
      %dma_wait3A_66 = arith.constant 0 : i32
      %dma_wait3A_67 = tpu.memref_slice %arg5[%arg0, %dma_wait3A_65, %dma_wait3A_66] : memref<2x10112x128xf32, #tpu.memory_space<hbm>> -> memref<1x10112x128xf32, #tpu.memory_space<hbm>>
      %dma_wait3A_68 = tpu.memref_squeeze %dma_wait3A_67 : memref<1x10112x128xf32, #tpu.memory_space<hbm>> -> memref<10112x128xf32, #tpu.memory_space<hbm>>
      %dma_wait3A_69 = arith.constant 0 : i32
      %dma_wait3A_70 = tpu.memref_slice %dma_wait3A_68[%add3A_35, %dma_wait3A_69] : memref<10112x128xf32, #tpu.memory_space<hbm>> -> memref<128x128xf32, #tpu.memory_space<hbm>>
      %dma_wait3A_71 = arith.constant 0 : i32
      %dma_wait3A_72 = arith.constant 0 : i32
      %dma_wait3A_73 = tpu.memref_slice %arg9[%dma_wait3A_71, %dma_wait3A_72] : memref<128x128xf32, #tpu.memory_space<vmem>> -> memref<128x128xf32, #tpu.memory_space<vmem>>
      tpu.wait_dma2 semaphore(%run_scoped3A : memref<!tpu.dma_semaphore, #tpu.memory_space<semaphore_mem>>) src(%dma_wait3A_73 : memref<128x128xf32, #tpu.memory_space<vmem>>) dst(%dma_wait3A_70 : memref<128x128xf32, #tpu.memory_space<hbm>>)
      tpu.yield
    }) : () -> ()
    %add3A_36 = arith.constant 128 : i32
    %add3A_37 = arith.addi %add3A_35, %add3A_36 : i32
    "tpu.region"() ({
      %run_scoped3A = tpu.sem_alloc : memref<!tpu.dma_semaphore, #tpu.memory_space<semaphore_mem>>
      %dma_start3A = arith.constant 0 : i32
      %dma_start3A_40 = arith.constant 0 : i32
      %dma_start3A_41 = tpu.memref_slice %arg9[%dma_start3A, %dma_start3A_40] : memref<128x128xf32, #tpu.memory_space<vmem>> -> memref<120x128xf32, #tpu.memory_space<vmem>>
      %dma_start3A_42 = arith.constant 0 : i32
      %dma_start3A_43 = tpu.memref_slice %arg10[%add3A_37, %dma_start3A_42] : memref<10112x128xf32, #tpu.memory_space<vmem_shared>> -> memref<120x128xf32, #tpu.memory_space<vmem_shared>>
      %dma_start3A_44 = arith.constant 0 : i32
      %dma_start3A_45 = arith.constant 0 : i32
      %dma_start3A_46 = tpu.memref_slice %arg9[%dma_start3A_44, %dma_start3A_45] : memref<128x128xf32, #tpu.memory_space<vmem>> -> memref<120x128xf32, #tpu.memory_space<vmem>>
      %dma_start3A_47 = arith.constant 0 : i32
      %dma_start3A_48 = tpu.memref_slice %arg10[%add3A_37, %dma_start3A_47] : memref<10112x128xf32, #tpu.memory_space<vmem_shared>> -> memref<120x128xf32, #tpu.memory_space<vmem_shared>>
      tpu.enqueue_dma source(%dma_start3A_48 : memref<120x128xf32, #tpu.memory_space<vmem_shared>>) target(%dma_start3A_46 : memref<120x128xf32, #tpu.memory_space<vmem>>) target_semaphore(%run_scoped3A : memref<!tpu.dma_semaphore, #tpu.memory_space<semaphore_mem>>)
      %dma_wait3A = arith.constant 0 : i32
      %dma_wait3A_49 = arith.constant 0 : i32
      %dma_wait3A_50 = tpu.memref_slice %arg9[%dma_wait3A, %dma_wait3A_49] : memref<128x128xf32, #tpu.memory_space<vmem>> -> memref<120x128xf32, #tpu.memory_space<vmem>>
      %dma_wait3A_51 = arith.constant 0 : i32
      %dma_wait3A_52 = tpu.memref_slice %arg10[%add3A_37, %dma_wait3A_51] : memref<10112x128xf32, #tpu.memory_space<vmem_shared>> -> memref<120x128xf32, #tpu.memory_space<vmem_shared>>
      %dma_wait3A_53 = arith.constant 0 : i32
      %dma_wait3A_54 = arith.constant 0 : i32
      %dma_wait3A_55 = tpu.memref_slice %arg9[%dma_wait3A_53, %dma_wait3A_54] : memref<128x128xf32, #tpu.memory_space<vmem>> -> memref<120x128xf32, #tpu.memory_space<vmem>>
      %dma_wait3A_56 = arith.constant 0 : i32
      %dma_wait3A_57 = tpu.memref_slice %arg10[%add3A_37, %dma_wait3A_56] : memref<10112x128xf32, #tpu.memory_space<vmem_shared>> -> memref<120x128xf32, #tpu.memory_space<vmem_shared>>
      tpu.wait_dma2 semaphore(%run_scoped3A : memref<!tpu.dma_semaphore, #tpu.memory_space<semaphore_mem>>) src(%dma_wait3A_57 : memref<120x128xf32, #tpu.memory_space<vmem_shared>>) dst(%dma_wait3A_55 : memref<120x128xf32, #tpu.memory_space<vmem>>)
      tpu.yield
    }) : () -> ()
    "tpu.region"() ({
      %run_scoped3A = tpu.sem_alloc : memref<!tpu.dma_semaphore, #tpu.memory_space<semaphore_mem>>
      %dma_start3A = arith.constant 0 : i32
      %dma_start3A_40 = arith.constant 0 : i32
      %dma_start3A_41 = tpu.memref_slice %arg9[%dma_start3A, %dma_start3A_40] : memref<128x128xf32, #tpu.memory_space<vmem>> -> memref<120x128xf32, #tpu.memory_space<vmem>>
      %dma_start3A_42 = arith.constant 0 : i32
      %dma_start3A_43 = arith.constant 0 : i32
      %dma_start3A_44 = tpu.memref_slice %arg5[%arg0, %dma_start3A_42, %dma_start3A_43] : memref<2x10112x128xf32, #tpu.memory_space<hbm>> -> memref<1x10112x128xf32, #tpu.memory_space<hbm>>
      %dma_start3A_45 = tpu.memref_squeeze %dma_start3A_44 : memref<1x10112x128xf32, #tpu.memory_space<hbm>> -> memref<10112x128xf32, #tpu.memory_space<hbm>>
      %dma_start3A_46 = arith.constant 0 : i32
      %dma_start3A_47 = tpu.memref_slice %dma_start3A_45[%add3A_37, %dma_start3A_46] : memref<10112x128xf32, #tpu.memory_space<hbm>> -> memref<120x128xf32, #tpu.memory_space<hbm>>
      %dma_start3A_48 = arith.constant 0 : i32
      %dma_start3A_49 = arith.constant 0 : i32
      %dma_start3A_50 = tpu.memref_slice %arg5[%arg0, %dma_start3A_48, %dma_start3A_49] : memref<2x10112x128xf32, #tpu.memory_space<hbm>> -> memref<1x10112x128xf32, #tpu.memory_space<hbm>>
      %dma_start3A_51 = tpu.memref_squeeze %dma_start3A_50 : memref<1x10112x128xf32, #tpu.memory_space<hbm>> -> memref<10112x128xf32, #tpu.memory_space<hbm>>
      %dma_start3A_52 = arith.constant 0 : i32
      %dma_start3A_53 = tpu.memref_slice %dma_start3A_51[%add3A_37, %dma_start3A_52] : memref<10112x128xf32, #tpu.memory_space<hbm>> -> memref<120x128xf32, #tpu.memory_space<hbm>>
      %dma_start3A_54 = arith.constant 0 : i32
      %dma_start3A_55 = arith.constant 0 : i32
      %dma_start3A_56 = tpu.memref_slice %arg9[%dma_start3A_54, %dma_start3A_55] : memref<128x128xf32, #tpu.memory_space<vmem>> -> memref<120x128xf32, #tpu.memory_space<vmem>>
      tpu.enqueue_dma source(%dma_start3A_56 : memref<120x128xf32, #tpu.memory_space<vmem>>) target(%dma_start3A_53 : memref<120x128xf32, #tpu.memory_space<hbm>>) target_semaphore(%run_scoped3A : memref<!tpu.dma_semaphore, #tpu.memory_space<semaphore_mem>>)
      %dma_wait3A = arith.constant 0 : i32
      %dma_wait3A_57 = arith.constant 0 : i32
      %dma_wait3A_58 = tpu.memref_slice %arg9[%dma_wait3A, %dma_wait3A_57] : memref<128x128xf32, #tpu.memory_space<vmem>> -> memref<120x128xf32, #tpu.memory_space<vmem>>
      %dma_wait3A_59 = arith.constant 0 : i32
      %dma_wait3A_60 = arith.constant 0 : i32
      %dma_wait3A_61 = tpu.memref_slice %arg5[%arg0, %dma_wait3A_59, %dma_wait3A_60] : memref<2x10112x128xf32, #tpu.memory_space<hbm>> -> memref<1x10112x128xf32, #tpu.memory_space<hbm>>
      %dma_wait3A_62 = tpu.memref_squeeze %dma_wait3A_61 : memref<1x10112x128xf32, #tpu.memory_space<hbm>> -> memref<10112x128xf32, #tpu.memory_space<hbm>>
      %dma_wait3A_63 = arith.constant 0 : i32
      %dma_wait3A_64 = tpu.memref_slice %dma_wait3A_62[%add3A_37, %dma_wait3A_63] : memref<10112x128xf32, #tpu.memory_space<hbm>> -> memref<120x128xf32, #tpu.memory_space<hbm>>
      %dma_wait3A_65 = arith.constant 0 : i32
      %dma_wait3A_66 = arith.constant 0 : i32
      %dma_wait3A_67 = tpu.memref_slice %arg5[%arg0, %dma_wait3A_65, %dma_wait3A_66] : memref<2x10112x128xf32, #tpu.memory_space<hbm>> -> memref<1x10112x128xf32, #tpu.memory_space<hbm>>
      %dma_wait3A_68 = tpu.memref_squeeze %dma_wait3A_67 : memref<1x10112x128xf32, #tpu.memory_space<hbm>> -> memref<10112x128xf32, #tpu.memory_space<hbm>>
      %dma_wait3A_69 = arith.constant 0 : i32
      %dma_wait3A_70 = tpu.memref_slice %dma_wait3A_68[%add3A_37, %dma_wait3A_69] : memref<10112x128xf32, #tpu.memory_space<hbm>> -> memref<120x128xf32, #tpu.memory_space<hbm>>
      %dma_wait3A_71 = arith.constant 0 : i32
      %dma_wait3A_72 = arith.constant 0 : i32
      %dma_wait3A_73 = tpu.memref_slice %arg9[%dma_wait3A_71, %dma_wait3A_72] : memref<128x128xf32, #tpu.memory_space<vmem>> -> memref<120x128xf32, #tpu.memory_space<vmem>>
      tpu.wait_dma2 semaphore(%run_scoped3A : memref<!tpu.dma_semaphore, #tpu.memory_space<semaphore_mem>>) src(%dma_wait3A_73 : memref<120x128xf32, #tpu.memory_space<vmem>>) dst(%dma_wait3A_70 : memref<120x128xf32, #tpu.memory_space<hbm>>)
      tpu.yield
    }) : () -> ()
    %add3A_38 = arith.constant 120 : i32
    %add3A_39 = arith.addi %add3A_37, %add3A_38 : i32
    return
  }
}

module attributes {stable_mosaic.version = 14 : i64} {
  func.func @body(%arg0: i32, %arg1: memref<1264x128xf32, #tpu.memory_space<vmem>>, %arg2: memref<128x256xf32, #tpu.memory_space<vmem>>, %arg3: memref<2x1264x128xf32, #tpu.memory_space<vmem>>, %arg4: memref<2x1264x128xf32, #tpu.memory_space<vmem>>, %arg5: memref<1264x1xf32, #tpu.memory_space<vmem>>) attributes {dimension_semantics = [#tpu.dimension_semantics<arbitrary>], iteration_bounds = array<i64: 8>, scalar_prefetch = 0 : i64, scratch_operands = 0 : i64, tpu.core_type = #tpu.core_type<tc>, window_params = [{transform_indices = @transform_0, window_bounds = array<i64: 1264, 128>}, {pipeline_mode = #tpu.pipeline_mode<synchronous>, transform_indices = @transform_1, window_bounds = array<i64: 128, 256>}, {transform_indices = @transform_2, window_bounds = array<i64: 2, 1264, 128>}, {transform_indices = @transform_3, window_bounds = array<i64: 2, 1264, 128>}, {transform_indices = @transform_4, window_bounds = array<i64: 1264, 1>}]} {
    %get3A = arith.constant 0 : index
    %get3A_0 = arith.constant 0 : index
    %get3A_1 = arith.constant 0 : index
    %get3A_2 = vector.load %arg3[%get3A, %get3A_0, %get3A_1] : memref<2x1264x128xf32, #tpu.memory_space<vmem>>, vector<1x1264x1xf32>
    %get3A_3 = vector.shape_cast %get3A_2 : vector<1x1264x1xf32> to vector<1264x1xf32>
    %get3A_4 = arith.constant 1 : index
    %get3A_5 = arith.constant 0 : index
    %get3A_6 = arith.constant 0 : index
    %get3A_7 = vector.load %arg3[%get3A_4, %get3A_5, %get3A_6] : memref<2x1264x128xf32, #tpu.memory_space<vmem>>, vector<1x1264x1xf32>
    %get3A_8 = vector.shape_cast %get3A_7 : vector<1x1264x1xf32> to vector<1264x1xf32>
    %add3A = arith.addf %get3A_3, %get3A_8 : vector<1264x1xf32>
    %add3A_9 = arith.constant 1.000000e+00 : f32
    %add3A_10 = vector.broadcast %add3A_9 : f32 to vector<1264x1xf32>
    %add3A_11 = arith.addf %add3A, %add3A_10 : vector<1264x1xf32>
    %rsqrt3A = math.rsqrt %add3A_11 : vector<1264x1xf32>
    %get3A_12 = arith.constant 0 : index
    %get3A_13 = arith.constant 0 : index
    %get3A_14 = vector.load %arg1[%get3A_12, %get3A_13] : memref<1264x128xf32, #tpu.memory_space<vmem>>, vector<1264x128xf32>
    %get3A_15 = arith.constant 0 : index
    %get3A_16 = arith.constant 0 : index
    %get3A_17 = vector.load %arg2[%get3A_15, %get3A_16] : memref<128x256xf32, #tpu.memory_space<vmem>>, vector<128x256xf32>
    %dot_general3A = arith.constant dense<0.000000e+00> : vector<1264x256xf32>
    %dot_general3A_18 = tpu.matmul %get3A_14, %get3A_17, %dot_general3A {dimension_numbers = #tpu.dot_dimension_numbers<[1], [0], [0], [1], [0, 0, 1, 1], [], []>, transpose_lhs_hint = false} : vector<1264x128xf32>, vector<128x256xf32>, vector<1264x256xf32> -> vector<1264x256xf32>
    %mul3A = vector.broadcast %rsqrt3A : vector<1264x1xf32> to vector<1264x256xf32>
    %mul3A_19 = arith.mulf %dot_general3A_18, %mul3A : vector<1264x256xf32>
    %slice3A = vector.extract_strided_slice %mul3A_19 {offsets = [0, 0], sizes = [1264, 128], strides = [1, 1]} : vector<1264x256xf32> to vector<1264x128xf32>
    %swap3A = arith.constant 0 : index
    %swap3A_20 = arith.constant 0 : index
    %swap3A_21 = arith.constant 0 : index
    %swap3A_22 = vector.load %arg4[%swap3A, %swap3A_20, %swap3A_21] : memref<2x1264x128xf32, #tpu.memory_space<vmem>>, vector<1x1264x128xf32>
    %swap3A_23 = vector.shape_cast %swap3A_22 : vector<1x1264x128xf32> to vector<1264x128xf32>
    %swap3A_24 = vector.shape_cast %slice3A : vector<1264x128xf32> to vector<1x1264x128xf32>
    tpu.vector_store %arg4[%swap3A, %swap3A_20, %swap3A_21], %swap3A_24 {strides = array<i32>} : memref<2x1264x128xf32, #tpu.memory_space<vmem>>, vector<1x1264x128xf32>,
    %slice3A_25 = vector.extract_strided_slice %mul3A_19 {offsets = [0, 128], sizes = [1264, 128], strides = [1, 1]} : vector<1264x256xf32> to vector<1264x128xf32>
    %swap3A_26 = arith.constant 1 : index
    %swap3A_27 = arith.constant 0 : index
    %swap3A_28 = arith.constant 0 : index
    %swap3A_29 = vector.load %arg4[%swap3A_26, %swap3A_27, %swap3A_28] : memref<2x1264x128xf32, #tpu.memory_space<vmem>>, vector<1x1264x128xf32>
    %swap3A_30 = vector.shape_cast %swap3A_29 : vector<1x1264x128xf32> to vector<1264x128xf32>
    %swap3A_31 = vector.shape_cast %slice3A_25 : vector<1264x128xf32> to vector<1x1264x128xf32>
    tpu.vector_store %arg4[%swap3A_26, %swap3A_27, %swap3A_28], %swap3A_31 {strides = array<i32>} : memref<2x1264x128xf32, #tpu.memory_space<vmem>>, vector<1x1264x128xf32>,
    %swap3A_32 = arith.constant 0 : index
    %swap3A_33 = arith.constant 0 : index
    %swap3A_34 = vector.load %arg5[%swap3A_32, %swap3A_33] : memref<1264x1xf32, #tpu.memory_space<vmem>>, vector<1264x1xf32>
    tpu.vector_store %arg5[%swap3A_32, %swap3A_33], %rsqrt3A {strides = array<i32>} : memref<1264x1xf32, #tpu.memory_space<vmem>>, vector<1264x1xf32>,
    return
  }
  func.func @transform_0(%arg0: i32) -> (i32, i32) {
    %c0_i32 = arith.constant 0 : i32
    %c0_i32_0 = arith.constant 0 : i32
    return %arg0, %c0_i32 : i32, i32
  }
  func.func @transform_1(%arg0: i32) -> (i32, i32) {
    %c0_i32 = arith.constant 0 : i32
    %c0_i32_0 = arith.constant 0 : i32
    %c0_i32_1 = arith.constant 0 : i32
    return %c0_i32, %c0_i32_0 : i32, i32
  }
  func.func @transform_2(%arg0: i32) -> (i32, i32, i32) {
    %c0_i32 = arith.constant 0 : i32
    %c0_i32_0 = arith.constant 0 : i32
    %c0_i32_1 = arith.constant 0 : i32
    return %c0_i32, %arg0, %c0_i32_0 : i32, i32, i32
  }
  func.func @transform_3(%arg0: i32) -> (i32, i32, i32) {
    %c0_i32 = arith.constant 0 : i32
    %c0_i32_0 = arith.constant 0 : i32
    %c0_i32_1 = arith.constant 0 : i32
    return %c0_i32, %arg0, %c0_i32_0 : i32, i32, i32
  }
  func.func @transform_4(%arg0: i32) -> (i32, i32) {
    %c0_i32 = arith.constant 0 : i32
    %c0_i32_0 = arith.constant 0 : i32
    return %arg0, %c0_i32 : i32, i32
  }
}

module attributes {stable_mosaic.version = 14 : i64} {
  func.func @body(%arg0: i32, %arg1: memref<2x1264x128xf32, #tpu.memory_space<vmem>>, %arg2: memref<2x1264x128xf32, #tpu.memory_space<vmem>>, %arg3: memref<1264x1xf32, #tpu.memory_space<vmem>>, %arg4: memref<1x256xf32, #tpu.memory_space<vmem>>, %arg5: memref<256x128xf32, #tpu.memory_space<vmem>>, %arg6: memref<1264x128xf32, #tpu.memory_space<vmem>>) attributes {dimension_semantics = [#tpu.dimension_semantics<arbitrary>], iteration_bounds = array<i64: 8>, scalar_prefetch = 0 : i64, scratch_operands = 0 : i64, tpu.core_type = #tpu.core_type<tc>, window_params = [{transform_indices = @transform_0, window_bounds = array<i64: 2, 1264, 128>}, {transform_indices = @transform_1, window_bounds = array<i64: 2, 1264, 128>}, {transform_indices = @transform_2, window_bounds = array<i64: 1264, 1>}, {pipeline_mode = #tpu.pipeline_mode<synchronous>, transform_indices = @transform_3, window_bounds = array<i64: 1, 256>}, {pipeline_mode = #tpu.pipeline_mode<synchronous>, transform_indices = @transform_4, window_bounds = array<i64: 256, 128>}, {transform_indices = @transform_5, window_bounds = array<i64: 1264, 128>}]} {
    %get3A = arith.constant 0 : index
    %get3A_0 = arith.constant 0 : index
    %get3A_1 = vector.load %arg3[%get3A, %get3A_0] : memref<1264x1xf32, #tpu.memory_space<vmem>>, vector<1264x1xf32>
    %get3A_2 = arith.constant 0 : index
    %get3A_3 = arith.constant 0 : index
    %get3A_4 = arith.constant 0 : index
    %get3A_5 = vector.load %arg1[%get3A_2, %get3A_3, %get3A_4] : memref<2x1264x128xf32, #tpu.memory_space<vmem>>, vector<1x1264x128xf32>
    %get3A_6 = vector.shape_cast %get3A_5 : vector<1x1264x128xf32> to vector<1264x128xf32>
    %get3A_7 = arith.constant 0 : index
    %get3A_8 = arith.constant 0 : index
    %get3A_9 = arith.constant 0 : index
    %get3A_10 = vector.load %arg2[%get3A_7, %get3A_8, %get3A_9] : memref<2x1264x128xf32, #tpu.memory_space<vmem>>, vector<1x1264x128xf32>
    %get3A_11 = vector.shape_cast %get3A_10 : vector<1x1264x128xf32> to vector<1264x128xf32>
    %add3A = arith.addf %get3A_6, %get3A_11 : vector<1264x128xf32>
    %get3A_12 = arith.constant 1 : index
    %get3A_13 = arith.constant 0 : index
    %get3A_14 = arith.constant 0 : index
    %get3A_15 = vector.load %arg1[%get3A_12, %get3A_13, %get3A_14] : memref<2x1264x128xf32, #tpu.memory_space<vmem>>, vector<1x1264x128xf32>
    %get3A_16 = vector.shape_cast %get3A_15 : vector<1x1264x128xf32> to vector<1264x128xf32>
    %get3A_17 = arith.constant 1 : index
    %get3A_18 = arith.constant 0 : index
    %get3A_19 = arith.constant 0 : index
    %get3A_20 = vector.load %arg2[%get3A_17, %get3A_18, %get3A_19] : memref<2x1264x128xf32, #tpu.memory_space<vmem>>, vector<1x1264x128xf32>
    %get3A_21 = vector.shape_cast %get3A_20 : vector<1x1264x128xf32> to vector<1264x128xf32>
    %add3A_22 = arith.addf %get3A_16, %get3A_21 : vector<1264x128xf32>
    %concatenate3A = tpu.concatenate %add3A, %add3A_22 in 1 : vector<1264x128xf32>, vector<1264x128xf32> -> vector<1264x256xf32>
    %mul3A = vector.broadcast %get3A_1 : vector<1264x1xf32> to vector<1264x256xf32>
    %mul3A_23 = arith.mulf %mul3A, %concatenate3A : vector<1264x256xf32>
    %get3A_24 = arith.constant 0 : index
    %get3A_25 = arith.constant 0 : index
    %get3A_26 = vector.load %arg4[%get3A_24, %get3A_25] : memref<1x256xf32, #tpu.memory_space<vmem>>, vector<1x256xf32>
    %add3A_27 = vector.broadcast %get3A_26 : vector<1x256xf32> to vector<1264x256xf32>
    %add3A_28 = arith.addf %mul3A_23, %add3A_27 : vector<1264x256xf32>
    %max3A = arith.constant 0.000000e+00 : f32
    %max3A_29 = vector.broadcast %max3A : f32 to vector<1264x256xf32>
    %max3A_30 = arith.maximumf %add3A_28, %max3A_29 : vector<1264x256xf32>
    %get3A_31 = arith.constant 0 : index
    %get3A_32 = arith.constant 0 : index
    %get3A_33 = vector.load %arg5[%get3A_31, %get3A_32] : memref<256x128xf32, #tpu.memory_space<vmem>>, vector<256x128xf32>
    %dot_general3A = arith.constant dense<0.000000e+00> : vector<1264x128xf32>
    %dot_general3A_34 = tpu.matmul %max3A_30, %get3A_33, %dot_general3A {dimension_numbers = #tpu.dot_dimension_numbers<[1], [0], [0], [1], [0, 0, 1, 1], [], []>, transpose_lhs_hint = false} : vector<1264x256xf32>, vector<256x128xf32>, vector<1264x128xf32> -> vector<1264x128xf32>
    %mul3A_35 = vector.broadcast %get3A_1 : vector<1264x1xf32> to vector<1264x128xf32>
    %mul3A_36 = arith.mulf %mul3A_35, %dot_general3A_34 : vector<1264x128xf32>
    %swap3A = arith.constant 0 : index
    %swap3A_37 = arith.constant 0 : index
    %swap3A_38 = vector.load %arg6[%swap3A, %swap3A_37] : memref<1264x128xf32, #tpu.memory_space<vmem>>, vector<1264x128xf32>
    tpu.vector_store %arg6[%swap3A, %swap3A_37], %mul3A_36 {strides = array<i32>} : memref<1264x128xf32, #tpu.memory_space<vmem>>, vector<1264x128xf32>,
    return
  }
  func.func @transform_0(%arg0: i32) -> (i32, i32, i32) {
    %c0_i32 = arith.constant 0 : i32
    %c0_i32_0 = arith.constant 0 : i32
    %c0_i32_1 = arith.constant 0 : i32
    return %c0_i32, %arg0, %c0_i32_0 : i32, i32, i32
  }
  func.func @transform_1(%arg0: i32) -> (i32, i32, i32) {
    %c0_i32 = arith.constant 0 : i32
    %c0_i32_0 = arith.constant 0 : i32
    %c0_i32_1 = arith.constant 0 : i32
    return %c0_i32, %arg0, %c0_i32_0 : i32, i32, i32
  }
  func.func @transform_2(%arg0: i32) -> (i32, i32) {
    %c0_i32 = arith.constant 0 : i32
    %c0_i32_0 = arith.constant 0 : i32
    return %arg0, %c0_i32 : i32, i32
  }
  func.func @transform_3(%arg0: i32) -> (i32, i32) {
    %c0_i32 = arith.constant 0 : i32
    %c0_i32_0 = arith.constant 0 : i32
    %c0_i32_1 = arith.constant 0 : i32
    return %c0_i32, %c0_i32_0 : i32, i32
  }
  func.func @transform_4(%arg0: i32) -> (i32, i32) {
    %c0_i32 = arith.constant 0 : i32
    %c0_i32_0 = arith.constant 0 : i32
    %c0_i32_1 = arith.constant 0 : i32
    return %c0_i32, %c0_i32_0 : i32, i32
  }
  func.func @transform_5(%arg0: i32) -> (i32, i32) {
    %c0_i32 = arith.constant 0 : i32
    %c0_i32_0 = arith.constant 0 : i32
    return %arg0, %c0_i32 : i32, i32
  }
}

module attributes {stable_mosaic.version = 14 : i64} {
  func.func @body(%arg0: i32, %arg1: memref<2x1264x128xf32, #tpu.memory_space<vmem>>, %arg2: memref<1264x128xf32, #tpu.memory_space<vmem>>, %arg3: memref<1264x1xf32, #tpu.memory_space<vmem>>, %arg4: memref<1x128xf32, #tpu.memory_space<vmem>>, %arg5: memref<1264x128xf32, #tpu.memory_space<vmem>>) attributes {dimension_semantics = [#tpu.dimension_semantics<arbitrary>], iteration_bounds = array<i64: 8>, scalar_prefetch = 0 : i64, scratch_operands = 0 : i64, tpu.core_type = #tpu.core_type<tc>, window_params = [{transform_indices = @transform_0, window_bounds = array<i64: 2, 1264, 128>}, {transform_indices = @transform_1, window_bounds = array<i64: 1264, 128>}, {transform_indices = @transform_2, window_bounds = array<i64: 1264, 1>}, {pipeline_mode = #tpu.pipeline_mode<synchronous>, transform_indices = @transform_3, window_bounds = array<i64: 1, 128>}, {transform_indices = @transform_4, window_bounds = array<i64: 1264, 128>}]} {
    %get3A = arith.constant 0 : index
    %get3A_0 = arith.constant 0 : index
    %get3A_1 = arith.constant 0 : index
    %get3A_2 = vector.load %arg1[%get3A, %get3A_0, %get3A_1] : memref<2x1264x128xf32, #tpu.memory_space<vmem>>, vector<1x1264x128xf32>
    %get3A_3 = vector.shape_cast %get3A_2 : vector<1x1264x128xf32> to vector<1264x128xf32>
    %get3A_4 = arith.constant 1 : index
    %get3A_5 = arith.constant 0 : index
    %get3A_6 = arith.constant 0 : index
    %get3A_7 = vector.load %arg1[%get3A_4, %get3A_5, %get3A_6] : memref<2x1264x128xf32, #tpu.memory_space<vmem>>, vector<1x1264x128xf32>
    %get3A_8 = vector.shape_cast %get3A_7 : vector<1x1264x128xf32> to vector<1264x128xf32>
    %add3A = arith.addf %get3A_3, %get3A_8 : vector<1264x128xf32>
    %get3A_9 = arith.constant 0 : index
    %get3A_10 = arith.constant 0 : index
    %get3A_11 = vector.load %arg2[%get3A_9, %get3A_10] : memref<1264x128xf32, #tpu.memory_space<vmem>>, vector<1264x128xf32>
    %add3A_12 = arith.addf %add3A, %get3A_11 : vector<1264x128xf32>
    %get3A_13 = arith.constant 0 : index
    %get3A_14 = arith.constant 0 : index
    %get3A_15 = vector.load %arg3[%get3A_13, %get3A_14] : memref<1264x1xf32, #tpu.memory_space<vmem>>, vector<1264x1xf32>
    %mul3A = vector.broadcast %get3A_15 : vector<1264x1xf32> to vector<1264x128xf32>
    %mul3A_16 = arith.mulf %mul3A, %add3A_12 : vector<1264x128xf32>
    %get3A_17 = arith.constant 0 : index
    %get3A_18 = arith.constant 0 : index
    %get3A_19 = vector.load %arg4[%get3A_17, %get3A_18] : memref<1x128xf32, #tpu.memory_space<vmem>>, vector<1x128xf32>
    %add3A_20 = vector.broadcast %get3A_19 : vector<1x128xf32> to vector<1264x128xf32>
    %add3A_21 = arith.addf %mul3A_16, %add3A_20 : vector<1264x128xf32>
    %swap3A = arith.constant 0 : index
    %swap3A_22 = arith.constant 0 : index
    %swap3A_23 = vector.load %arg5[%swap3A, %swap3A_22] : memref<1264x128xf32, #tpu.memory_space<vmem>>, vector<1264x128xf32>
    tpu.vector_store %arg5[%swap3A, %swap3A_22], %add3A_21 {strides = array<i32>} : memref<1264x128xf32, #tpu.memory_space<vmem>>, vector<1264x128xf32>,
    return
  }
  func.func @transform_0(%arg0: i32) -> (i32, i32, i32) {
    %c0_i32 = arith.constant 0 : i32
    %c0_i32_0 = arith.constant 0 : i32
    %c0_i32_1 = arith.constant 0 : i32
    return %c0_i32, %arg0, %c0_i32_0 : i32, i32, i32
  }
  func.func @transform_1(%arg0: i32) -> (i32, i32) {
    %c0_i32 = arith.constant 0 : i32
    %c0_i32_0 = arith.constant 0 : i32
    return %arg0, %c0_i32 : i32, i32
  }
  func.func @transform_2(%arg0: i32) -> (i32, i32) {
    %c0_i32 = arith.constant 0 : i32
    %c0_i32_0 = arith.constant 0 : i32
    return %arg0, %c0_i32 : i32, i32
  }
  func.func @transform_3(%arg0: i32) -> (i32, i32) {
    %c0_i32 = arith.constant 0 : i32
    %c0_i32_0 = arith.constant 0 : i32
    %c0_i32_1 = arith.constant 0 : i32
    return %c0_i32, %c0_i32_0 : i32, i32
  }
  func.func @transform_4(%arg0: i32) -> (i32, i32) {
    %c0_i32 = arith.constant 0 : i32
    %c0_i32_0 = arith.constant 0 : i32
    return %arg0, %c0_i32 : i32, i32
  }
}

</mosaic_0001>

<sc_bundles>
// kernel: kernel.11.cloned.1.call-start
scs
__scs_entry_jumppad:
0x0: {  	(pc) =	sbr.rel $0x88, $3  }
0x1: {  	(tag) =	ssettag $0x0;
	lr =	simm.s32 $0x1  }
0x2: {  	[smem:$0x3F9B] =	sst lr;
	_ =	strace $0xD0000000  }
0x3: {  	_ = 	snop  }
0x4: {  	_ = 	snop  }
0x5: {  	_ = 	snop  }
0x6: {  	_ = 	snop  }
0x7: {  	_ = 	snop  }
__scs_overlays_trampoline_lowered:
0x8: {  	[smem:$0x3FAA] =	sst s0  }
0x9: {  	[smem:$0x3FAB] =	sst s1  }
0xa: {  	[smem:$0x3FAC] =	sst s2  }
0xb: {  	[smem:$0x3FAD] =	sst s3  }
0xc: {  	[smem:$0x3FAE] =	sst s4  }
0xd: {  	[smem:$0x3FAF] =	sst s5  }
0xe: {  	[smem:$0x3FB0] =	sst s6  }
0xf: {  	[smem:$0x3FB1] =	sst s7  }
0x10: {  	[smem:$0x3FB2] =	sst s8  }
0x11: {  	[smem:$0x3FB3] =	sst s9;
	s0 =	simm.s32 @!p0 $0x0  }
0x12: {  	s1 =	sld [smem:$0x3F99];
	s0 =	simm.s32 @p0 $0x1  }
0x13: {  	[smem:$0x3FB4] =	sst s0;
	s0 =	simm.s32 @!p1 $0x0  }
0x14: {  	s2 =	sld [smem:$0x3F98];
	s0 =	simm.s32 @p1 $0x1  }
0x15: {  	[smem:$0x3FB5] =	sst s0;
	s0 =	simm.s32 @!p2 $0x0  }
0x16: {  	s3 =	sld [smem:$0x3FDB];
	s0 =	simm.s32 @p2 $0x1  }
0x17: {  	s4 =	simm.s32 $0x1BF5;
	[smem:$0x3FB7] =	sst s0  }
0x18: {  	s0 =	sld [smem:$0x3F9A];
	_ =	swait.ge [sflag:s4], $0x0  }
0x19: {  	s7 =	sld [smem:$0x3F9B]  }
0x1a: {  	s8 =	sadd.s32 $0xFFFFE003, lr  }
0x1b: {  	s9 =	sadd.s32 $0xFFFFFEF7, lr;
	s5 =	simm.s32 $0xFFFFFFFF;
	p2 =	slt.u32 s8, $0xFFFFF086  }
0x1c: {  	p1 =	slt.u32 s9, $0xF7A;
	s5 =	simm.s32 @!p2 $0x0  }
0x1d: {  	s5 =	simm.s32 @p1 $0x1;
	p0 =	seq.s32 s7, s2  }
0x1e: {  	s7 =	smul.u32 @!p0 $0xF7A, s2;
	p2 =	seq.s32 @!p0 s5, $0x0  }
0x1f: {  	s9 =	smul.u32 $0xF7A, s1;
	s8 =	simm.s32 @!p0 $0x1BF5;
	p2 =	por !p2, p0  }
0x20: {  	[sflag:s8] =	ssyncset.s32 @!p0 $0xFFFFF086;
	s6 =	sadd.s32 @!p0 s3, s7;
	s7 =	simm.s32 @!p0 $0x108  }
0x21: {  	s3 =	sadd.s32 s3, s9;
	s6 =	sadd.s32 @!p0 $0x88, s6;
	s7 =	simm.s32 @p2 $0x1082  }
0x22: {  	[simem:s7], [sflag:s8] =	dma.local @!p0 [hbm:s6], $0xF7A  }
0x23: {  	s9 =	sor.u32 $0xD0000000, s2;
	s6 =	simm.s32 $0x108;
	_ =	swait.ge @!p0 [sflag:s8], $0x0  }
0x24: {  	s3 =	sadd.s32 $0x88, s3;
	s6 =	simm.s32 @!p1 $0x1082;
	[sflag:s4] =	ssyncset.s32 $0xFFFFF086  }
0x25: {  	[simem:s6], [sflag:s4] =	dma.local [hbm:s3], $0xF7A  }
0x26: {  	[smem:$0x3F9B] =	sst s1;
	(tag) =	ssettag s2;
	_ =	strace s9  }
0x27: {  	s1 =	sld [smem:$0x3FAB]  }
0x28: {  	s2 =	sld [smem:$0x3FAC]  }
0x29: {  	s4 =	sld [smem:$0x3FAE]  }
0x2a: {  	p0 =	seq.s32 s5, $0x0;
	s5 =	sld [smem:$0x3FAF]  }
0x2b: {  	s6 =	sld [smem:$0x3FB0]  }
0x2c: {  	s7 =	sld [smem:$0x3FB1]  }
0x2d: {  	s3 =	simm.s32 $0x108;
	s8 =	sld [smem:$0x3FB2]  }
0x2e: {  	s3 =	simm.s32 @!p0 $0x1082;
	s9 =	sld [smem:$0x3FB3]  }
0x2f: {  	lr =	sadd.s32 s0, s3;
	s0 =	sld [smem:$0x3FAA]  }
0x30: {  	s3 =	sld [smem:$0x3FAD]  }
0x31: {  	[smem:$0x3FB6] =	sst s10  }
0x32: {  	s10 =	sld [smem:$0x3FB4];
	_ =	sdelay $0x3  }
0x33: {  	p0 =	seq.s32 s10, $0x1;
	s10 =	sld [smem:$0x3FB6];
	_ =	sdelay $0x3  }
0x34: {  	[smem:$0x3FB6] =	sst s10  }
0x35: {  	s10 =	sld [smem:$0x3FB5];
	_ =	sdelay $0x3  }
0x36: {  	p1 =	seq.s32 s10, $0x1;
	s10 =	sld [smem:$0x3FB6];
	_ =	sdelay $0x3  }
0x37: {  	[smem:$0x3FB6] =	sst s10  }
0x38: {  	s10 =	sld [smem:$0x3FB7]  }
0x39: {  	_ = 	snop;
	(pc) =	sbr.ind lr, $3  }
0x3a: {  	_ = 	snop  }
0x3b: {  	_ = 	snop  }
0x3c: {  	p2 =	seq.s32 s10, $0x1;
	s10 =	sld [smem:$0x3FB6]  }
0x3d: {  	_ =	shalt  }
0x3e: {  	_ =	shalt  }
0x3f: {  	_ =	shalt  }
0x40: {  	_ =	shalt  }
0x41: {  	_ =	shalt  }
0x42: {  	_ =	shalt  }
0x43: {  	_ =	shalt  }
0x44: {  	_ =	shalt  }
0x45: {  	_ =	shalt  }
0x46: {  	_ =	shalt  }
0x47: {  	_ =	shalt  }
0x48: {  	_ =	shalt  }
0x49: {  	_ =	shalt  }
0x4a: {  	_ =	shalt  }
0x4b: {  	_ =	shalt  }
0x4c: {  	_ =	shalt  }
0x4d: {  	_ =	shalt  }
0x4e: {  	_ =	shalt  }
0x4f: {  	_ =	shalt  }
0x50: {  	_ =	shalt  }
0x51: {  	_ =	shalt  }
0x52: {  	_ =	shalt  }
0x53: {  	_ =	shalt  }
0x54: {  	_ =	shalt  }
0x55: {  	_ =	shalt  }
0x56: {  	_ =	shalt  }
0x57: {  	_ =	shalt  }
0x58: {  	_ =	shalt  }
0x59: {  	_ =	shalt  }
0x5a: {  	_ =	shalt  }
0x5b: {  	_ =	shalt  }
0x5c: {  	_ =	shalt  }
0x5d: {  	_ =	shalt  }
0x5e: {  	_ =	shalt  }
0x5f: {  	_ =	shalt  }
0x60: {  	_ =	shalt  }
0x61: {  	_ =	shalt  }
0x62: {  	_ =	shalt  }
0x63: {  	_ =	shalt  }
0x64: {  	_ =	shalt  }
0x65: {  	_ =	shalt  }
0x66: {  	_ =	shalt  }
0x67: {  	_ =	shalt  }
0x68: {  	_ =	shalt  }
0x69: {  	_ =	shalt  }
0x6a: {  	_ =	shalt  }
0x6b: {  	_ =	shalt  }
0x6c: {  	_ =	shalt  }
0x6d: {  	_ =	shalt  }
0x6e: {  	_ =	shalt  }
0x6f: {  	_ =	shalt  }
0x70: {  	_ =	shalt  }
0x71: {  	_ =	shalt  }
0x72: {  	_ =	shalt  }
0x73: {  	_ =	shalt  }
0x74: {  	_ =	shalt  }
0x75: {  	_ =	shalt  }
0x76: {  	_ =	shalt  }
0x77: {  	_ =	shalt  }
0x78: {  	_ =	shalt  }
0x79: {  	_ =	shalt  }
0x7a: {  	_ =	shalt  }
0x7b: {  	_ =	shalt  }
0x7c: {  	_ =	shalt  }
0x7d: {  	_ =	shalt  }
0x7e: {  	_ =	shalt  }
0x7f: {  	_ =	shalt  }
0x80: {  	_ =	shalt  }
0x81: {  	_ =	shalt  }
0x82: {  	_ =	shalt  }
0x83: {  	_ =	shalt  }
0x84: {  	_ =	shalt  }
0x85: {  	_ =	shalt  }
0x86: {  	_ =	shalt  }
0x87: {  	_ =	shalt  }
.Lfunc_end0:
.L_simem_size_0:
called_computation.1_lowered:
.L_overlay_start_0:
0x88: {  	s2 =	sld [smem:$0x3FD9]  }
0x89: {  	s3 =	sld [smem:$0x3FFE];
	_ =	sdelay $0x1  }
0x8a: {  	s1 =	srdreg.scid  }
0x8b: {  	s0 =	sand.u32 $0x1, s1  }
0x8c: {  	s17 =	sshll.u32 s0, $0xA;
	s2 =	sadd.s32 s3, s2  }
0x8d: {  	s2 =	sadd.s32 s2, s17  }
0x8e: {  	[smem:$0x3FC2] =	sst s2  }
0x8f: {  	_ = 	snop  }
0x90: {  	s2 =	sld [smem:$0x3FD0];
	(tm) =	ssettm $0x1  }
0x91: {  	s18 =	sld [smem:$0x3FFB];
	_ =	sdelay $0x3  }
0x92: {  	_ =	strace s18  }
0x93: {  	s3 =	sld [smem:$0x3FFC];
	_ =	sdelay $0x3  }
0x94: {  	_ =	strace s3  }
0x95: {  	s3 =	sld [smem:$0x3FFD];
	_ =	sdelay $0x3  }
0x96: {  	_ =	strace s3  }
0x97: {  	_ =	strace $0x8FFFFFFF  }
0x98: {  	s19 =	sld [smem:$0x3FDB];
	_ =	sdelay $0x1  }
0x99: {  	s4 =	simm.s32 $_scs_section_size  }
0x9a: {  	s5 =	simm.s32 $_size__tile_overlayer_lowered;
	s6 =	simm.s32 $_tile_overlayer_lowered  }
0x9b: {  	s22 =	simm.s32 $0x1BFF;
	s21 =	sshll.u32 s6, $0x1;
	s3 =	sadd.s32 s4, s19  }
0x9c: {  	s7 =	simm.s32 $0x0;
	s20 =	sshll.u32 s5, $0x1;
	s5 =	sadd.s32 s21, s3  }
0x9d: {  	[timem:s7], [sflag:s22] =	dma.local [hbm:s5], s20  }
0x9e: {  	_ =	swait.ge [sflag:s22], s20  }
0x9f: {  	s4 =	ssub.s32 $0x0, s20;
	[sflag:s22] =	ssyncset.done $0x0  }
0xa0: {  	[sflag:s22] =	ssyncadd.s32 s4;
	_ =	sdelay $0x1  }
0xa1: {  	s23 =	simm.s32 $0x1B8B  }
0xa2: {  	_ =	swait.ge [sflag:s23], $0x1  }
0xa3: {  	[sflag:s23] =	ssyncset.done $0x0  }
0xa4: {  	s25 =	simm.s32 $0x1B8E;
	s24 =	sld [smem:$0x3FFE];
	[sflag:s23] =	ssyncadd.s32 $0xFFFFFFFF  }
0xa5: {  	s26 =	simm.s32 $execute0_lowered;
	[smem:$0x3FD2] =	sst s25  }
0xa6: {  	s5 =	sshll.u32 s26, $0x1;
	_ =	strace $0x80000049;
	[dreg:$0x1] =	wrdreg $0xFFFFFFFF  }
0xa7: {  	s28 =	simm.s32 $_size_execute0_lowered;
	s3 =	sadd.s32 s3, s5;
	[dreg:$0x0] =	wrdreg $0x0  }
0xa8: {  	s5 =	sshll.u32 s28, $0x1;
	[dreg:$0x2] =	wrdreg s3  }
0xa9: {  	[dreg:$0x3] =	wrdreg s5  }
0xaa: {  	[dreg:$0x4] =	wrdreg $0xC0  }
0xab: {  	_ =	task [dreg:s7], $0x5FFFF  }
0xac: {  	[dreg:$0x1] =	wrdreg $0xFFFFFFFF  }
0xad: {  	[dreg:$0x0] =	wrdreg $0x60  }
0xae: {  	[dreg:$0x2] =	wrdreg s24  }
0xaf: {  	[dreg:$0x3] =	wrdreg s2  }
0xb0: {  	[dreg:$0x4] =	wrdreg $0x69000  }
0xb1: {  	[dreg:$0x5] =	wrdreg $0x9  }
0xb2: {  	_ =	task.clear_ibuf [dreg:s7], $0x6FFFF;
	_ =	strace $0x90000049  }
0xb3: {  	s29 =	simm.s32 $0x9;
	_ =	strace $0x8000004B  }
0xb4: {  	_ =	swait.ge [sflag:s29], $0x1  }
0xb5: {  	[sflag:s29] =	ssyncadd.s32 $0xFFFFFFFF  }
0xb6: {  	_ =	strace $0x9000004B  }
0xb7: {  	_ =	sfence  }
0xb8: {  	s30 =	sld [smem:$0x0];
	_ =	sdelay $0x2  }
0xb9: {  	s31 =	sshll.u32 s1, $0xD;
	s1 =	sshrl.u32 s1, $0x2  }
0xba: {  	s3 =	sand.u32 $0x4000, s31;
	s1 =	sadd.s32 s1, s30  }
0xbb: {  	s0 =	sor.u32 s3, s0;
	s1 =	sshll.u32 s1, $0x11  }
0xbc: {  	s0 =	sor.u32 s1, s0  }
0xbd: {  	s0 =	sadd.s32 $0x8F2B, s0  }
0xbe: {  	[sflag:s0] =	ssyncadd.remote.s32 $0x1  }
0xbf: {  	_ =	sfence.sel $0xFFFF  }
0xc0: {  	[dreg:$0x0] =	wrdreg $0xFFFFFFFF;
	(pc) =	sbr.abs _section_cstart, $3  }
0xc1: {  	[dreg:$0x1] =	wrdreg $0xFFFFFFFF  }
0xc2: {  	_ =	task.clear_ibuf [dreg:s7], $0x2FFFF;
	_ =	strace $0x9FFFFFFF  }
0xc3: {  	(tm) =	ssettm $0x7FFFFFFF  }
tec
execute0_lowered:
.L_overlay_start_1:
0x0: {  	(tag) =	ssettag $0x1  }
0x1: {  	s4 =	rddreg [dreg:$0x0];
	s0 =	stileid.u32  }
0x2: {  	s12 =	rddreg [dreg:$0x1];
	s13 =	smul.u32 $0x9C4, s0  }
0x3: {  	s1 =	srdreg.scid;
	s7 =	smul.u32 $0x278, s0  }
0x4: {  	s2 =	rddreg [dreg:$0x2];
	s3 =	simm.s32 $0x0;
	s8 =	smul.u32 $0x4F000, s0  }
0x5: {  	s5 =	sand.u32 $0x1, s1;
	[smem:$0x7FF] =	sst s3;
	s19 =	smul.u32 $0x2780, s0  }
0x6: {  	s1 =	rddreg [dreg:$0x3];
	s6 =	smul.u32 $0x27800, s5;
	_ =	strace $0x8000004A  }
0x7: {  	s25 =	ssub.s32 $0x2, s5;
	s11 =	sadd.s32 s13, s4;
	s14 =	sadd.s32 $0x80, s7  }
0x8: {  	s5 =	sshrl.u32 s25, $0x1;
	s26 =	sshrl.u32 s8, $0x2;
	s16 =	sadd.s32 $0x100, s7  }
0x9: {  	s17 =	sadd.s32 $0x180, s7;
	s18 =	sadd.s32 $0x200, s7;
	s12 =	sadd.s32 s13, s12  }
0xa: {  	s13 =	simm.s32 $0x2900;
	s10 =	sadd.s32 s6, s4;
	s28 =	sshll.u32 s14, $0x7  }
0xb: {  	s15 =	ssub.s32 s25, s5;
	s4 =	sadd.s32 s26, s2;
	s29 =	sshll.u32 s16, $0x7  }
0xc: {  	s30 =	sshll.u32 s17, $0x7;
	s31 =	sshll.u32 s18, $0x7;
	s20 =	sshll.u32 s14, $0x4  }
0xd: {  	s21 =	sshll.u32 s16, $0x4;
	s23 =	sshll.u32 s17, $0x4;
	s24 =	sshll.u32 s18, $0x4  }
0xe: {  	s11 =	sadd.s32 $0x1E00, s11;
	s14 =	simm.s32 $0x1;
	s16 =	simm.s32 $0x50  }
0xf: {  	s17 =	simm.s32 $0x100;
	s5 =	sadd.s32 s28, s2;
	s6 =	sadd.s32 s29, s2  }
0x10: {  	s7 =	sadd.s32 s30, s2;
	s8 =	sadd.s32 s31, s2;
	s9 =	sadd.s32 $0xBC00, s10  }
0x11: {  	s22 =	sadd.s32 $0x5AC00, s10;
	s10 =	smax.u32 s15, $0x1;
	s15 =	simm.s32 $0x80  }
0x12: {  	s18 =	sadd.s32 s19, s22;
	s19 =	sadd.s32 s20, s22;
	s20 =	sadd.s32 s21, s22  }
0x13: {  	v0 =	vimm.f32 $0.0e+00;
	s21 =	sadd.s32 s23, s22;
	s22 =	sadd.s32 s24, s22;
	s23 =	simm.s32 $0x0  }
.LBB2_1:
0x14: {  	s24 =	sand.u32 $0xFE00, s3  }
0x15: {  	s25 =	sand.u32 $0x70, s3;
	s26 =	sshrl.u32 s24, $0x2  }
0x16: {  	s24 =	simm.s32 $0x40;
	s26 =	sor.u32 s25, s26;
	s25 =	simm.s32 $0x0  }
.LBB2_2:
0x17: {  	p0 =	sne.s32 s24, $0xFFC0  }
0x18: {  	[tilespmem:s26+$0x2900] =	vst v0;
	s25 =	sadd.s32 $0x10, s25;
	s26 =	smov.u32 s24;
	s24 =	sadd.s32 $0x40, s24  }
.Ltmp0:
0x19: {  	(pc) =	sbr.rel @p0 .LBB2_2-.Ltmp0, $4  }
0x1a: {  	_ = 	snop  }
0x1b: {  	s26 =	sand.u32 $0xFE00, s26  }
0x1c: {  	s28 =	sand.u32 $0x70, s25;
	s26 =	sshrl.u32 s26, $0x2  }
0x1d: {  	s26 =	sor.u32 s28, s26  }
0x1e: {  	[tilespmem:s26+$0x2900] =	vst v0  }
0x1f: {  	[spmem:s4] =	stream.linear.scatter [tilespmem:s13], [sflag:$0x1], $0x4000, $0x38;
	[tilespmem:$0x1A500] =	vst v63  }
0x20: {  	_ =	swait.ge [sflag:s14], $0x4000  }
0x21: {  	[sflag:s14] =	ssyncset.done $0x0  }
0x22: {  	[sflag:s14] =	ssyncadd.s32 $0xFFFFC000  }
0x23: {  	[spmem:s5] =	stream.linear.scatter [tilespmem:s13], [sflag:$0x1], $0x4000, $0x38;
	[tilespmem:$0x1A500] =	vst v63  }
0x24: {  	_ =	swait.ge [sflag:s14], $0x4000  }
0x25: {  	[sflag:s14] =	ssyncset.done $0x0  }
0x26: {  	[sflag:s14] =	ssyncadd.s32 $0xFFFFC000  }
0x27: {  	[spmem:s6] =	stream.linear.scatter [tilespmem:s13], [sflag:$0x1], $0x4000, $0x38;
	[tilespmem:$0x1A500] =	vst v63  }
0x28: {  	_ =	swait.ge [sflag:s14], $0x4000  }
0x29: {  	[sflag:s14] =	ssyncset.done $0x0  }
0x2a: {  	[sflag:s14] =	ssyncadd.s32 $0xFFFFC000  }
0x2b: {  	[spmem:s7] =	stream.linear.scatter [tilespmem:s13], [sflag:$0x1], $0x4000, $0x38;
	[tilespmem:$0x1A500] =	vst v63  }
0x2c: {  	_ =	swait.ge [sflag:s14], $0x4000  }
0x2d: {  	[sflag:s14] =	ssyncset.done $0x0  }
0x2e: {  	[sflag:s14] =	ssyncadd.s32 $0xFFFFC000  }
0x2f: {  	[spmem:s8] =	stream.linear.scatter [tilespmem:s13], [sflag:$0x1], $0x3C00, $0x38;
	[tilespmem:$0x1A500] =	vst v63  }
0x30: {  	_ =	swait.ge [sflag:s14], $0x3C00  }
0x31: {  	[sflag:s14] =	ssyncset.done $0x0  }
0x32: {  	[sflag:s14] =	ssyncadd.s32 $0xFFFFC400  }
0x33: {  	s24 =	sadd.s32 $0x0, s12;
	[bflag:$0x0] =	sbarrier.arrive $0xFFFF  }
0x34: {  	[tilespmem:s3], [sflag:$0x1] =	stream.linear.gather [hbm4b:s24+s3], $0x50, $0x38;
	[tilespmem:$0x1A500] =	vst v63  }
0x35: {  	_ =	swait.ge [sflag:s14], $0x50  }
0x36: {  	[sflag:s14] =	ssyncset.done $0x0  }
0x37: {  	s31 =	sadd.s32 $0x0, s11;
	[sflag:s14] =	ssyncadd.s32 $0xFFFFFFB0  }
0x38: {  	[tilespmem:s15], [sflag:$0x1] =	stream.linear.gather [hbm4b:s31+s3], $0x50, $0x38;
	[tilespmem:$0x1A500] =	vst v63  }
0x39: {  	_ =	swait.ge [sflag:s14], $0x50  }
0x3a: {  	[sflag:s14] =	ssyncset.done $0x0  }
0x3b: {  	[sflag:s14] =	ssyncadd.s32 $0xFFFFFFB0  }
0x3c: {  	[tilespmem:s17], [sflag:$0x1] =	stream.indirect.gather [hbm4b:s9+s16], $0x80, s3, s16, $0xb8;
	[tilespmem:$0x1A500] =	vst v63  }
0x3d: {  	_ =	swait.ge [sflag:s14], $0x2800  }
0x3e: {  	[sflag:s14] =	ssyncset.done $0x0  }
0x3f: {  	[sflag:s14] =	ssyncadd.s32 $0xFFFFD800  }
0x40: {  	[spmem:s2] =	stream.indirect.scatter.add.f32 [tilespmem:s17], [sflag:$0x1], $0x80, s15, s16, $0xb8;
	[tilespmem:$0x1A500] =	vst v63  }
0x41: {  	_ =	swait.ge [sflag:s14], $0x2800  }
0x42: {  	s25 =	simm.s32 $0x14;
	s24 =	simm.s32 $0xA;
	[sflag:s14] =	ssyncset.done $0x0  }
.LBB2_4:
0x43: {  	s26 =	sadd.s32 s24, s12  }
0x44: {  	[sflag:s14] =	ssyncadd.s32 $0xFFFFD800;
	s28 =	smov.u32 s25;
	s29 =	sadd.s32 $0xA, s25  }
0x45: {  	[tilespmem:s3], [sflag:$0x1] =	stream.linear.gather [hbm4b:s26+s3], $0x50, $0x38;
	[tilespmem:$0x1A500] =	vst v63  }
0x46: {  	p0 =	sne.s32 s25, $0x9BA;
	_ =	swait.ge [sflag:s14], $0x50  }
0x47: {  	[sflag:s14] =	ssyncset.done $0x0  }
0x48: {  	s25 =	sadd.s32 s24, s11;
	s24 =	smov.u32 s28;
	[sflag:s14] =	ssyncadd.s32 $0xFFFFFFB0  }
0x49: {  	[tilespmem:s15], [sflag:$0x1] =	stream.linear.gather [hbm4b:s25+s3], $0x50, $0x38;
	[tilespmem:$0x1A500] =	vst v63  }
0x4a: {  	_ =	swait.ge [sflag:s14], $0x50  }
0x4b: {  	[sflag:s14] =	ssyncset.done $0x0  }
0x4c: {  	[sflag:s14] =	ssyncadd.s32 $0xFFFFFFB0  }
0x4d: {  	[tilespmem:s17], [sflag:$0x1] =	stream.indirect.gather [hbm4b:s9+s16], $0x80, s3, s16, $0xb8;
	[tilespmem:$0x1A500] =	vst v63  }
0x4e: {  	_ =	swait.ge [sflag:s14], $0x2800  }
.Ltmp1:
0x4f: {  	[sflag:s14] =	ssyncset.done $0x0;
	(pc) =	sbr.rel @p0 .LBB2_4-.Ltmp1, $4  }
0x50: {  	[sflag:s14] =	ssyncadd.s32 $0xFFFFD800  }
0x51: {  	[spmem:s2] =	stream.indirect.scatter.add.f32 [tilespmem:s17], [sflag:$0x1], $0x80, s15, s16, $0xb8;
	[tilespmem:$0x1A500] =	vst v63  }
0x52: {  	_ =	swait.ge [sflag:s14], $0x2800  }
0x53: {  	s25 =	smov.u32 s29;
	[sflag:s14] =	ssyncset.done $0x0  }
0x54: {  	s25 =	sadd.s32 s24, s12;
	[sflag:s14] =	ssyncadd.s32 $0xFFFFD800  }
0x55: {  	[tilespmem:s3], [sflag:$0x1] =	stream.linear.gather [hbm4b:s25+s3], $0x50, $0x38;
	[tilespmem:$0x1A500] =	vst v63  }
0x56: {  	_ =	swait.ge [sflag:s14], $0x50  }
0x57: {  	[sflag:s14] =	ssyncset.done $0x0  }
0x58: {  	s31 =	sadd.s32 s24, s11;
	[sflag:s14] =	ssyncadd.s32 $0xFFFFFFB0  }
0x59: {  	[tilespmem:s15], [sflag:$0x1] =	stream.linear.gather [hbm4b:s31+s3], $0x50, $0x38;
	[tilespmem:$0x1A500] =	vst v63  }
0x5a: {  	_ =	swait.ge [sflag:s14], $0x50  }
0x5b: {  	[sflag:s14] =	ssyncset.done $0x0  }
0x5c: {  	[sflag:s14] =	ssyncadd.s32 $0xFFFFFFB0  }
0x5d: {  	[tilespmem:s17], [sflag:$0x1] =	stream.indirect.gather [hbm4b:s9+s16], $0x80, s3, s16, $0xb8;
	[tilespmem:$0x1A500] =	vst v63  }
0x5e: {  	_ =	swait.ge [sflag:s14], $0x2800  }
0x5f: {  	[sflag:s14] =	ssyncset.done $0x0  }
0x60: {  	[sflag:s14] =	ssyncadd.s32 $0xFFFFD800  }
0x61: {  	[spmem:s2] =	stream.indirect.scatter.add.f32 [tilespmem:s17], [sflag:$0x1], $0x80, s15, s16, $0xb8;
	[tilespmem:$0x1A500] =	vst v63  }
0x62: {  	_ =	swait.ge [sflag:s14], $0x2800  }
0x63: {  	[sflag:s14] =	ssyncset.done $0x0  }
0x64: {  	[sflag:s14] =	ssyncadd.s32 $0xFFFFD800  }
0x65: {  	[bflag:$0x0] =	sbarrier.arrive $0xFFFF  }
0x66: {  	[tilespmem:s13], [sflag:$0x1] =	stream.linear.gather [spmem:s4], $0x4000, $0x38;
	[tilespmem:$0x1A500] =	vst v63  }
0x67: {  	_ =	swait.ge [sflag:s14], $0x4000  }
0x68: {  	[sflag:s14] =	ssyncset.done $0x0  }
0x69: {  	[sflag:s14] =	ssyncadd.s32 $0xFFFFC000  }
0x6a: {  	[hbm4b:s18+s3] =	stream.linear.scatter [tilespmem:s13], [sflag:$0x1], $0x4000, $0x38;
	[tilespmem:$0x1A500] =	vst v63  }
0x6b: {  	_ =	swait.ge [sflag:s14], $0x4000  }
0x6c: {  	[sflag:s14] =	ssyncset.done $0x0  }
0x6d: {  	[sflag:s14] =	ssyncadd.s32 $0xFFFFC000  }
0x6e: {  	[tilespmem:s13], [sflag:$0x1] =	stream.linear.gather [spmem:s5], $0x4000, $0x38;
	[tilespmem:$0x1A500] =	vst v63  }
0x6f: {  	_ =	swait.ge [sflag:s14], $0x4000  }
0x70: {  	[sflag:s14] =	ssyncset.done $0x0  }
0x71: {  	[sflag:s14] =	ssyncadd.s32 $0xFFFFC000  }
0x72: {  	[hbm4b:s19+s3] =	stream.linear.scatter [tilespmem:s13], [sflag:$0x1], $0x4000, $0x38;
	[tilespmem:$0x1A500] =	vst v63  }
0x73: {  	_ =	swait.ge [sflag:s14], $0x4000  }
0x74: {  	[sflag:s14] =	ssyncset.done $0x0  }
0x75: {  	[sflag:s14] =	ssyncadd.s32 $0xFFFFC000  }
0x76: {  	[tilespmem:s13], [sflag:$0x1] =	stream.linear.gather [spmem:s6], $0x4000, $0x38;
	[tilespmem:$0x1A500] =	vst v63  }
0x77: {  	_ =	swait.ge [sflag:s14], $0x4000  }
0x78: {  	[sflag:s14] =	ssyncset.done $0x0  }
0x79: {  	[sflag:s14] =	ssyncadd.s32 $0xFFFFC000  }
0x7a: {  	[hbm4b:s20+s3] =	stream.linear.scatter [tilespmem:s13], [sflag:$0x1], $0x4000, $0x38;
	[tilespmem:$0x1A500] =	vst v63  }
0x7b: {  	_ =	swait.ge [sflag:s14], $0x4000  }
0x7c: {  	[sflag:s14] =	ssyncset.done $0x0  }
0x7d: {  	[sflag:s14] =	ssyncadd.s32 $0xFFFFC000  }
0x7e: {  	[tilespmem:s13], [sflag:$0x1] =	stream.linear.gather [spmem:s7], $0x4000, $0x38;
	[tilespmem:$0x1A500] =	vst v63  }
0x7f: {  	_ =	swait.ge [sflag:s14], $0x4000  }
0x80: {  	[sflag:s14] =	ssyncset.done $0x0  }
0x81: {  	[sflag:s14] =	ssyncadd.s32 $0xFFFFC000  }
0x82: {  	[hbm4b:s21+s3] =	stream.linear.scatter [tilespmem:s13], [sflag:$0x1], $0x4000, $0x38;
	[tilespmem:$0x1A500] =	vst v63  }
0x83: {  	_ =	swait.ge [sflag:s14], $0x4000  }
0x84: {  	[sflag:s14] =	ssyncset.done $0x0  }
0x85: {  	[sflag:s14] =	ssyncadd.s32 $0xFFFFC000  }
0x86: {  	[tilespmem:s13], [sflag:$0x1] =	stream.linear.gather [spmem:s8], $0x3C00, $0x38;
	[tilespmem:$0x1A500] =	vst v63  }
0x87: {  	s23 =	sadd.s32 $0x1, s23;
	_ =	swait.ge [sflag:s14], $0x3C00  }
0x88: {  	p0 =	sne.s32 s23, s10;
	[sflag:s14] =	ssyncset.done $0x0  }
.Ltmp2:
0x89: {  	[sflag:s14] =	ssyncadd.s32 $0xFFFFC400;
	(pc) =	sbr.rel @p0 .LBB2_1-.Ltmp2, $4  }
0x8a: {  	[hbm4b:s22+s3] =	stream.linear.scatter [tilespmem:s13], [sflag:$0x1], $0x3C00, $0x38;
	[tilespmem:$0x1A500] =	vst v63  }
0x8b: {  	_ =	swait.ge [sflag:s14], $0x3C00  }
0x8c: {  	[sflag:s14] =	ssyncset.done $0x0  }
0x8d: {  	[sflag:s14] =	ssyncadd.s32 $0xFFFFC400  }
0x8e: {  	_ =	sfence.sel $0x180000  }
0x8f: {  	[bflag:$0x0] =	sbarrier.arrive $0xFFFF  }
0x90: {  	p0 =	sne.s32 s0, $0x0;
	_ =	strace $0x9000004A  }
0x91: {  	s0 =	sadd.s32 @!p0 $0x100000, s1;
	[bflag:$0x2] =	sbarrier.arrive $0xFFFF  }
0x92: {  	[sflag:s0] =	ssyncadd.tile.s32 @!p0 $0x1;
	_ =	shalt  }
.Lfunc_end2:
_tile_overlayer_lowered:
.L_overlay_start_2:
0x93: {  	(tag) =	ssettag $0x2  }
0x94: {  	s0 =	rddreg [dreg:$0x0];
	s2 =	stileid.u32  }
0x95: {  	s1 =	rddreg [dreg:$0x1];
	p0 =	sne.s32 s2, $0x0  }
0x96: {  	s3 =	rddreg [dreg:$0x2];
	[bflag:$0x3] =	sbarrier.arrive $0xFFFF;
	s2 =	simm.s32 @!p0 $0x1C01  }
0x97: {  	[timem:s3], [sflag:s2] =	dma.local @!p0 [hbm:s0], s1  }
0x98: {  	s0 =	simm.s32 @!p0 $0x1  }
0x99: {  	_ =	swait.ge @!p0 [sflag:s0], s1  }
0x9a: {  	s1 =	ssub.s32 @!p0 $0x0, s1;
	[sflag:s0] =	ssyncset.done @!p0 $0x0  }
0x9b: {  	[sflag:s0] =	ssyncadd.s32 @!p0 s1  }
0x9c: {  	[bflag:$0x3] =	sbarrier.arrive $0xFFFF  }
0x9d: {  	_ =	shalt  }

// kernel: kernel.14.cloned.1.call-start
scs
__scs_entry_jumppad:
0x0: {  	(pc) =	sbr.rel $0x88, $3  }
0x1: {  	(tag) =	ssettag $0x0;
	lr =	simm.s32 $0x1  }
0x2: {  	[smem:$0x3F9B] =	sst lr;
	_ =	strace $0xD0000000  }
0x3: {  	_ = 	snop  }
0x4: {  	_ = 	snop  }
0x5: {  	_ = 	snop  }
0x6: {  	_ = 	snop  }
0x7: {  	_ = 	snop  }
__scs_overlays_trampoline_lowered:
0x8: {  	[smem:$0x3FAA] =	sst s0  }
0x9: {  	[smem:$0x3FAB] =	sst s1  }
0xa: {  	[smem:$0x3FAC] =	sst s2  }
0xb: {  	[smem:$0x3FAD] =	sst s3  }
0xc: {  	[smem:$0x3FAE] =	sst s4  }
0xd: {  	[smem:$0x3FAF] =	sst s5  }
0xe: {  	[smem:$0x3FB0] =	sst s6  }
0xf: {  	[smem:$0x3FB1] =	sst s7  }
0x10: {  	[smem:$0x3FB2] =	sst s8  }
0x11: {  	[smem:$0x3FB3] =	sst s9;
	s0 =	simm.s32 @!p0 $0x0  }
0x12: {  	s1 =	sld [smem:$0x3F99];
	s0 =	simm.s32 @p0 $0x1  }
0x13: {  	[smem:$0x3FB4] =	sst s0;
	s0 =	simm.s32 @!p1 $0x0  }
0x14: {  	s2 =	sld [smem:$0x3F98];
	s0 =	simm.s32 @p1 $0x1  }
0x15: {  	[smem:$0x3FB5] =	sst s0;
	s0 =	simm.s32 @!p2 $0x0  }
0x16: {  	s3 =	sld [smem:$0x3FDB];
	s0 =	simm.s32 @p2 $0x1  }
0x17: {  	s4 =	simm.s32 $0x1BF5;
	[smem:$0x3FB7] =	sst s0  }
0x18: {  	s0 =	sld [smem:$0x3F9A];
	_ =	swait.ge [sflag:s4], $0x0  }
0x19: {  	s7 =	sld [smem:$0x3F9B]  }
0x1a: {  	s8 =	sadd.s32 $0xFFFFE003, lr  }
0x1b: {  	s9 =	sadd.s32 $0xFFFFFEF7, lr;
	s5 =	simm.s32 $0xFFFFFFFF;
	p2 =	slt.u32 s8, $0xFFFFF086  }
0x1c: {  	p1 =	slt.u32 s9, $0xF7A;
	s5 =	simm.s32 @!p2 $0x0  }
0x1d: {  	s5 =	simm.s32 @p1 $0x1;
	p0 =	seq.s32 s7, s2  }
0x1e: {  	s7 =	smul.u32 @!p0 $0xF7A, s2;
	p2 =	seq.s32 @!p0 s5, $0x0  }
0x1f: {  	s9 =	smul.u32 $0xF7A, s1;
	s8 =	simm.s32 @!p0 $0x1BF5;
	p2 =	por !p2, p0  }
0x20: {  	[sflag:s8] =	ssyncset.s32 @!p0 $0xFFFFF086;
	s6 =	sadd.s32 @!p0 s3, s7;
	s7 =	simm.s32 @!p0 $0x108  }
0x21: {  	s3 =	sadd.s32 s3, s9;
	s6 =	sadd.s32 @!p0 $0x88, s6;
	s7 =	simm.s32 @p2 $0x1082  }
0x22: {  	[simem:s7], [sflag:s8] =	dma.local @!p0 [hbm:s6], $0xF7A  }
0x23: {  	s9 =	sor.u32 $0xD0000000, s2;
	s6 =	simm.s32 $0x108;
	_ =	swait.ge @!p0 [sflag:s8], $0x0  }
0x24: {  	s3 =	sadd.s32 $0x88, s3;
	s6 =	simm.s32 @!p1 $0x1082;
	[sflag:s4] =	ssyncset.s32 $0xFFFFF086  }
0x25: {  	[simem:s6], [sflag:s4] =	dma.local [hbm:s3], $0xF7A  }
0x26: {  	[smem:$0x3F9B] =	sst s1;
	(tag) =	ssettag s2;
	_ =	strace s9  }
0x27: {  	s1 =	sld [smem:$0x3FAB]  }
0x28: {  	s2 =	sld [smem:$0x3FAC]  }
0x29: {  	s4 =	sld [smem:$0x3FAE]  }
0x2a: {  	p0 =	seq.s32 s5, $0x0;
	s5 =	sld [smem:$0x3FAF]  }
0x2b: {  	s6 =	sld [smem:$0x3FB0]  }
0x2c: {  	s7 =	sld [smem:$0x3FB1]  }
0x2d: {  	s3 =	simm.s32 $0x108;
	s8 =	sld [smem:$0x3FB2]  }
0x2e: {  	s3 =	simm.s32 @!p0 $0x1082;
	s9 =	sld [smem:$0x3FB3]  }
0x2f: {  	lr =	sadd.s32 s0, s3;
	s0 =	sld [smem:$0x3FAA]  }
0x30: {  	s3 =	sld [smem:$0x3FAD]  }
0x31: {  	[smem:$0x3FB6] =	sst s10  }
0x32: {  	s10 =	sld [smem:$0x3FB4];
	_ =	sdelay $0x3  }
0x33: {  	p0 =	seq.s32 s10, $0x1;
	s10 =	sld [smem:$0x3FB6];
	_ =	sdelay $0x3  }
0x34: {  	[smem:$0x3FB6] =	sst s10  }
0x35: {  	s10 =	sld [smem:$0x3FB5];
	_ =	sdelay $0x3  }
0x36: {  	p1 =	seq.s32 s10, $0x1;
	s10 =	sld [smem:$0x3FB6];
	_ =	sdelay $0x3  }
0x37: {  	[smem:$0x3FB6] =	sst s10  }
0x38: {  	s10 =	sld [smem:$0x3FB7]  }
0x39: {  	_ = 	snop;
	(pc) =	sbr.ind lr, $3  }
0x3a: {  	_ = 	snop  }
0x3b: {  	_ = 	snop  }
0x3c: {  	p2 =	seq.s32 s10, $0x1;
	s10 =	sld [smem:$0x3FB6]  }
0x3d: {  	_ =	shalt  }
0x3e: {  	_ =	shalt  }
0x3f: {  	_ =	shalt  }
0x40: {  	_ =	shalt  }
0x41: {  	_ =	shalt  }
0x42: {  	_ =	shalt  }
0x43: {  	_ =	shalt  }
0x44: {  	_ =	shalt  }
0x45: {  	_ =	shalt  }
0x46: {  	_ =	shalt  }
0x47: {  	_ =	shalt  }
0x48: {  	_ =	shalt  }
0x49: {  	_ =	shalt  }
0x4a: {  	_ =	shalt  }
0x4b: {  	_ =	shalt  }
0x4c: {  	_ =	shalt  }
0x4d: {  	_ =	shalt  }
0x4e: {  	_ =	shalt  }
0x4f: {  	_ =	shalt  }
0x50: {  	_ =	shalt  }
0x51: {  	_ =	shalt  }
0x52: {  	_ =	shalt  }
0x53: {  	_ =	shalt  }
0x54: {  	_ =	shalt  }
0x55: {  	_ =	shalt  }
0x56: {  	_ =	shalt  }
0x57: {  	_ =	shalt  }
0x58: {  	_ =	shalt  }
0x59: {  	_ =	shalt  }
0x5a: {  	_ =	shalt  }
0x5b: {  	_ =	shalt  }
0x5c: {  	_ =	shalt  }
0x5d: {  	_ =	shalt  }
0x5e: {  	_ =	shalt  }
0x5f: {  	_ =	shalt  }
0x60: {  	_ =	shalt  }
0x61: {  	_ =	shalt  }
0x62: {  	_ =	shalt  }
0x63: {  	_ =	shalt  }
0x64: {  	_ =	shalt  }
0x65: {  	_ =	shalt  }
0x66: {  	_ =	shalt  }
0x67: {  	_ =	shalt  }
0x68: {  	_ =	shalt  }
0x69: {  	_ =	shalt  }
0x6a: {  	_ =	shalt  }
0x6b: {  	_ =	shalt  }
0x6c: {  	_ =	shalt  }
0x6d: {  	_ =	shalt  }
0x6e: {  	_ =	shalt  }
0x6f: {  	_ =	shalt  }
0x70: {  	_ =	shalt  }
0x71: {  	_ =	shalt  }
0x72: {  	_ =	shalt  }
0x73: {  	_ =	shalt  }
0x74: {  	_ =	shalt  }
0x75: {  	_ =	shalt  }
0x76: {  	_ =	shalt  }
0x77: {  	_ =	shalt  }
0x78: {  	_ =	shalt  }
0x79: {  	_ =	shalt  }
0x7a: {  	_ =	shalt  }
0x7b: {  	_ =	shalt  }
0x7c: {  	_ =	shalt  }
0x7d: {  	_ =	shalt  }
0x7e: {  	_ =	shalt  }
0x7f: {  	_ =	shalt  }
0x80: {  	_ =	shalt  }
0x81: {  	_ =	shalt  }
0x82: {  	_ =	shalt  }
0x83: {  	_ =	shalt  }
0x84: {  	_ =	shalt  }
0x85: {  	_ =	shalt  }
0x86: {  	_ =	shalt  }
0x87: {  	_ =	shalt  }
.Lfunc_end0:
.L_simem_size_0:
called_computation.2_lowered:
.L_overlay_start_0:
0x88: {  	s2 =	sld [smem:$0x3FD9]  }
0x89: {  	s3 =	sld [smem:$0x3FFE];
	_ =	sdelay $0x1  }
0x8a: {  	s1 =	srdreg.scid  }
0x8b: {  	s0 =	sand.u32 $0x1, s1  }
0x8c: {  	s17 =	sshll.u32 s0, $0xA;
	s2 =	sadd.s32 s3, s2  }
0x8d: {  	s2 =	sadd.s32 s2, s17  }
0x8e: {  	[smem:$0x3FC2] =	sst s2  }
0x8f: {  	_ = 	snop  }
0x90: {  	s2 =	sld [smem:$0x3FD0];
	(tm) =	ssettm $0x1  }
0x91: {  	s18 =	sld [smem:$0x3FFB];
	_ =	sdelay $0x3  }
0x92: {  	_ =	strace s18  }
0x93: {  	s3 =	sld [smem:$0x3FFC];
	_ =	sdelay $0x3  }
0x94: {  	_ =	strace s3  }
0x95: {  	s3 =	sld [smem:$0x3FFD];
	_ =	sdelay $0x3  }
0x96: {  	_ =	strace s3  }
0x97: {  	_ =	strace $0x8FFFFFFF  }
0x98: {  	s19 =	sld [smem:$0x3FDB];
	_ =	sdelay $0x1  }
0x99: {  	s4 =	simm.s32 $_scs_section_size  }
0x9a: {  	s5 =	simm.s32 $_size__tile_overlayer_lowered;
	s6 =	simm.s32 $_tile_overlayer_lowered  }
0x9b: {  	s22 =	simm.s32 $0x1BFF;
	s21 =	sshll.u32 s6, $0x1;
	s3 =	sadd.s32 s4, s19  }
0x9c: {  	s7 =	simm.s32 $0x0;
	s20 =	sshll.u32 s5, $0x1;
	s5 =	sadd.s32 s21, s3  }
0x9d: {  	[timem:s7], [sflag:s22] =	dma.local [hbm:s5], s20  }
0x9e: {  	_ =	swait.ge [sflag:s22], s20  }
0x9f: {  	s4 =	ssub.s32 $0x0, s20;
	[sflag:s22] =	ssyncset.done $0x0  }
0xa0: {  	[sflag:s22] =	ssyncadd.s32 s4;
	_ =	sdelay $0x1  }
0xa1: {  	s23 =	simm.s32 $0x1B8B  }
0xa2: {  	_ =	swait.ge [sflag:s23], $0x1  }
0xa3: {  	[sflag:s23] =	ssyncset.done $0x0  }
0xa4: {  	s25 =	simm.s32 $0x1B8E;
	s24 =	sld [smem:$0x3FFE];
	[sflag:s23] =	ssyncadd.s32 $0xFFFFFFFF  }
0xa5: {  	s26 =	simm.s32 $execute0_lowered;
	[smem:$0x3FD2] =	sst s25  }
0xa6: {  	s5 =	sshll.u32 s26, $0x1;
	_ =	strace $0x8000004C;
	[dreg:$0x1] =	wrdreg $0xFFFFFFFF  }
0xa7: {  	s28 =	simm.s32 $_size_execute0_lowered;
	s3 =	sadd.s32 s3, s5;
	[dreg:$0x0] =	wrdreg $0x0  }
0xa8: {  	s5 =	sshll.u32 s28, $0x1;
	[dreg:$0x2] =	wrdreg s3  }
0xa9: {  	[dreg:$0x3] =	wrdreg s5  }
0xaa: {  	[dreg:$0x4] =	wrdreg $0xC0  }
0xab: {  	_ =	task [dreg:s7], $0x5FFFF  }
0xac: {  	[dreg:$0x1] =	wrdreg $0xFFFFFFFF  }
0xad: {  	[dreg:$0x0] =	wrdreg $0x60  }
0xae: {  	[dreg:$0x2] =	wrdreg s24  }
0xaf: {  	[dreg:$0x3] =	wrdreg s2  }
0xb0: {  	[dreg:$0x4] =	wrdreg $0x69000  }
0xb1: {  	[dreg:$0x5] =	wrdreg $0x9  }
0xb2: {  	_ =	task.clear_ibuf [dreg:s7], $0x6FFFF;
	_ =	strace $0x9000004C  }
0xb3: {  	s29 =	simm.s32 $0x9;
	_ =	strace $0x8000004E  }
0xb4: {  	_ =	swait.ge [sflag:s29], $0x1  }
0xb5: {  	[sflag:s29] =	ssyncadd.s32 $0xFFFFFFFF  }
0xb6: {  	_ =	strace $0x9000004E  }
0xb7: {  	_ =	sfence  }
0xb8: {  	s30 =	sld [smem:$0x0];
	_ =	sdelay $0x2  }
0xb9: {  	s31 =	sshll.u32 s1, $0xD;
	s1 =	sshrl.u32 s1, $0x2  }
0xba: {  	s3 =	sand.u32 $0x4000, s31;
	s1 =	sadd.s32 s1, s30  }
0xbb: {  	s0 =	sor.u32 s3, s0;
	s1 =	sshll.u32 s1, $0x11  }
0xbc: {  	s0 =	sor.u32 s1, s0  }
0xbd: {  	s0 =	sadd.s32 $0x8F2B, s0  }
0xbe: {  	[sflag:s0] =	ssyncadd.remote.s32 $0x1  }
0xbf: {  	_ =	sfence.sel $0xFFFF  }
0xc0: {  	[dreg:$0x0] =	wrdreg $0xFFFFFFFF;
	(pc) =	sbr.abs _section_cstart, $3  }
0xc1: {  	[dreg:$0x1] =	wrdreg $0xFFFFFFFF  }
0xc2: {  	_ =	task.clear_ibuf [dreg:s7], $0x2FFFF;
	_ =	strace $0x9FFFFFFF  }
0xc3: {  	(tm) =	ssettm $0x7FFFFFFF  }
tec
execute0_lowered:
.L_overlay_start_1:
0x0: {  	(tag) =	ssettag $0x1  }
0x1: {  	s5 =	rddreg [dreg:$0x0];
	s0 =	stileid.u32  }
0x2: {  	s12 =	rddreg [dreg:$0x1];
	s4 =	smul.u32 $0x4E20, s0  }
0x3: {  	s1 =	srdreg.scid;
	s9 =	smul.u32 $0x278, s0  }
0x4: {  	s2 =	rddreg [dreg:$0x2];
	s3 =	simm.s32 $0x0;
	s26 =	smul.u32 $0x4F000, s0  }
0x5: {  	s6 =	sand.u32 $0x1, s1;
	s1 =	rddreg [dreg:$0x3];
	s19 =	smul.u32 $0x2780, s0  }
0x6: {  	[smem:$0x7FF] =	sst s3;
	s7 =	smul.u32 $0x2710, s6;
	s28 =	ssub.s32 $0x2, s6  }
0x7: {  	s8 =	smul.u32 $0x27800, s6;
	_ =	strace $0x8000004D;
	s6 =	sshrl.u32 s28, $0x1  }
0x8: {  	s14 =	sadd.s32 $0x80, s9;
	s16 =	sadd.s32 $0x100, s9;
	s17 =	sadd.s32 $0x180, s9  }
0x9: {  	s18 =	sadd.s32 $0x200, s9;
	s7 =	sadd.s32 s7, s4;
	s4 =	sadd.s32 $0xBC00, s5  }
0xa: {  	s10 =	sadd.s32 s8, s5;
	s15 =	ssub.s32 s28, s6;
	s29 =	sshll.u32 s14, $0x7  }
0xb: {  	s30 =	sshll.u32 s16, $0x7;
	s31 =	sshll.u32 s17, $0x7;
	s9 =	sshll.u32 s18, $0x7  }
0xc: {  	s20 =	sshll.u32 s14, $0x4;
	s21 =	sshll.u32 s16, $0x4;
	s23 =	sshll.u32 s17, $0x4  }
0xd: {  	s24 =	sshll.u32 s18, $0x4;
	s14 =	simm.s32 $0x1;
	s16 =	simm.s32 $0x50  }
0xe: {  	s17 =	simm.s32 $0x100;
	s13 =	sshrl.u32 s7, $0x3;
	s7 =	sshrl.u32 s26, $0x2  }
0xf: {  	s6 =	sadd.s32 s29, s2;
	s8 =	sadd.s32 s31, s2;
	s9 =	sadd.s32 s9, s2  }
0x10: {  	s22 =	sadd.s32 $0x33400, s10;
	s10 =	smax.u32 s15, $0x1;
	s15 =	simm.s32 $0x80  }
0x11: {  	s11 =	sadd.s32 s13, s5;
	s5 =	sadd.s32 s7, s2;
	s7 =	sadd.s32 s30, s2  }
0x12: {  	s12 =	sadd.s32 s13, s12;
	s13 =	simm.s32 $0x2900;
	s18 =	sadd.s32 s19, s22  }
0x13: {  	s19 =	sadd.s32 s20, s22;
	s20 =	sadd.s32 s21, s22;
	s21 =	sadd.s32 s23, s22  }
0x14: {  	v0 =	vimm.f32 $0.0e+00;
	s22 =	sadd.s32 s24, s22;
	s23 =	simm.s32 $0x0;
	s11 =	sadd.s32 $0x1E00, s11  }
.LBB2_1:
0x15: {  	s24 =	sand.u32 $0xFE00, s3  }
0x16: {  	s25 =	sand.u32 $0x70, s3;
	s26 =	sshrl.u32 s24, $0x2  }
0x17: {  	s24 =	simm.s32 $0x40;
	s26 =	sor.u32 s25, s26;
	s25 =	simm.s32 $0x0  }
.LBB2_2:
0x18: {  	p0 =	sne.s32 s24, $0xFFC0  }
0x19: {  	[tilespmem:s26+$0x2900] =	vst v0;
	s25 =	sadd.s32 $0x10, s25;
	s26 =	smov.u32 s24;
	s24 =	sadd.s32 $0x40, s24  }
.Ltmp0:
0x1a: {  	(pc) =	sbr.rel @p0 .LBB2_2-.Ltmp0, $4  }
0x1b: {  	_ = 	snop  }
0x1c: {  	s26 =	sand.u32 $0xFE00, s26  }
0x1d: {  	s28 =	sand.u32 $0x70, s25;
	s26 =	sshrl.u32 s26, $0x2  }
0x1e: {  	s26 =	sor.u32 s28, s26  }
0x1f: {  	[tilespmem:s26+$0x2900] =	vst v0  }
0x20: {  	[spmem:s5] =	stream.linear.scatter [tilespmem:s13], [sflag:$0x1], $0x4000, $0x38;
	[tilespmem:$0x1A500] =	vst v63  }
0x21: {  	_ =	swait.ge [sflag:s14], $0x4000  }
0x22: {  	[sflag:s14] =	ssyncset.done $0x0  }
0x23: {  	[sflag:s14] =	ssyncadd.s32 $0xFFFFC000  }
0x24: {  	[spmem:s6] =	stream.linear.scatter [tilespmem:s13], [sflag:$0x1], $0x4000, $0x38;
	[tilespmem:$0x1A500] =	vst v63  }
0x25: {  	_ =	swait.ge [sflag:s14], $0x4000  }
0x26: {  	[sflag:s14] =	ssyncset.done $0x0  }
0x27: {  	[sflag:s14] =	ssyncadd.s32 $0xFFFFC000  }
0x28: {  	[spmem:s7] =	stream.linear.scatter [tilespmem:s13], [sflag:$0x1], $0x4000, $0x38;
	[tilespmem:$0x1A500] =	vst v63  }
0x29: {  	_ =	swait.ge [sflag:s14], $0x4000  }
0x2a: {  	[sflag:s14] =	ssyncset.done $0x0  }
0x2b: {  	[sflag:s14] =	ssyncadd.s32 $0xFFFFC000  }
0x2c: {  	[spmem:s8] =	stream.linear.scatter [tilespmem:s13], [sflag:$0x1], $0x4000, $0x38;
	[tilespmem:$0x1A500] =	vst v63  }
0x2d: {  	_ =	swait.ge [sflag:s14], $0x4000  }
0x2e: {  	[sflag:s14] =	ssyncset.done $0x0  }
0x2f: {  	[sflag:s14] =	ssyncadd.s32 $0xFFFFC000  }
0x30: {  	[spmem:s9] =	stream.linear.scatter [tilespmem:s13], [sflag:$0x1], $0x3C00, $0x38;
	[tilespmem:$0x1A500] =	vst v63  }
0x31: {  	_ =	swait.ge [sflag:s14], $0x3C00  }
0x32: {  	[sflag:s14] =	ssyncset.done $0x0  }
0x33: {  	[sflag:s14] =	ssyncadd.s32 $0xFFFFC400  }
0x34: {  	s24 =	sadd.s32 $0x0, s12;
	[bflag:$0x0] =	sbarrier.arrive $0xFFFF  }
0x35: {  	[tilespmem:s3], [sflag:$0x1] =	stream.linear.gather [hbm4b:s24+s3], $0x50, $0x38;
	[tilespmem:$0x1A500] =	vst v63  }
0x36: {  	_ =	swait.ge [sflag:s14], $0x50  }
0x37: {  	[sflag:s14] =	ssyncset.done $0x0  }
0x38: {  	s31 =	sadd.s32 $0x0, s11;
	[sflag:s14] =	ssyncadd.s32 $0xFFFFFFB0  }
0x39: {  	[tilespmem:s15], [sflag:$0x1] =	stream.linear.gather [hbm4b:s31+s3], $0x50, $0x38;
	[tilespmem:$0x1A500] =	vst v63  }
0x3a: {  	_ =	swait.ge [sflag:s14], $0x50  }
0x3b: {  	[sflag:s14] =	ssyncset.done $0x0  }
0x3c: {  	[sflag:s14] =	ssyncadd.s32 $0xFFFFFFB0  }
0x3d: {  	[tilespmem:s17], [sflag:$0x1] =	stream.indirect.gather [hbm4b:s4+s16], $0x80, s3, s16, $0xb8;
	[tilespmem:$0x1A500] =	vst v63  }
0x3e: {  	_ =	swait.ge [sflag:s14], $0x2800  }
0x3f: {  	[sflag:s14] =	ssyncset.done $0x0  }
0x40: {  	[sflag:s14] =	ssyncadd.s32 $0xFFFFD800  }
0x41: {  	[spmem:s2] =	stream.indirect.scatter.add.f32 [tilespmem:s17], [sflag:$0x1], $0x80, s15, s16, $0xb8;
	[tilespmem:$0x1A500] =	vst v63  }
0x42: {  	_ =	swait.ge [sflag:s14], $0x2800  }
0x43: {  	s25 =	simm.s32 $0x14;
	s24 =	simm.s32 $0xA;
	[sflag:s14] =	ssyncset.done $0x0  }
.LBB2_4:
0x44: {  	s26 =	sadd.s32 s24, s12  }
0x45: {  	[sflag:s14] =	ssyncadd.s32 $0xFFFFD800;
	s28 =	smov.u32 s25;
	s29 =	sadd.s32 $0xA, s25  }
0x46: {  	[tilespmem:s3], [sflag:$0x1] =	stream.linear.gather [hbm4b:s26+s3], $0x50, $0x38;
	[tilespmem:$0x1A500] =	vst v63  }
0x47: {  	p0 =	sne.s32 s25, $0x4D8;
	_ =	swait.ge [sflag:s14], $0x50  }
0x48: {  	[sflag:s14] =	ssyncset.done $0x0  }
0x49: {  	s25 =	sadd.s32 s24, s11;
	s24 =	smov.u32 s28;
	[sflag:s14] =	ssyncadd.s32 $0xFFFFFFB0  }
0x4a: {  	[tilespmem:s15], [sflag:$0x1] =	stream.linear.gather [hbm4b:s25+s3], $0x50, $0x38;
	[tilespmem:$0x1A500] =	vst v63  }
0x4b: {  	_ =	swait.ge [sflag:s14], $0x50  }
0x4c: {  	[sflag:s14] =	ssyncset.done $0x0  }
0x4d: {  	[sflag:s14] =	ssyncadd.s32 $0xFFFFFFB0  }
0x4e: {  	[tilespmem:s17], [sflag:$0x1] =	stream.indirect.gather [hbm4b:s4+s16], $0x80, s3, s16, $0xb8;
	[tilespmem:$0x1A500] =	vst v63  }
0x4f: {  	_ =	swait.ge [sflag:s14], $0x2800  }
.Ltmp1:
0x50: {  	[sflag:s14] =	ssyncset.done $0x0;
	(pc) =	sbr.rel @p0 .LBB2_4-.Ltmp1, $4  }
0x51: {  	[sflag:s14] =	ssyncadd.s32 $0xFFFFD800  }
0x52: {  	[spmem:s2] =	stream.indirect.scatter.add.f32 [tilespmem:s17], [sflag:$0x1], $0x80, s15, s16, $0xb8;
	[tilespmem:$0x1A500] =	vst v63  }
0x53: {  	_ =	swait.ge [sflag:s14], $0x2800  }
0x54: {  	s25 =	smov.u32 s29;
	[sflag:s14] =	ssyncset.done $0x0  }
0x55: {  	s25 =	sadd.s32 s24, s12;
	[sflag:s14] =	ssyncadd.s32 $0xFFFFD800  }
0x56: {  	[tilespmem:s3], [sflag:$0x1] =	stream.linear.gather [hbm4b:s25+s3], $0x50, $0x38;
	[tilespmem:$0x1A500] =	vst v63  }
0x57: {  	_ =	swait.ge [sflag:s14], $0x50  }
0x58: {  	[sflag:s14] =	ssyncset.done $0x0  }
0x59: {  	s31 =	sadd.s32 s24, s11;
	[sflag:s14] =	ssyncadd.s32 $0xFFFFFFB0  }
0x5a: {  	[tilespmem:s15], [sflag:$0x1] =	stream.linear.gather [hbm4b:s31+s3], $0x50, $0x38;
	[tilespmem:$0x1A500] =	vst v63  }
0x5b: {  	_ =	swait.ge [sflag:s14], $0x50  }
0x5c: {  	[sflag:s14] =	ssyncset.done $0x0  }
0x5d: {  	[sflag:s14] =	ssyncadd.s32 $0xFFFFFFB0  }
0x5e: {  	[tilespmem:s17], [sflag:$0x1] =	stream.indirect.gather [hbm4b:s4+s16], $0x80, s3, s16, $0xb8;
	[tilespmem:$0x1A500] =	vst v63  }
0x5f: {  	_ =	swait.ge [sflag:s14], $0x2800  }
0x60: {  	[sflag:s14] =	ssyncset.done $0x0  }
0x61: {  	[sflag:s14] =	ssyncadd.s32 $0xFFFFD800  }
0x62: {  	[spmem:s2] =	stream.indirect.scatter.add.f32 [tilespmem:s17], [sflag:$0x1], $0x80, s15, s16, $0xb8;
	[tilespmem:$0x1A500] =	vst v63  }
0x63: {  	_ =	swait.ge [sflag:s14], $0x2800  }
0x64: {  	[sflag:s14] =	ssyncset.done $0x0  }
0x65: {  	[sflag:s14] =	ssyncadd.s32 $0xFFFFD800  }
0x66: {  	[bflag:$0x0] =	sbarrier.arrive $0xFFFF  }
0x67: {  	[tilespmem:s13], [sflag:$0x1] =	stream.linear.gather [spmem:s5], $0x4000, $0x38;
	[tilespmem:$0x1A500] =	vst v63  }
0x68: {  	_ =	swait.ge [sflag:s14], $0x4000  }
0x69: {  	[sflag:s14] =	ssyncset.done $0x0  }
0x6a: {  	[sflag:s14] =	ssyncadd.s32 $0xFFFFC000  }
0x6b: {  	[hbm4b:s18+s3] =	stream.linear.scatter [tilespmem:s13], [sflag:$0x1], $0x4000, $0x38;
	[tilespmem:$0x1A500] =	vst v63  }
0x6c: {  	_ =	swait.ge [sflag:s14], $0x4000  }
0x6d: {  	[sflag:s14] =	ssyncset.done $0x0  }
0x6e: {  	[sflag:s14] =	ssyncadd.s32 $0xFFFFC000  }
0x6f: {  	[tilespmem:s13], [sflag:$0x1] =	stream.linear.gather [spmem:s6], $0x4000, $0x38;
	[tilespmem:$0x1A500] =	vst v63  }
0x70: {  	_ =	swait.ge [sflag:s14], $0x4000  }
0x71: {  	[sflag:s14] =	ssyncset.done $0x0  }
0x72: {  	[sflag:s14] =	ssyncadd.s32 $0xFFFFC000  }
0x73: {  	[hbm4b:s19+s3] =	stream.linear.scatter [tilespmem:s13], [sflag:$0x1], $0x4000, $0x38;
	[tilespmem:$0x1A500] =	vst v63  }
0x74: {  	_ =	swait.ge [sflag:s14], $0x4000  }
0x75: {  	[sflag:s14] =	ssyncset.done $0x0  }
0x76: {  	[sflag:s14] =	ssyncadd.s32 $0xFFFFC000  }
0x77: {  	[tilespmem:s13], [sflag:$0x1] =	stream.linear.gather [spmem:s7], $0x4000, $0x38;
	[tilespmem:$0x1A500] =	vst v63  }
0x78: {  	_ =	swait.ge [sflag:s14], $0x4000  }
0x79: {  	[sflag:s14] =	ssyncset.done $0x0  }
0x7a: {  	[sflag:s14] =	ssyncadd.s32 $0xFFFFC000  }
0x7b: {  	[hbm4b:s20+s3] =	stream.linear.scatter [tilespmem:s13], [sflag:$0x1], $0x4000, $0x38;
	[tilespmem:$0x1A500] =	vst v63  }
0x7c: {  	_ =	swait.ge [sflag:s14], $0x4000  }
0x7d: {  	[sflag:s14] =	ssyncset.done $0x0  }
0x7e: {  	[sflag:s14] =	ssyncadd.s32 $0xFFFFC000  }
0x7f: {  	[tilespmem:s13], [sflag:$0x1] =	stream.linear.gather [spmem:s8], $0x4000, $0x38;
	[tilespmem:$0x1A500] =	vst v63  }
0x80: {  	_ =	swait.ge [sflag:s14], $0x4000  }
0x81: {  	[sflag:s14] =	ssyncset.done $0x0  }
0x82: {  	[sflag:s14] =	ssyncadd.s32 $0xFFFFC000  }
0x83: {  	[hbm4b:s21+s3] =	stream.linear.scatter [tilespmem:s13], [sflag:$0x1], $0x4000, $0x38;
	[tilespmem:$0x1A500] =	vst v63  }
0x84: {  	_ =	swait.ge [sflag:s14], $0x4000  }
0x85: {  	[sflag:s14] =	ssyncset.done $0x0  }
0x86: {  	[sflag:s14] =	ssyncadd.s32 $0xFFFFC000  }
0x87: {  	[tilespmem:s13], [sflag:$0x1] =	stream.linear.gather [spmem:s9], $0x3C00, $0x38;
	[tilespmem:$0x1A500] =	vst v63  }
0x88: {  	s23 =	sadd.s32 $0x1, s23;
	_ =	swait.ge [sflag:s14], $0x3C00  }
0x89: {  	p0 =	sne.s32 s23, s10;
	[sflag:s14] =	ssyncset.done $0x0  }
.Ltmp2:
0x8a: {  	[sflag:s14] =	ssyncadd.s32 $0xFFFFC400;
	(pc) =	sbr.rel @p0 .LBB2_1-.Ltmp2, $4  }
0x8b: {  	[hbm4b:s22+s3] =	stream.linear.scatter [tilespmem:s13], [sflag:$0x1], $0x3C00, $0x38;
	[tilespmem:$0x1A500] =	vst v63  }
0x8c: {  	_ =	swait.ge [sflag:s14], $0x3C00  }
0x8d: {  	[sflag:s14] =	ssyncset.done $0x0  }
0x8e: {  	[sflag:s14] =	ssyncadd.s32 $0xFFFFC400  }
0x8f: {  	_ =	sfence.sel $0x180000  }
0x90: {  	[bflag:$0x0] =	sbarrier.arrive $0xFFFF  }
0x91: {  	p0 =	sne.s32 s0, $0x0;
	_ =	strace $0x9000004D  }
0x92: {  	s0 =	sadd.s32 @!p0 $0x100000, s1;
	[bflag:$0x2] =	sbarrier.arrive $0xFFFF  }
0x93: {  	[sflag:s0] =	ssyncadd.tile.s32 @!p0 $0x1;
	_ =	shalt  }
.Lfunc_end2:
_tile_overlayer_lowered:
.L_overlay_start_2:
0x94: {  	(tag) =	ssettag $0x2  }
0x95: {  	s0 =	rddreg [dreg:$0x0];
	s2 =	stileid.u32  }
0x96: {  	s1 =	rddreg [dreg:$0x1];
	p0 =	sne.s32 s2, $0x0  }
0x97: {  	s3 =	rddreg [dreg:$0x2];
	[bflag:$0x3] =	sbarrier.arrive $0xFFFF;
	s2 =	simm.s32 @!p0 $0x1C01  }
0x98: {  	[timem:s3], [sflag:s2] =	dma.local @!p0 [hbm:s0], s1  }
0x99: {  	s0 =	simm.s32 @!p0 $0x1  }
0x9a: {  	_ =	swait.ge @!p0 [sflag:s0], s1  }
0x9b: {  	s1 =	ssub.s32 @!p0 $0x0, s1;
	[sflag:s0] =	ssyncset.done @!p0 $0x0  }
0x9c: {  	[sflag:s0] =	ssyncadd.s32 @!p0 s1  }
0x9d: {  	[bflag:$0x3] =	sbarrier.arrive $0xFFFF  }
0x9e: {  	_ =	shalt  }

// kernel: kernel.8.cloned.1.call-start
scs
__scs_entry_jumppad:
0x0: {  	(pc) =	sbr.rel $0x88, $3  }
0x1: {  	(tag) =	ssettag $0x0;
	lr =	simm.s32 $0x1  }
0x2: {  	[smem:$0x3F9B] =	sst lr;
	_ =	strace $0xD0000000  }
0x3: {  	_ = 	snop  }
0x4: {  	_ = 	snop  }
0x5: {  	_ = 	snop  }
0x6: {  	_ = 	snop  }
0x7: {  	_ = 	snop  }
__scs_overlays_trampoline_lowered:
0x8: {  	[smem:$0x3FAA] =	sst s0  }
0x9: {  	[smem:$0x3FAB] =	sst s1  }
0xa: {  	[smem:$0x3FAC] =	sst s2  }
0xb: {  	[smem:$0x3FAD] =	sst s3  }
0xc: {  	[smem:$0x3FAE] =	sst s4  }
0xd: {  	[smem:$0x3FAF] =	sst s5  }
0xe: {  	[smem:$0x3FB0] =	sst s6  }
0xf: {  	[smem:$0x3FB1] =	sst s7  }
0x10: {  	[smem:$0x3FB2] =	sst s8  }
0x11: {  	[smem:$0x3FB3] =	sst s9;
	s0 =	simm.s32 @!p0 $0x0  }
0x12: {  	s1 =	sld [smem:$0x3F99];
	s0 =	simm.s32 @p0 $0x1  }
0x13: {  	[smem:$0x3FB4] =	sst s0;
	s0 =	simm.s32 @!p1 $0x0  }
0x14: {  	s2 =	sld [smem:$0x3F98];
	s0 =	simm.s32 @p1 $0x1  }
0x15: {  	[smem:$0x3FB5] =	sst s0;
	s0 =	simm.s32 @!p2 $0x0  }
0x16: {  	s3 =	sld [smem:$0x3FDB];
	s0 =	simm.s32 @p2 $0x1  }
0x17: {  	s4 =	simm.s32 $0x1BF5;
	[smem:$0x3FB7] =	sst s0  }
0x18: {  	s0 =	sld [smem:$0x3F9A];
	_ =	swait.ge [sflag:s4], $0x0  }
0x19: {  	s7 =	sld [smem:$0x3F9B]  }
0x1a: {  	s8 =	sadd.s32 $0xFFFFE003, lr  }
0x1b: {  	s9 =	sadd.s32 $0xFFFFFEF7, lr;
	s5 =	simm.s32 $0xFFFFFFFF;
	p2 =	slt.u32 s8, $0xFFFFF086  }
0x1c: {  	p1 =	slt.u32 s9, $0xF7A;
	s5 =	simm.s32 @!p2 $0x0  }
0x1d: {  	s5 =	simm.s32 @p1 $0x1;
	p0 =	seq.s32 s7, s2  }
0x1e: {  	s7 =	smul.u32 @!p0 $0xF7A, s2;
	p2 =	seq.s32 @!p0 s5, $0x0  }
0x1f: {  	s9 =	smul.u32 $0xF7A, s1;
	s8 =	simm.s32 @!p0 $0x1BF5;
	p2 =	por !p2, p0  }
0x20: {  	[sflag:s8] =	ssyncset.s32 @!p0 $0xFFFFF086;
	s6 =	sadd.s32 @!p0 s3, s7;
	s7 =	simm.s32 @!p0 $0x108  }
0x21: {  	s3 =	sadd.s32 s3, s9;
	s6 =	sadd.s32 @!p0 $0x88, s6;
	s7 =	simm.s32 @p2 $0x1082  }
0x22: {  	[simem:s7], [sflag:s8] =	dma.local @!p0 [hbm:s6], $0xF7A  }
0x23: {  	s9 =	sor.u32 $0xD0000000, s2;
	s6 =	simm.s32 $0x108;
	_ =	swait.ge @!p0 [sflag:s8], $0x0  }
0x24: {  	s3 =	sadd.s32 $0x88, s3;
	s6 =	simm.s32 @!p1 $0x1082;
	[sflag:s4] =	ssyncset.s32 $0xFFFFF086  }
0x25: {  	[simem:s6], [sflag:s4] =	dma.local [hbm:s3], $0xF7A  }
0x26: {  	[smem:$0x3F9B] =	sst s1;
	(tag) =	ssettag s2;
	_ =	strace s9  }
0x27: {  	s1 =	sld [smem:$0x3FAB]  }
0x28: {  	s2 =	sld [smem:$0x3FAC]  }
0x29: {  	s4 =	sld [smem:$0x3FAE]  }
0x2a: {  	p0 =	seq.s32 s5, $0x0;
	s5 =	sld [smem:$0x3FAF]  }
0x2b: {  	s6 =	sld [smem:$0x3FB0]  }
0x2c: {  	s7 =	sld [smem:$0x3FB1]  }
0x2d: {  	s3 =	simm.s32 $0x108;
	s8 =	sld [smem:$0x3FB2]  }
0x2e: {  	s3 =	simm.s32 @!p0 $0x1082;
	s9 =	sld [smem:$0x3FB3]  }
0x2f: {  	lr =	sadd.s32 s0, s3;
	s0 =	sld [smem:$0x3FAA]  }
0x30: {  	s3 =	sld [smem:$0x3FAD]  }
0x31: {  	[smem:$0x3FB6] =	sst s10  }
0x32: {  	s10 =	sld [smem:$0x3FB4];
	_ =	sdelay $0x3  }
0x33: {  	p0 =	seq.s32 s10, $0x1;
	s10 =	sld [smem:$0x3FB6];
	_ =	sdelay $0x3  }
0x34: {  	[smem:$0x3FB6] =	sst s10  }
0x35: {  	s10 =	sld [smem:$0x3FB5];
	_ =	sdelay $0x3  }
0x36: {  	p1 =	seq.s32 s10, $0x1;
	s10 =	sld [smem:$0x3FB6];
	_ =	sdelay $0x3  }
0x37: {  	[smem:$0x3FB6] =	sst s10  }
0x38: {  	s10 =	sld [smem:$0x3FB7]  }
0x39: {  	_ = 	snop;
	(pc) =	sbr.ind lr, $3  }
0x3a: {  	_ = 	snop  }
0x3b: {  	_ = 	snop  }
0x3c: {  	p2 =	seq.s32 s10, $0x1;
	s10 =	sld [smem:$0x3FB6]  }
0x3d: {  	_ =	shalt  }
0x3e: {  	_ =	shalt  }
0x3f: {  	_ =	shalt  }
0x40: {  	_ =	shalt  }
0x41: {  	_ =	shalt  }
0x42: {  	_ =	shalt  }
0x43: {  	_ =	shalt  }
0x44: {  	_ =	shalt  }
0x45: {  	_ =	shalt  }
0x46: {  	_ =	shalt  }
0x47: {  	_ =	shalt  }
0x48: {  	_ =	shalt  }
0x49: {  	_ =	shalt  }
0x4a: {  	_ =	shalt  }
0x4b: {  	_ =	shalt  }
0x4c: {  	_ =	shalt  }
0x4d: {  	_ =	shalt  }
0x4e: {  	_ =	shalt  }
0x4f: {  	_ =	shalt  }
0x50: {  	_ =	shalt  }
0x51: {  	_ =	shalt  }
0x52: {  	_ =	shalt  }
0x53: {  	_ =	shalt  }
0x54: {  	_ =	shalt  }
0x55: {  	_ =	shalt  }
0x56: {  	_ =	shalt  }
0x57: {  	_ =	shalt  }
0x58: {  	_ =	shalt  }
0x59: {  	_ =	shalt  }
0x5a: {  	_ =	shalt  }
0x5b: {  	_ =	shalt  }
0x5c: {  	_ =	shalt  }
0x5d: {  	_ =	shalt  }
0x5e: {  	_ =	shalt  }
0x5f: {  	_ =	shalt  }
0x60: {  	_ =	shalt  }
0x61: {  	_ =	shalt  }
0x62: {  	_ =	shalt  }
0x63: {  	_ =	shalt  }
0x64: {  	_ =	shalt  }
0x65: {  	_ =	shalt  }
0x66: {  	_ =	shalt  }
0x67: {  	_ =	shalt  }
0x68: {  	_ =	shalt  }
0x69: {  	_ =	shalt  }
0x6a: {  	_ =	shalt  }
0x6b: {  	_ =	shalt  }
0x6c: {  	_ =	shalt  }
0x6d: {  	_ =	shalt  }
0x6e: {  	_ =	shalt  }
0x6f: {  	_ =	shalt  }
0x70: {  	_ =	shalt  }
0x71: {  	_ =	shalt  }
0x72: {  	_ =	shalt  }
0x73: {  	_ =	shalt  }
0x74: {  	_ =	shalt  }
0x75: {  	_ =	shalt  }
0x76: {  	_ =	shalt  }
0x77: {  	_ =	shalt  }
0x78: {  	_ =	shalt  }
0x79: {  	_ =	shalt  }
0x7a: {  	_ =	shalt  }
0x7b: {  	_ =	shalt  }
0x7c: {  	_ =	shalt  }
0x7d: {  	_ =	shalt  }
0x7e: {  	_ =	shalt  }
0x7f: {  	_ =	shalt  }
0x80: {  	_ =	shalt  }
0x81: {  	_ =	shalt  }
0x82: {  	_ =	shalt  }
0x83: {  	_ =	shalt  }
0x84: {  	_ =	shalt  }
0x85: {  	_ =	shalt  }
0x86: {  	_ =	shalt  }
0x87: {  	_ =	shalt  }
.Lfunc_end0:
.L_simem_size_0:
called_computation_lowered:
.L_overlay_start_0:
0x88: {  	s2 =	sld [smem:$0x3FD9]  }
0x89: {  	s3 =	sld [smem:$0x3FFE];
	_ =	sdelay $0x1  }
0x8a: {  	s1 =	srdreg.scid  }
0x8b: {  	s0 =	sand.u32 $0x1, s1  }
0x8c: {  	s16 =	sshll.u32 s0, $0xA;
	s2 =	sadd.s32 s3, s2  }
0x8d: {  	s2 =	sadd.s32 s2, s16  }
0x8e: {  	[smem:$0x3FC2] =	sst s2  }
0x8f: {  	_ = 	snop  }
0x90: {  	(tm) =	ssettm $0x1  }
0x91: {  	s17 =	sld [smem:$0x3FFB];
	_ =	sdelay $0x3  }
0x92: {  	_ =	strace s17  }
0x93: {  	s2 =	sld [smem:$0x3FFC];
	_ =	sdelay $0x3  }
0x94: {  	_ =	strace s2  }
0x95: {  	s2 =	sld [smem:$0x3FFD];
	_ =	sdelay $0x3  }
0x96: {  	_ =	strace s2  }
0x97: {  	_ =	strace $0x8FFFFFFF  }
0x98: {  	s18 =	sld [smem:$0x3FDB];
	_ =	sdelay $0x1  }
0x99: {  	s19 =	simm.s32 $_scs_section_size  }
0x9a: {  	s4 =	simm.s32 $_size__tile_overlayer_lowered;
	s5 =	simm.s32 $_tile_overlayer_lowered  }
0x9b: {  	s22 =	simm.s32 $0x1BFF;
	s21 =	sshll.u32 s5, $0x1;
	s2 =	sadd.s32 s19, s18  }
0x9c: {  	s6 =	simm.s32 $0x0;
	s20 =	sshll.u32 s4, $0x1;
	s4 =	sadd.s32 s21, s2  }
0x9d: {  	[timem:s6], [sflag:s22] =	dma.local [hbm:s4], s20  }
0x9e: {  	_ =	swait.ge [sflag:s22], s20  }
0x9f: {  	s3 =	ssub.s32 $0x0, s20;
	[sflag:s22] =	ssyncset.done $0x0  }
0xa0: {  	[sflag:s22] =	ssyncadd.s32 s3;
	_ =	sdelay $0x1  }
0xa1: {  	s23 =	simm.s32 $0x1B8B  }
0xa2: {  	_ =	swait.ge [sflag:s23], $0x1  }
0xa3: {  	[sflag:s23] =	ssyncset.done $0x0  }
0xa4: {  	s25 =	simm.s32 $0x1B8E;
	s24 =	sld [smem:$0x3FFE];
	[sflag:s23] =	ssyncadd.s32 $0xFFFFFFFF  }
0xa5: {  	s26 =	simm.s32 $execute0_lowered;
	[smem:$0x3FD2] =	sst s25  }
0xa6: {  	s4 =	sshll.u32 s26, $0x1;
	_ =	strace $0x80000046;
	[dreg:$0x1] =	wrdreg $0xFFFFFFFF  }
0xa7: {  	s28 =	simm.s32 $_size_execute0_lowered;
	s2 =	sadd.s32 s2, s4;
	[dreg:$0x0] =	wrdreg $0x0  }
0xa8: {  	s4 =	sshll.u32 s28, $0x1;
	[dreg:$0x2] =	wrdreg s2  }
0xa9: {  	[dreg:$0x3] =	wrdreg s4  }
0xaa: {  	[dreg:$0x4] =	wrdreg $0xC0  }
0xab: {  	_ =	task [dreg:s6], $0x5FFFF  }
0xac: {  	[dreg:$0x1] =	wrdreg $0xFFFFFFFF  }
0xad: {  	[dreg:$0x0] =	wrdreg $0x60  }
0xae: {  	[dreg:$0x2] =	wrdreg s24  }
0xaf: {  	[dreg:$0x3] =	wrdreg $0x6C000  }
0xb0: {  	[dreg:$0x4] =	wrdreg $0x9  }
0xb1: {  	_ =	task.clear_ibuf [dreg:s6], $0x5FFFF;
	_ =	strace $0x90000046  }
0xb2: {  	s29 =	simm.s32 $0x9;
	_ =	strace $0x80000048  }
0xb3: {  	_ =	swait.ge [sflag:s29], $0x1  }
0xb4: {  	[sflag:s29] =	ssyncadd.s32 $0xFFFFFFFF  }
0xb5: {  	_ =	strace $0x90000048  }
0xb6: {  	_ =	sfence  }
0xb7: {  	s30 =	sld [smem:$0x0];
	_ =	sdelay $0x2  }
0xb8: {  	s31 =	sshll.u32 s1, $0xD;
	s1 =	sshrl.u32 s1, $0x2  }
0xb9: {  	s3 =	sand.u32 $0x4000, s31;
	s1 =	sadd.s32 s1, s30  }
0xba: {  	s0 =	sor.u32 s3, s0;
	s1 =	sshll.u32 s1, $0x11  }
0xbb: {  	s0 =	sor.u32 s1, s0  }
0xbc: {  	s0 =	sadd.s32 $0x8F2B, s0  }
0xbd: {  	[sflag:s0] =	ssyncadd.remote.s32 $0x1  }
0xbe: {  	_ =	sfence.sel $0xFFFF  }
0xbf: {  	[dreg:$0x0] =	wrdreg $0xFFFFFFFF;
	(pc) =	sbr.abs _section_cstart, $3  }
0xc0: {  	[dreg:$0x1] =	wrdreg $0xFFFFFFFF  }
0xc1: {  	_ =	task.clear_ibuf [dreg:s6], $0x2FFFF;
	_ =	strace $0x9FFFFFFF  }
0xc2: {  	(tm) =	ssettm $0x7FFFFFFF  }
0xc3: {  	_ =	shalt  }
tec
execute0_lowered:
.L_overlay_start_1:
0x0: {  	(tag) =	ssettag $0x1  }
0x1: {  	s0 =	rddreg [dreg:$0x0]  }
0x2: {  	s1 =	rddreg [dreg:$0x1]  }
0x3: {  	s2 =	srdreg.scid;
	s16 =	stileid.u32  }
0x4: {  	s3 =	simm.s32 $0x0;
	s28 =	simm.s32 $0x200;
	s7 =	smul.u32 $0x278, s16  }
0x5: {  	s29 =	simm.s32 $0x1;
	s30 =	simm.s32 $0x2;
	s8 =	smul.u32 $0x4F000, s16  }
0x6: {  	s31 =	simm.s32 $0x3;
	s2 =	sand.u32 $0x1, s2;
	s15 =	smul.u32 $0x4E20, s16  }
0x7: {  	[smem:$0x7FF] =	sst s3;
	s9 =	sadd.s32 $0x1E00, s0;
	s20 =	smul.u32 $0x2780, s16  }
0x8: {  	s4 =	smul.u32 $0x27800, s2;
	s5 =	ssub.s32 $0x2, s2;
	_ =	strace $0x80000047  }
0x9: {  	s2 =	smul.u32 $0x2710, s2;
	s6 =	sshrl.u32 s5, $0x1;
	s22 =	sshrl.u32 s8, $0x2  }
0xa: {  	s11 =	sadd.s32 $0x80, s7;
	s12 =	sadd.s32 $0x100, s7;
	s13 =	sadd.s32 $0x180, s7  }
0xb: {  	s14 =	sadd.s32 $0x200, s7;
	s0 =	sadd.s32 s4, s0;
	s10 =	ssub.s32 s5, s6  }
0xc: {  	s4 =	sadd.s32 s22, s1;
	s23 =	sshll.u32 s11, $0x7;
	s24 =	sshll.u32 s12, $0x7  }
0xd: {  	s25 =	sshll.u32 s13, $0x7;
	s26 =	sshll.u32 s14, $0x7;
	s21 =	sshll.u32 s11, $0x4  }
0xe: {  	s22 =	sshll.u32 s12, $0x4;
	s2 =	sadd.s32 s2, s15;
	s5 =	sadd.s32 s23, s1  }
0xf: {  	s6 =	sadd.s32 s24, s1;
	s7 =	sadd.s32 s25, s1;
	s8 =	sadd.s32 s26, s1  }
0x10: {  	s0 =	sadd.s32 $0xBC00, s0;
	s23 =	sshll.u32 s13, $0x4;
	s24 =	sshll.u32 s14, $0x4  }
0x11: {  	s15 =	sadd.s32 $0x140, s2;
	s10 =	smax.u32 s10, $0x1;
	s17 =	sadd.s32 $0xF0, s2  }
0x12: {  	s18 =	sadd.s32 $0xA0, s2;
	s19 =	sadd.s32 $0x50, s2;
	s2 =	sshrl.u32 s2, $0x3  }
0x13: {  	[dreg:$0x3] =	wrdreg s10;
	s16 =	sshrl.u32 s15, $0x3;
	s11 =	sshrl.u32 s17, $0x3  }
0x14: {  	s12 =	sshrl.u32 s18, $0x3;
	s13 =	sshrl.u32 s19, $0x3;
	s14 =	sadd.s32 s2, s9  }
0x15: {  	s15 =	simm.s32 $0x2C00;
	s17 =	simm.s32 $0x50;
	s18 =	simm.s32 $0x400  }
0x16: {  	s19 =	simm.s32 $0x80;
	s20 =	sadd.s32 s20, s0;
	s21 =	sadd.s32 s21, s0  }
0x17: {  	s25 =	sadd.s32 s22, s0;
	s26 =	sadd.s32 s23, s0;
	[dreg:$0x4] =	wrdreg s20  }
0x18: {  	s0 =	sadd.s32 s24, s0;
	s2 =	simm.s32 $0x5;
	[dreg:$0x5] =	wrdreg s21  }
0x19: {  	s10 =	sadd.s32 s16, s9;
	s11 =	sadd.s32 s11, s9;
	[dreg:$0x6] =	wrdreg s25  }
0x1a: {  	s12 =	sadd.s32 s12, s9;
	s13 =	sadd.s32 s13, s9;
	[dreg:$0x7] =	wrdreg s26  }
0x1b: {  	v0 =	vimm.f32 $0.0e+00;
	vm0 =	vcmask $0x300;
	s16 =	simm.s32 $0x6;
	[dreg:$0x8] =	wrdreg s0;
	s25 =	simm.s32 $0x100  }
0x1c: {  	v1 =	vsel vm0, $0x3F800000, v0;
	s26 =	simm.s32 $0x180;
	s0 =	simm.s32 $0x4;
	s9 =	simm.s32 $0x0  }
.LBB2_1:
0x1d: {  	s20 =	simm.s32 $0x0;
	s21 =	simm.s32 $0x0  }
.LBB2_2:
0x1e: {  	s22 =	sand.u32 $0x7, s21  }
0x1f: {  	p0 =	seq.s32 s22, $0x0  }
0x20: {  	v2 =	vpsel !p0, $0x0, v1;
	p0 =	sne.s32 s21, $0x27F  }
.Ltmp0:
0x21: {  	_ = 	snop;
	(pc) =	sbr.rel @p0 .LBB2_2-.Ltmp0, $4  }
0x22: {  	s23 =	sand.u32 $0xFE00, s20  }
0x23: {  	s23 =	sshrl.u32 s23, $0x2;
	s22 =	sshll.u32 s22, $0x4  }
0x24: {  	s22 =	sor.u32 s22, s23  }
0x25: {  	s20 =	sadd.s32 $0x40, s20;
	s21 =	sadd.s32 $0x1, s21;
	[tilespmem:s22+$0x400] =	vst v2  }
0x26: {  	s20 =	simm.s32 $0x0  }
0x27: {  	s21 =	sand.u32 $0xFE00, s20  }
0x28: {  	s22 =	sand.u32 $0x70, s20;
	s23 =	sshrl.u32 s21, $0x2  }
0x29: {  	s21 =	simm.s32 $0x40;
	s22 =	sor.u32 s22, s23  }
.LBB2_4:
0x2a: {  	p0 =	sne.s32 s21, $0xFFC0  }
0x2b: {  	[tilespmem:s22+$0x2C00] =	vst v0;
	s20 =	sadd.s32 $0x10, s20;
	s22 =	smov.u32 s21;
	s21 =	sadd.s32 $0x40, s21  }
.Ltmp1:
0x2c: {  	(pc) =	sbr.rel @p0 .LBB2_4-.Ltmp1, $4  }
0x2d: {  	_ = 	snop  }
0x2e: {  	s22 =	sand.u32 $0xFE00, s22  }
0x2f: {  	s23 =	sand.u32 $0x70, s20;
	s22 =	sshrl.u32 s22, $0x2  }
0x30: {  	s22 =	sor.u32 s23, s22  }
0x31: {  	[tilespmem:s22+$0x2C00] =	vst v0  }
0x32: {  	[spmem:s4] =	stream.linear.scatter [tilespmem:s15], [sflag:$0x6], $0x4000, $0x38;
	[tilespmem:$0x1A800] =	vst v63  }
0x33: {  	_ =	swait.ge [sflag:s16], $0x4000  }
0x34: {  	[sflag:s16] =	ssyncset.done $0x0  }
0x35: {  	[sflag:s16] =	ssyncadd.s32 $0xFFFFC000  }
0x36: {  	[spmem:s5] =	stream.linear.scatter [tilespmem:s15], [sflag:$0x6], $0x4000, $0x38;
	[tilespmem:$0x1A800] =	vst v63  }
0x37: {  	_ =	swait.ge [sflag:s16], $0x4000  }
0x38: {  	[sflag:s16] =	ssyncset.done $0x0  }
0x39: {  	[sflag:s16] =	ssyncadd.s32 $0xFFFFC000  }
0x3a: {  	[spmem:s6] =	stream.linear.scatter [tilespmem:s15], [sflag:$0x6], $0x4000, $0x38;
	[tilespmem:$0x1A800] =	vst v63  }
0x3b: {  	_ =	swait.ge [sflag:s16], $0x4000  }
0x3c: {  	[sflag:s16] =	ssyncset.done $0x0  }
0x3d: {  	[sflag:s16] =	ssyncadd.s32 $0xFFFFC000  }
0x3e: {  	[spmem:s7] =	stream.linear.scatter [tilespmem:s15], [sflag:$0x6], $0x4000, $0x38;
	[tilespmem:$0x1A800] =	vst v63  }
0x3f: {  	_ =	swait.ge [sflag:s16], $0x4000  }
0x40: {  	[sflag:s16] =	ssyncset.done $0x0  }
0x41: {  	[sflag:s16] =	ssyncadd.s32 $0xFFFFC000  }
0x42: {  	[spmem:s8] =	stream.linear.scatter [tilespmem:s15], [sflag:$0x6], $0x3C00, $0x38;
	[tilespmem:$0x1A800] =	vst v63  }
0x43: {  	_ =	swait.ge [sflag:s16], $0x3C00  }
0x44: {  	[sflag:s16] =	ssyncset.done $0x0  }
0x45: {  	[sflag:s16] =	ssyncadd.s32 $0xFFFFC400  }
0x46: {  	s20 =	sadd.s32 $0x0, s14;
	[bflag:$0x0] =	sbarrier.arrive $0xFFFF  }
0x47: {  	[tilespmem:s3], [sflag:$0x6] =	stream.linear.gather [hbm4b:s20+s3], $0x50, $0x38;
	[tilespmem:$0x1A800] =	vst v63  }
0x48: {  	_ =	swait.ge [sflag:s16], $0x50  }
0x49: {  	[sflag:s16] =	ssyncset.done $0x0  }
0x4a: {  	[sflag:s16] =	ssyncadd.s32 $0xFFFFFFB0  }
0x4b: {  	[spmem:s1] =	stream.indirect.scatter.add.f32 [tilespmem:s18], [sflag:$0x1], $0x80, s3, s17, $0xb8;
	[tilespmem:$0x1A800] =	vst v63  }
0x4c: {  	s21 =	sadd.s32 $0x0, s13  }
0x4d: {  	[tilespmem:s19], [sflag:$0x6] =	stream.linear.gather [hbm4b:s21+s3], $0x50, $0x38;
	[tilespmem:$0x1A800] =	vst v63  }
0x4e: {  	_ =	swait.ge [sflag:s16], $0x50  }
0x4f: {  	[sflag:s16] =	ssyncset.done $0x0  }
0x50: {  	[sflag:s16] =	ssyncadd.s32 $0xFFFFFFB0  }
0x51: {  	[spmem:s1] =	stream.indirect.scatter.add.f32 [tilespmem:s18], [sflag:$0x2], $0x80, s19, s17, $0xb8;
	[tilespmem:$0x1A800] =	vst v63  }
0x52: {  	s22 =	sadd.s32 $0x0, s12  }
0x53: {  	[tilespmem:s25], [sflag:$0x6] =	stream.linear.gather [hbm4b:s22+s3], $0x50, $0x38;
	[tilespmem:$0x1A800] =	vst v63  }
0x54: {  	_ =	swait.ge [sflag:s16], $0x50  }
0x55: {  	[sflag:s16] =	ssyncset.done $0x0  }
0x56: {  	[sflag:s16] =	ssyncadd.s32 $0xFFFFFFB0  }
0x57: {  	[spmem:s1] =	stream.indirect.scatter.add.f32 [tilespmem:s18], [sflag:$0x3], $0x80, s25, s17, $0xb8;
	[tilespmem:$0x1A800] =	vst v63  }
0x58: {  	s23 =	sadd.s32 $0x0, s11  }
0x59: {  	[tilespmem:s26], [sflag:$0x6] =	stream.linear.gather [hbm4b:s23+s3], $0x50, $0x38;
	[tilespmem:$0x1A800] =	vst v63  }
0x5a: {  	_ =	swait.ge [sflag:s16], $0x50  }
0x5b: {  	[sflag:s16] =	ssyncset.done $0x0  }
0x5c: {  	[sflag:s16] =	ssyncadd.s32 $0xFFFFFFB0  }
0x5d: {  	[spmem:s1] =	stream.indirect.scatter.add.f32 [tilespmem:s18], [sflag:$0x4], $0x80, s26, s17, $0xb8;
	[tilespmem:$0x1A800] =	vst v63  }
0x5e: {  	s24 =	sadd.s32 $0x0, s10  }
0x5f: {  	[tilespmem:s28], [sflag:$0x6] =	stream.linear.gather [hbm4b:s24+s3], $0x50, $0x38;
	[tilespmem:$0x1A800] =	vst v63  }
0x60: {  	_ =	swait.ge [sflag:s16], $0x50  }
0x61: {  	[sflag:s16] =	ssyncset.done $0x0  }
0x62: {  	[sflag:s16] =	ssyncadd.s32 $0xFFFFFFB0  }
0x63: {  	[spmem:s1] =	stream.indirect.scatter.add.f32 [tilespmem:s18], [sflag:$0x5], $0x80, s28, s17, $0xb8;
	[tilespmem:$0x1A800] =	vst v63  }
0x64: {  	_ =	swait.ge [sflag:s29], $0x2800  }
0x65: {  	[sflag:s29] =	ssyncset.done $0x0  }
0x66: {  	[sflag:s29] =	ssyncadd.s32 $0xFFFFD800  }
0x67: {  	_ =	swait.ge [sflag:s30], $0x2800  }
0x68: {  	[sflag:s30] =	ssyncset.done $0x0  }
0x69: {  	[sflag:s30] =	ssyncadd.s32 $0xFFFFD800  }
0x6a: {  	_ =	swait.ge [sflag:s31], $0x2800  }
0x6b: {  	[sflag:s31] =	ssyncset.done $0x0  }
0x6c: {  	[sflag:s31] =	ssyncadd.s32 $0xFFFFD800  }
0x6d: {  	_ =	swait.ge [sflag:s0], $0x2800  }
0x6e: {  	[sflag:s0] =	ssyncset.done $0x0  }
0x6f: {  	[sflag:s0] =	ssyncadd.s32 $0xFFFFD800  }
0x70: {  	_ =	swait.ge [sflag:s2], $0x2800  }
0x71: {  	s20 =	simm.s32 $0x32;
	s21 =	simm.s32 $0x64;
	[sflag:s2] =	ssyncset.done $0x0  }
.LBB2_6:
0x72: {  	s23 =	sadd.s32 s20, s14  }
0x73: {  	[sflag:s2] =	ssyncadd.s32 $0xFFFFD800;
	s24 =	smov.u32 s21;
	s22 =	sadd.s32 $0x32, s21  }
0x74: {  	[tilespmem:s3], [sflag:$0x6] =	stream.linear.gather [hbm4b:s23+s3], $0x50, $0x38;
	[tilespmem:$0x1A800] =	vst v63  }
0x75: {  	p0 =	sne.s32 s21, $0x4B0;
	_ =	swait.ge [sflag:s16], $0x50  }
0x76: {  	[sflag:s16] =	ssyncset.done $0x0  }
0x77: {  	[sflag:s16] =	ssyncadd.s32 $0xFFFFFFB0  }
0x78: {  	[spmem:s1] =	stream.indirect.scatter.add.f32 [tilespmem:s18], [sflag:$0x1], $0x80, s3, s17, $0xb8;
	[tilespmem:$0x1A800] =	vst v63  }
0x79: {  	s21 =	sadd.s32 s20, s13  }
0x7a: {  	[tilespmem:s19], [sflag:$0x6] =	stream.linear.gather [hbm4b:s21+s3], $0x50, $0x38;
	[tilespmem:$0x1A800] =	vst v63  }
0x7b: {  	_ =	swait.ge [sflag:s16], $0x50  }
0x7c: {  	[sflag:s16] =	ssyncset.done $0x0  }
0x7d: {  	[sflag:s16] =	ssyncadd.s32 $0xFFFFFFB0  }
0x7e: {  	[spmem:s1] =	stream.indirect.scatter.add.f32 [tilespmem:s18], [sflag:$0x2], $0x80, s19, s17, $0xb8;
	[tilespmem:$0x1A800] =	vst v63  }
0x7f: {  	s21 =	sadd.s32 s20, s12  }
0x80: {  	[tilespmem:s25], [sflag:$0x6] =	stream.linear.gather [hbm4b:s21+s3], $0x50, $0x38;
	[tilespmem:$0x1A800] =	vst v63  }
0x81: {  	_ =	swait.ge [sflag:s16], $0x50  }
0x82: {  	[sflag:s16] =	ssyncset.done $0x0  }
0x83: {  	[sflag:s16] =	ssyncadd.s32 $0xFFFFFFB0  }
0x84: {  	[spmem:s1] =	stream.indirect.scatter.add.f32 [tilespmem:s18], [sflag:$0x3], $0x80, s25, s17, $0xb8;
	[tilespmem:$0x1A800] =	vst v63  }
0x85: {  	s21 =	sadd.s32 s20, s11  }
0x86: {  	[tilespmem:s26], [sflag:$0x6] =	stream.linear.gather [hbm4b:s21+s3], $0x50, $0x38;
	[tilespmem:$0x1A800] =	vst v63  }
0x87: {  	_ =	swait.ge [sflag:s16], $0x50  }
0x88: {  	[sflag:s16] =	ssyncset.done $0x0  }
0x89: {  	[sflag:s16] =	ssyncadd.s32 $0xFFFFFFB0  }
0x8a: {  	[spmem:s1] =	stream.indirect.scatter.add.f32 [tilespmem:s18], [sflag:$0x4], $0x80, s26, s17, $0xb8;
	[tilespmem:$0x1A800] =	vst v63  }
0x8b: {  	s21 =	sadd.s32 s20, s10;
	s20 =	smov.u32 s24  }
0x8c: {  	[tilespmem:s28], [sflag:$0x6] =	stream.linear.gather [hbm4b:s21+s3], $0x50, $0x38;
	[tilespmem:$0x1A800] =	vst v63  }
0x8d: {  	_ =	swait.ge [sflag:s16], $0x50  }
0x8e: {  	[sflag:s16] =	ssyncset.done $0x0  }
0x8f: {  	[sflag:s16] =	ssyncadd.s32 $0xFFFFFFB0  }
0x90: {  	[spmem:s1] =	stream.indirect.scatter.add.f32 [tilespmem:s18], [sflag:$0x5], $0x80, s28, s17, $0xb8;
	[tilespmem:$0x1A800] =	vst v63  }
0x91: {  	_ =	swait.ge [sflag:s29], $0x2800  }
0x92: {  	[sflag:s29] =	ssyncset.done $0x0  }
0x93: {  	[sflag:s29] =	ssyncadd.s32 $0xFFFFD800  }
0x94: {  	_ =	swait.ge [sflag:s30], $0x2800  }
0x95: {  	[sflag:s30] =	ssyncset.done $0x0  }
0x96: {  	[sflag:s30] =	ssyncadd.s32 $0xFFFFD800  }
0x97: {  	_ =	swait.ge [sflag:s31], $0x2800  }
0x98: {  	[sflag:s31] =	ssyncset.done $0x0  }
0x99: {  	[sflag:s31] =	ssyncadd.s32 $0xFFFFD800  }
.Ltmp2:
0x9a: {  	_ =	swait.ge [sflag:s0], $0x2800;
	(pc) =	sbr.rel @p0 .LBB2_6-.Ltmp2, $4  }
0x9b: {  	[sflag:s0] =	ssyncset.done $0x0  }
0x9c: {  	[sflag:s0] =	ssyncadd.s32 $0xFFFFD800  }
0x9d: {  	_ =	swait.ge [sflag:s2], $0x2800  }
0x9e: {  	s21 =	smov.u32 s22;
	[sflag:s2] =	ssyncset.done $0x0  }
0x9f: {  	s21 =	sadd.s32 s20, s14;
	[sflag:s2] =	ssyncadd.s32 $0xFFFFD800  }
0xa0: {  	[tilespmem:s3], [sflag:$0x6] =	stream.linear.gather [hbm4b:s21+s3], $0x50, $0x38;
	[tilespmem:$0x1A800] =	vst v63  }
0xa1: {  	_ =	swait.ge [sflag:s16], $0x50  }
0xa2: {  	[sflag:s16] =	ssyncset.done $0x0  }
0xa3: {  	[sflag:s16] =	ssyncadd.s32 $0xFFFFFFB0  }
0xa4: {  	[spmem:s1] =	stream.indirect.scatter.add.f32 [tilespmem:s18], [sflag:$0x1], $0x80, s3, s17, $0xb8;
	[tilespmem:$0x1A800] =	vst v63  }
0xa5: {  	s22 =	sadd.s32 s20, s13  }
0xa6: {  	[tilespmem:s19], [sflag:$0x6] =	stream.linear.gather [hbm4b:s22+s3], $0x50, $0x38;
	[tilespmem:$0x1A800] =	vst v63  }
0xa7: {  	_ =	swait.ge [sflag:s16], $0x50  }
0xa8: {  	[sflag:s16] =	ssyncset.done $0x0  }
0xa9: {  	[sflag:s16] =	ssyncadd.s32 $0xFFFFFFB0  }
0xaa: {  	[spmem:s1] =	stream.indirect.scatter.add.f32 [tilespmem:s18], [sflag:$0x2], $0x80, s19, s17, $0xb8;
	[tilespmem:$0x1A800] =	vst v63  }
0xab: {  	s23 =	sadd.s32 s20, s12  }
0xac: {  	[tilespmem:s25], [sflag:$0x6] =	stream.linear.gather [hbm4b:s23+s3], $0x50, $0x38;
	[tilespmem:$0x1A800] =	vst v63  }
0xad: {  	_ =	swait.ge [sflag:s16], $0x50  }
0xae: {  	[sflag:s16] =	ssyncset.done $0x0  }
0xaf: {  	[sflag:s16] =	ssyncadd.s32 $0xFFFFFFB0  }
0xb0: {  	[spmem:s1] =	stream.indirect.scatter.add.f32 [tilespmem:s18], [sflag:$0x3], $0x80, s25, s17, $0xb8;
	[tilespmem:$0x1A800] =	vst v63  }
0xb1: {  	s24 =	sadd.s32 s20, s11  }
0xb2: {  	[tilespmem:s26], [sflag:$0x6] =	stream.linear.gather [hbm4b:s24+s3], $0x50, $0x38;
	[tilespmem:$0x1A800] =	vst v63  }
0xb3: {  	_ =	swait.ge [sflag:s16], $0x50  }
0xb4: {  	[sflag:s16] =	ssyncset.done $0x0  }
0xb5: {  	[sflag:s16] =	ssyncadd.s32 $0xFFFFFFB0  }
0xb6: {  	[spmem:s1] =	stream.indirect.scatter.add.f32 [tilespmem:s18], [sflag:$0x4], $0x80, s26, s17, $0xb8;
	[tilespmem:$0x1A800] =	vst v63  }
0xb7: {  	s22 =	sadd.s32 s20, s10  }
0xb8: {  	[tilespmem:s28], [sflag:$0x6] =	stream.linear.gather [hbm4b:s22+s3], $0x50, $0x38;
	[tilespmem:$0x1A800] =	vst v63  }
0xb9: {  	_ =	swait.ge [sflag:s16], $0x50  }
0xba: {  	[sflag:s16] =	ssyncset.done $0x0  }
0xbb: {  	[sflag:s16] =	ssyncadd.s32 $0xFFFFFFB0  }
0xbc: {  	[spmem:s1] =	stream.indirect.scatter.add.f32 [tilespmem:s18], [sflag:$0x5], $0x80, s28, s17, $0xb8;
	[tilespmem:$0x1A800] =	vst v63  }
0xbd: {  	_ =	swait.ge [sflag:s29], $0x2800  }
0xbe: {  	[sflag:s29] =	ssyncset.done $0x0  }
0xbf: {  	[sflag:s29] =	ssyncadd.s32 $0xFFFFD800  }
0xc0: {  	_ =	swait.ge [sflag:s30], $0x2800  }
0xc1: {  	[sflag:s30] =	ssyncset.done $0x0  }
0xc2: {  	[sflag:s30] =	ssyncadd.s32 $0xFFFFD800  }
0xc3: {  	_ =	swait.ge [sflag:s31], $0x2800  }
0xc4: {  	[sflag:s31] =	ssyncset.done $0x0  }
0xc5: {  	[sflag:s31] =	ssyncadd.s32 $0xFFFFD800  }
0xc6: {  	_ =	swait.ge [sflag:s0], $0x2800  }
0xc7: {  	[sflag:s0] =	ssyncset.done $0x0  }
0xc8: {  	[sflag:s0] =	ssyncadd.s32 $0xFFFFD800  }
0xc9: {  	_ =	swait.ge [sflag:s2], $0x2800  }
0xca: {  	[sflag:s2] =	ssyncset.done $0x0  }
0xcb: {  	[sflag:s2] =	ssyncadd.s32 $0xFFFFD800  }
0xcc: {  	[bflag:$0x0] =	sbarrier.arrive $0xFFFF  }
0xcd: {  	[tilespmem:s15], [sflag:$0x6] =	stream.linear.gather [spmem:s4], $0x4000, $0x38;
	[tilespmem:$0x1A800] =	vst v63  }
0xce: {  	_ =	swait.ge [sflag:s16], $0x4000  }
0xcf: {  	[sflag:s16] =	ssyncset.done $0x0  }
0xd0: {  	s23 =	rddreg [dreg:$0x4];
	[sflag:s16] =	ssyncadd.s32 $0xFFFFC000  }
0xd1: {  	[hbm4b:s23+s3] =	stream.linear.scatter [tilespmem:s15], [sflag:$0x6], $0x4000, $0x38;
	[tilespmem:$0x1A800] =	vst v63  }
0xd2: {  	_ =	swait.ge [sflag:s16], $0x4000  }
0xd3: {  	[sflag:s16] =	ssyncset.done $0x0  }
0xd4: {  	[sflag:s16] =	ssyncadd.s32 $0xFFFFC000  }
0xd5: {  	[tilespmem:s15], [sflag:$0x6] =	stream.linear.gather [spmem:s5], $0x4000, $0x38;
	[tilespmem:$0x1A800] =	vst v63  }
0xd6: {  	_ =	swait.ge [sflag:s16], $0x4000  }
0xd7: {  	[sflag:s16] =	ssyncset.done $0x0  }
0xd8: {  	s24 =	rddreg [dreg:$0x5];
	[sflag:s16] =	ssyncadd.s32 $0xFFFFC000  }
0xd9: {  	[hbm4b:s24+s3] =	stream.linear.scatter [tilespmem:s15], [sflag:$0x6], $0x4000, $0x38;
	[tilespmem:$0x1A800] =	vst v63  }
0xda: {  	_ =	swait.ge [sflag:s16], $0x4000  }
0xdb: {  	[sflag:s16] =	ssyncset.done $0x0  }
0xdc: {  	[sflag:s16] =	ssyncadd.s32 $0xFFFFC000  }
0xdd: {  	[tilespmem:s15], [sflag:$0x6] =	stream.linear.gather [spmem:s6], $0x4000, $0x38;
	[tilespmem:$0x1A800] =	vst v63  }
0xde: {  	_ =	swait.ge [sflag:s16], $0x4000  }
0xdf: {  	[sflag:s16] =	ssyncset.done $0x0  }
0xe0: {  	s21 =	rddreg [dreg:$0x6];
	[sflag:s16] =	ssyncadd.s32 $0xFFFFC000  }
0xe1: {  	[hbm4b:s21+s3] =	stream.linear.scatter [tilespmem:s15], [sflag:$0x6], $0x4000, $0x38;
	[tilespmem:$0x1A800] =	vst v63  }
0xe2: {  	_ =	swait.ge [sflag:s16], $0x4000  }
0xe3: {  	[sflag:s16] =	ssyncset.done $0x0  }
0xe4: {  	[sflag:s16] =	ssyncadd.s32 $0xFFFFC000  }
0xe5: {  	[tilespmem:s15], [sflag:$0x6] =	stream.linear.gather [spmem:s7], $0x4000, $0x38;
	[tilespmem:$0x1A800] =	vst v63  }
0xe6: {  	_ =	swait.ge [sflag:s16], $0x4000  }
0xe7: {  	[sflag:s16] =	ssyncset.done $0x0  }
0xe8: {  	s22 =	rddreg [dreg:$0x7];
	[sflag:s16] =	ssyncadd.s32 $0xFFFFC000  }
0xe9: {  	[hbm4b:s22+s3] =	stream.linear.scatter [tilespmem:s15], [sflag:$0x6], $0x4000, $0x38;
	[tilespmem:$0x1A800] =	vst v63  }
0xea: {  	_ =	swait.ge [sflag:s16], $0x4000  }
0xeb: {  	[sflag:s16] =	ssyncset.done $0x0  }
0xec: {  	[sflag:s16] =	ssyncadd.s32 $0xFFFFC000  }
0xed: {  	[tilespmem:s15], [sflag:$0x6] =	stream.linear.gather [spmem:s8], $0x3C00, $0x38;
	[tilespmem:$0x1A800] =	vst v63  }
0xee: {  	_ =	swait.ge [sflag:s16], $0x3C00  }
0xef: {  	[sflag:s16] =	ssyncset.done $0x0  }
0xf0: {  	s23 =	rddreg [dreg:$0x8];
	[sflag:s16] =	ssyncadd.s32 $0xFFFFC400  }
0xf1: {  	[hbm4b:s23+s3] =	stream.linear.scatter [tilespmem:s15], [sflag:$0x6], $0x3C00, $0x38;
	[tilespmem:$0x1A800] =	vst v63  }
0xf2: {  	_ =	swait.ge [sflag:s16], $0x3C00  }
0xf3: {  	s9 =	sadd.s32 $0x1, s9;
	s24 =	rddreg [dreg:$0x3]  }
0xf4: {  	p0 =	sne.s32 s9, s24  }
.Ltmp3:
0xf5: {  	_ = 	snop;
	(pc) =	sbr.rel @p0 .LBB2_1-.Ltmp3, $3  }
0xf6: {  	_ =	sdelay $0x1  }
0xf7: {  	[sflag:s16] =	ssyncset.done $0x0  }
0xf8: {  	[sflag:s16] =	ssyncadd.s32 $0xFFFFC400  }
0xf9: {  	_ =	sfence.sel $0x180000  }
0xfa: {  	[bflag:$0x0] =	sbarrier.arrive $0xFFFF  }
0xfb: {  	_ =	strace $0x90000047  }
0xfc: {  	s0 =	stileid.u32;
	[bflag:$0x2] =	sbarrier.arrive $0xFFFF  }
0xfd: {  	p0 =	sne.s32 s0, $0x0;
	s0 =	rddreg [dreg:$0x2]  }
0xfe: {  	s0 =	sadd.s32 @!p0 $0x100000, s0  }
0xff: {  	[sflag:s0] =	ssyncadd.tile.s32 @!p0 $0x1;
	_ =	shalt  }
.Lfunc_end2:
_tile_overlayer_lowered:
.L_overlay_start_2:
0x100: {  	(tag) =	ssettag $0x2  }
0x101: {  	s0 =	rddreg [dreg:$0x0];
	s2 =	stileid.u32  }
0x102: {  	s1 =	rddreg [dreg:$0x1];
	p0 =	sne.s32 s2, $0x0  }
0x103: {  	s3 =	rddreg [dreg:$0x2];
	[bflag:$0x3] =	sbarrier.arrive $0xFFFF;
	s2 =	simm.s32 @!p0 $0x1C06  }
0x104: {  	[timem:s3], [sflag:s2] =	dma.local @!p0 [hbm:s0], s1  }
0x105: {  	s0 =	simm.s32 @!p0 $0x6  }
0x106: {  	_ =	swait.ge @!p0 [sflag:s0], s1  }
0x107: {  	s1 =	ssub.s32 @!p0 $0x0, s1;
	[sflag:s0] =	ssyncset.done @!p0 $0x0  }
0x108: {  	[sflag:s0] =	ssyncadd.s32 @!p0 s1  }
0x109: {  	[bflag:$0x3] =	sbarrier.arrive $0xFFFF  }
0x10a: {  	_ =	shalt  }

</sc_bundles>
